<compile_context>
chip_gen: v7x
topology: tpu7x:2x2x1
jax: 0.10.2.dev20260603
libtpu: 0.0.44.dev20260713+nightly
codegen_flags: <defaults>
</compile_context>

<pallas_src>
import functools

import jax
import jax.numpy as jnp
from jax import lax
from jax.experimental import pallas as pl
from jax.experimental.pallas import tpu as pltpu
from jax.experimental.pallas import tpu_sc as plsc

NUM_CHARACTERS = 1000000
EMBED_DIM = 16
BATCH = 16384
NUM_STAGES = 64

_TWLOG = 16
_TW = 1 << _TWLOG
_TGRID = -(-NUM_CHARACTERS // _TW)
_TM = _TW // 8
_TMLOG = _TWLOG - 3
_TBLROWS = _TGRID * _TM


def _transpose_body(i_ref, eye_ref, o_ref):
    x = i_ref[...]
    stacked = jnp.concatenate(
        [x[:, h * _TM:(h + 1) * _TM] for h in range(8)], axis=0)
    o_ref[...] = jax.lax.dot_general(
        stacked, eye_ref[...], (((0,), (0,)), ((), ())),
        preferred_element_type=jnp.float32)


def _transpose(embT, eye):
    return pl.pallas_call(
        _transpose_body,
        grid=(_TGRID,),
        in_specs=[
            pl.BlockSpec((EMBED_DIM, _TW), lambda i: (0, i)),
            pl.BlockSpec((128, 128), lambda i: (0, 0)),
        ],
        out_specs=pl.BlockSpec((_TM, 128), lambda i: (i, 0)),
        out_shape=jax.ShapeDtypeStruct((_TBLROWS, 128), jnp.float32),
    )(embT, eye)


_NC = 2
_NS = 16
_NW = _NC * _NS
_B2 = 2 * BATCH
_BPW = _B2 // _NW
_CHUNK = 128
_STAGE = 256
_ROUNDS = _BPW // _STAGE


@functools.partial(
    pl.kernel,
    out_type=jax.ShapeDtypeStruct((2 * EMBED_DIM, BATCH), jnp.float32),
    mesh=plsc.VectorSubcoreMesh(
        core_axis_name="c", subcore_axis_name="s",
        num_cores=_NC, num_subcores=_NS),
    scratch_types=[
        pltpu.VMEM((_BPW,), jnp.int32),
        pltpu.VMEM((_BPW,), jnp.int32),
        pltpu.VMEM((_BPW,), jnp.int32),
        pltpu.VMEM((_STAGE, 128), jnp.float32),
        pltpu.VMEM((_STAGE, 128), jnp.float32),
        pltpu.VMEM((EMBED_DIM, _STAGE), jnp.float32),
        pltpu.VMEM((EMBED_DIM, _STAGE), jnp.float32),
        pltpu.SemaphoreType.DMA,
        pltpu.SemaphoreType.DMA,
    ],
    compiler_params=pltpu.CompilerParams(needs_layout_passes=False),
)
def _sc_gather(pk_hbm, table_hbm, out_hbm, idx_v, row_v, hcol_v,
               rows_a, rows_b, ext_a, ext_b, sem, wsem):
    wid = lax.axis_index("s") * _NC + lax.axis_index("c")
    base = wid * _BPW
    dbase = EMBED_DIM * (wid // 16)
    cbase = (wid % 16) * _BPW
    pltpu.sync_copy(pk_hbm.at[pl.ds(base, _BPW)], idx_v)
    for j in range(_BPW // 16):
        sl = pl.ds(j * 16, 16)
        pk = idx_v[sl]
        row_v[sl] = jnp.bitwise_and(pk, 0x1FFFF)
        hcol_v[sl] = jnp.left_shift(jnp.right_shift(pk, 17), 4)
    gathers, writes = {}, {}
    lane16 = lax.iota(jnp.int32, 16)

    def fire(r):
        buf = rows_a if r % 2 == 0 else rows_b
        return [pltpu.async_copy(
            table_hbm.at[row_v.at[pl.ds(r * _STAGE + j * _CHUNK, _CHUNK)]],
            buf.at[pl.ds(j * _CHUNK, _CHUNK)], sem)
            for j in range(_STAGE // _CHUNK)]

    def extract_and_write(r):
        for c in gathers[r]:
            c.wait()
        buf = rows_a if r % 2 == 0 else rows_b
        ext = ext_a if r % 2 == 0 else ext_b

        def body(k, _):
            rows16 = lane16 + k * 16
            hcol = hcol_v[pl.ds(r * _STAGE + k * 16, 16)]
            for d in range(EMBED_DIM):
                v = plsc.load_gather(buf, [rows16, hcol + d])
                plsc.store_scatter(
                    ext, [jnp.full((16,), d, jnp.int32), rows16], v)
            return 0

        lax.fori_loop(0, _STAGE // 16, body, 0)
        writes[r] = pltpu.async_copy(
            ext,
            out_hbm.at[pl.ds(dbase, EMBED_DIM),
                       pl.ds(cbase + r * _STAGE, _STAGE)], wsem)

    for r in range(_ROUNDS):
        if r - 2 in writes:
            writes[r - 2].wait()
        gathers[r] = fire(r)
        if r - 1 in gathers:
            extract_and_write(r - 1)
    extract_and_write(_ROUNDS - 1)
    writes[_ROUNDS - 2].wait()
    writes[_ROUNDS - 1].wait()


def _mlp_body(g_ref, w1_ref, b1_ref, w2_ref, b2_ref, o_ref):
    z = jax.lax.dot_general(w1_ref[...], g_ref[...], (((0,), (0,)), ((), ())),
                            preferred_element_type=jnp.float32)
    z = jnp.maximum(z + b1_ref[...], 0.0)
    o_ref[...] = (
        jax.lax.dot_general(w2_ref[...], z, (((0,), (0,)), ((), ())),
                            preferred_element_type=jnp.float32)
        + b2_ref[...])


_MLP_BLK = 4096


def _mlp(g, W1, b1, W2, b2):
    return pl.pallas_call(
        _mlp_body,
        grid=(BATCH // _MLP_BLK,),
        in_specs=[
            pl.BlockSpec((2 * EMBED_DIM, _MLP_BLK), lambda i: (0, i)),
            pl.BlockSpec((2 * EMBED_DIM, 64), lambda i: (0, 0)),
            pl.BlockSpec((64, 1), lambda i: (0, 0)),
            pl.BlockSpec((64, NUM_STAGES), lambda i: (0, 0)),
            pl.BlockSpec((NUM_STAGES, 1), lambda i: (0, 0)),
        ],
        out_specs=pl.BlockSpec((NUM_STAGES, _MLP_BLK), lambda i: (0, i)),
        out_shape=jax.ShapeDtypeStruct((NUM_STAGES, BATCH), jnp.float32),
    )(g, W1, b1.reshape(64, 1), W2, b2.reshape(NUM_STAGES, 1))


def kernel(x, emb, W1, b1, W2, b2):
    x = x.astype(jnp.int32)
    idx = jnp.concatenate([x[:, 0], x[:, 1]])
    rows = ((idx >> _TWLOG) << _TMLOG) + (idx & (_TM - 1))
    lane_grp = (idx >> _TMLOG) & 7
    packed = (lane_grp << 17) | rows
    table = _transpose(emb.T, jnp.eye(128, dtype=jnp.float32))
    g = _sc_gather(packed, table)
    out_t = _mlp(g, W1, b1, W2, b2)
    return out_t.T

# --- scband reference (transcript-rebuilt; emitter-appended) ---
"""Pipeline reference for scband-stage-recommender-63393717289221 (READ-ONLY COPY).

The authoritative reference and input builder live on the scoring server;
editing this copy changes nothing except your own understanding.
"""

import jax, jax.numpy as jnp
import numpy as np

NUM_CHARACTERS = 1000000
NUM_STAGES = 64
EMBED_DIM = 16
BATCH = 16384


def setup_inputs(seed: int = 0) -> dict:
    key = jax.random.key(seed)
    k_x, k_emb, k_w1, k_w2 = jax.random.split(key, 4)
    x = jax.random.randint(k_x, (BATCH, 2), 0, NUM_CHARACTERS, dtype=jnp.int64 if jax.config.jax_enable_x64 else jnp.int32)
    emb = jax.random.normal(k_emb, (NUM_CHARACTERS, EMBED_DIM), dtype=jnp.float32) * 0.02
    W1 = jax.random.normal(k_w1, (EMBED_DIM * 2, 64), dtype=jnp.float32) * (1.0 / np.sqrt(EMBED_DIM * 2))
    b1 = jnp.zeros((64,), dtype=jnp.float32)
    W2 = jax.random.normal(k_w2, (64, NUM_STAGES), dtype=jnp.float32) * (1.0 / np.sqrt(64))
    b2 = jnp.zeros((NUM_STAGES,), dtype=jnp.float32)
    return {"x": x, "emb": emb, "W1": W1, "b1": b1, "W2": W2, "b2": b2}


def reference(x, emb, W1, b1, W2, b2):
    winner = x[:, 0]
    loser = x[:, 1]
    winner_embed = jnp.take(emb, winner, axis=0)
    loser_embed = jnp.take(emb, loser, axis=0)
    h = jnp.concatenate([winner_embed, loser_embed], axis=1)
    h = jax.nn.relu(h @ W1 + b1)
    out = h @ W2 + b2
    return out

if __name__ == "__main__":
    import jax
    _d = setup_inputs()
    print(jax.jit(kernel)(*tuple(_d.values())))

</pallas_src>

<mosaic_0001>
#map = affine_map<(d0, d1) -> (0)>
#map1 = affine_map<(d0, d1) -> (0, 0)>
module attributes {stable_mosaic.version = 14 : i64} {
  func.func @_sc_gather(%arg0: i32, %arg1: i32, %arg2: memref<32768xi32, #tpu.memory_space<hbm>>, %arg3: memref<131072x128xf32, #tpu.memory_space<hbm>>, %arg4: memref<32x16384xf32, #tpu.memory_space<hbm>>, %arg5: memref<1024xi32, #tpu.memory_space<vmem>>, %arg6: memref<1024xi32, #tpu.memory_space<vmem>>, %arg7: memref<1024xi32, #tpu.memory_space<vmem>>, %arg8: memref<256x128xf32, #tpu.memory_space<vmem>>, %arg9: memref<256x128xf32, #tpu.memory_space<vmem>>, %arg10: memref<16x256xf32, #tpu.memory_space<vmem>>, %arg11: memref<16x256xf32, #tpu.memory_space<vmem>>, %arg12: memref<!tpu.dma_semaphore, #tpu.memory_space<semaphore_mem>>, %arg13: memref<!tpu.dma_semaphore, #tpu.memory_space<semaphore_mem>>) attributes {dimension_semantics = [#tpu.dimension_semantics<core_parallel>, #tpu.dimension_semantics<subcore_parallel>], iteration_bounds = array<i64: 2, 16>, scalar_prefetch = 0 : i64, scratch_operands = 9 : i64, tpu.core_type = #tpu.core_type<sc_vector_subcore>, window_params = [{transform_indices = #map}, {transform_indices = #map1}, {transform_indices = #map1}]} {
    %mul3A = arith.constant 2 : i32
    %mul3A_0 = arith.muli %arg1, %mul3A : i32
    %add3A = arith.addi %mul3A_0, %arg0 : i32
    %mul3A_1 = arith.constant 1024 : i32
    %mul3A_2 = arith.muli %add3A, %mul3A_1 : i32
    %jit3A = arith.constant 16 : i32
    %div3A = arith.divsi %add3A, %jit3A : i32
    %sign3A = arith.constant 0 : i32
    %sign3A_3 = arith.cmpi sgt, %add3A, %sign3A : i32
    %sign3A_4 = arith.extui %sign3A_3 : i1 to i32
    %sign3A_5 = arith.constant 0 : i32
    %sign3A_6 = arith.cmpi slt, %add3A, %sign3A_5 : i32
    %sign3A_7 = arith.extui %sign3A_6 : i1 to i32
    %sign3A_8 = arith.subi %sign3A_4, %sign3A_7 : i32
    %sign3A_9 = arith.constant 0 : i32
    %sign3A_10 = arith.cmpi sgt, %jit3A, %sign3A_9 : i32
    %sign3A_11 = arith.extui %sign3A_10 : i1 to i32
    %sign3A_12 = arith.constant 0 : i32
    %sign3A_13 = arith.cmpi slt, %jit3A, %sign3A_12 : i32
    %sign3A_14 = arith.extui %sign3A_13 : i1 to i32
    %sign3A_15 = arith.subi %sign3A_11, %sign3A_14 : i32
    %ne3A = arith.cmpi ne, %sign3A_8, %sign3A_15 : i32
    %rem3A = arith.remsi %add3A, %jit3A : i32
    %ne3A_16 = arith.constant 0 : i32
    %ne3A_17 = arith.cmpi ne, %rem3A, %ne3A_16 : i32
    %and3A = arith.andi %ne3A, %ne3A_17 : i1
    %sub3A = arith.constant 1 : i32
    %sub3A_18 = arith.subi %div3A, %sub3A : i32
    %select_n3A = arith.select %and3A, %sub3A_18, %div3A : i32
    %mul3A_19 = arith.constant 16 : i32
    %mul3A_20 = arith.muli %mul3A_19, %select_n3A : i32
    %jit3A_21 = arith.constant 16 : i32
    %eq3A = arith.constant 0 : i32
    %eq3A_22 = arith.cmpi eq, %jit3A_21, %eq3A : i32
    %jit3A_23 = arith.constant 1 : i32
    %select_n3A_24 = arith.select %eq3A_22, %jit3A_23, %jit3A_21 : i32
    %rem3A_25 = arith.remsi %add3A, %select_n3A_24 : i32
    %ne3A_26 = arith.constant 0 : i32
    %ne3A_27 = arith.cmpi ne, %rem3A_25, %ne3A_26 : i32
    %lt3A = arith.constant 0 : i32
    %lt3A_28 = arith.cmpi slt, %rem3A_25, %lt3A : i32
    %lt3A_29 = arith.constant 0 : i32
    %lt3A_30 = arith.cmpi slt, %select_n3A_24, %lt3A_29 : i32
    %ne3A_31 = arith.xori %lt3A_28, %lt3A_30 : i1
    %and3A_32 = arith.andi %ne3A_31, %ne3A_27 : i1
    %add3A_33 = arith.addi %rem3A_25, %select_n3A_24 : i32
    %select_n3A_34 = arith.select %and3A_32, %add3A_33, %rem3A_25 : i32
    %mul3A_35 = arith.constant 1024 : i32
    %mul3A_36 = arith.muli %select_n3A_34, %mul3A_35 : i32
    "tpu.region"() ({
      %run_scoped3A = tpu.sem_alloc : memref<!tpu.dma_semaphore, #tpu.memory_space<semaphore_mem>>
      %dma_start3A_1170 = tpu.memref_slice %arg2[%mul3A_2] : memref<32768xi32, #tpu.memory_space<hbm>> -> memref<1024xi32, #tpu.memory_space<hbm>>
      %dma_start3A_1171 = tpu.memref_slice %arg2[%mul3A_2] : memref<32768xi32, #tpu.memory_space<hbm>> -> memref<1024xi32, #tpu.memory_space<hbm>>
      tpu.enqueue_dma source(%dma_start3A_1171 : memref<1024xi32, #tpu.memory_space<hbm>>) target(%arg5 : memref<1024xi32, #tpu.memory_space<vmem>>) target_semaphore(%run_scoped3A : memref<!tpu.dma_semaphore, #tpu.memory_space<semaphore_mem>>)
      %dma_wait3A_1172 = tpu.memref_slice %arg2[%mul3A_2] : memref<32768xi32, #tpu.memory_space<hbm>> -> memref<1024xi32, #tpu.memory_space<hbm>>
      %dma_wait3A_1173 = tpu.memref_slice %arg2[%mul3A_2] : memref<32768xi32, #tpu.memory_space<hbm>> -> memref<1024xi32, #tpu.memory_space<hbm>>
      tpu.wait_dma2 semaphore(%run_scoped3A : memref<!tpu.dma_semaphore, #tpu.memory_space<semaphore_mem>>) src(%dma_wait3A_1173 : memref<1024xi32, #tpu.memory_space<hbm>>) dst(%arg5 : memref<1024xi32, #tpu.memory_space<vmem>>)
      tpu.yield
    }) : () -> ()
    %get3A = arith.constant 0 : index
    %get3A_37 = tpu.vector_load %arg5[%get3A] {strides = array<i32>} : memref<1024xi32, #tpu.memory_space<vmem>>, vector<16xi32>,
    %and3A_38 = arith.constant 131071 : i32
    %and3A_39 = vector.broadcast %and3A_38 : i32 to vector<16xi32>
    %and3A_40 = arith.andi %get3A_37, %and3A_39 : vector<16xi32>
    %swap3A = arith.constant 0 : index
    %swap3A_41 = tpu.vector_load %arg6[%swap3A] {strides = array<i32>} : memref<1024xi32, #tpu.memory_space<vmem>>, vector<16xi32>,
    tpu.vector_store %arg6[%swap3A], %and3A_40 {strides = array<i32>} : memref<1024xi32, #tpu.memory_space<vmem>>, vector<16xi32>,
    %shift_right_arithmetic3A = arith.constant 17 : i32
    %shift_right_arithmetic3A_42 = vector.broadcast %shift_right_arithmetic3A : i32 to vector<16xi32>
    %shift_right_arithmetic3A_43 = arith.shrsi %get3A_37, %shift_right_arithmetic3A_42 : vector<16xi32>
    %shift_left3A = arith.constant 4 : i32
    %shift_left3A_44 = vector.broadcast %shift_left3A : i32 to vector<16xi32>
    %shift_left3A_45 = arith.shli %shift_right_arithmetic3A_43, %shift_left3A_44 : vector<16xi32>
    %swap3A_46 = arith.constant 0 : index
    %swap3A_47 = tpu.vector_load %arg7[%swap3A_46] {strides = array<i32>} : memref<1024xi32, #tpu.memory_space<vmem>>, vector<16xi32>,
    tpu.vector_store %arg7[%swap3A_46], %shift_left3A_45 {strides = array<i32>} : memref<1024xi32, #tpu.memory_space<vmem>>, vector<16xi32>,
    %get3A_48 = arith.constant 16 : index
    %get3A_49 = tpu.vector_load %arg5[%get3A_48] {strides = array<i32>} : memref<1024xi32, #tpu.memory_space<vmem>>, vector<16xi32>,
    %and3A_50 = arith.constant 131071 : i32
    %and3A_51 = vector.broadcast %and3A_50 : i32 to vector<16xi32>
    %and3A_52 = arith.andi %get3A_49, %and3A_51 : vector<16xi32>
    %swap3A_53 = arith.constant 16 : index
    %swap3A_54 = tpu.vector_load %arg6[%swap3A_53] {strides = array<i32>} : memref<1024xi32, #tpu.memory_space<vmem>>, vector<16xi32>,
    tpu.vector_store %arg6[%swap3A_53], %and3A_52 {strides = array<i32>} : memref<1024xi32, #tpu.memory_space<vmem>>, vector<16xi32>,
    %shift_right_arithmetic3A_55 = arith.constant 17 : i32
    %shift_right_arithmetic3A_56 = vector.broadcast %shift_right_arithmetic3A_55 : i32 to vector<16xi32>
    %shift_right_arithmetic3A_57 = arith.shrsi %get3A_49, %shift_right_arithmetic3A_56 : vector<16xi32>
    %shift_left3A_58 = arith.constant 4 : i32
    %shift_left3A_59 = vector.broadcast %shift_left3A_58 : i32 to vector<16xi32>
    %shift_left3A_60 = arith.shli %shift_right_arithmetic3A_57, %shift_left3A_59 : vector<16xi32>
    %swap3A_61 = arith.constant 16 : index
    %swap3A_62 = tpu.vector_load %arg7[%swap3A_61] {strides = array<i32>} : memref<1024xi32, #tpu.memory_space<vmem>>, vector<16xi32>,
    tpu.vector_store %arg7[%swap3A_61], %shift_left3A_60 {strides = array<i32>} : memref<1024xi32, #tpu.memory_space<vmem>>, vector<16xi32>,
    %get3A_63 = arith.constant 32 : index
    %get3A_64 = tpu.vector_load %arg5[%get3A_63] {strides = array<i32>} : memref<1024xi32, #tpu.memory_space<vmem>>, vector<16xi32>,
    %and3A_65 = arith.constant 131071 : i32
    %and3A_66 = vector.broadcast %and3A_65 : i32 to vector<16xi32>
    %and3A_67 = arith.andi %get3A_64, %and3A_66 : vector<16xi32>
    %swap3A_68 = arith.constant 32 : index
    %swap3A_69 = tpu.vector_load %arg6[%swap3A_68] {strides = array<i32>} : memref<1024xi32, #tpu.memory_space<vmem>>, vector<16xi32>,
    tpu.vector_store %arg6[%swap3A_68], %and3A_67 {strides = array<i32>} : memref<1024xi32, #tpu.memory_space<vmem>>, vector<16xi32>,
    %shift_right_arithmetic3A_70 = arith.constant 17 : i32
    %shift_right_arithmetic3A_71 = vector.broadcast %shift_right_arithmetic3A_70 : i32 to vector<16xi32>
    %shift_right_arithmetic3A_72 = arith.shrsi %get3A_64, %shift_right_arithmetic3A_71 : vector<16xi32>
    %shift_left3A_73 = arith.constant 4 : i32
    %shift_left3A_74 = vector.broadcast %shift_left3A_73 : i32 to vector<16xi32>
    %shift_left3A_75 = arith.shli %shift_right_arithmetic3A_72, %shift_left3A_74 : vector<16xi32>
    %swap3A_76 = arith.constant 32 : index
    %swap3A_77 = tpu.vector_load %arg7[%swap3A_76] {strides = array<i32>} : memref<1024xi32, #tpu.memory_space<vmem>>, vector<16xi32>,
    tpu.vector_store %arg7[%swap3A_76], %shift_left3A_75 {strides = array<i32>} : memref<1024xi32, #tpu.memory_space<vmem>>, vector<16xi32>,
    %get3A_78 = arith.constant 48 : index
    %get3A_79 = tpu.vector_load %arg5[%get3A_78] {strides = array<i32>} : memref<1024xi32, #tpu.memory_space<vmem>>, vector<16xi32>,
    %and3A_80 = arith.constant 131071 : i32
    %and3A_81 = vector.broadcast %and3A_80 : i32 to vector<16xi32>
    %and3A_82 = arith.andi %get3A_79, %and3A_81 : vector<16xi32>
    %swap3A_83 = arith.constant 48 : index
    %swap3A_84 = tpu.vector_load %arg6[%swap3A_83] {strides = array<i32>} : memref<1024xi32, #tpu.memory_space<vmem>>, vector<16xi32>,
    tpu.vector_store %arg6[%swap3A_83], %and3A_82 {strides = array<i32>} : memref<1024xi32, #tpu.memory_space<vmem>>, vector<16xi32>,
    %shift_right_arithmetic3A_85 = arith.constant 17 : i32
    %shift_right_arithmetic3A_86 = vector.broadcast %shift_right_arithmetic3A_85 : i32 to vector<16xi32>
    %shift_right_arithmetic3A_87 = arith.shrsi %get3A_79, %shift_right_arithmetic3A_86 : vector<16xi32>
    %shift_left3A_88 = arith.constant 4 : i32
    %shift_left3A_89 = vector.broadcast %shift_left3A_88 : i32 to vector<16xi32>
    %shift_left3A_90 = arith.shli %shift_right_arithmetic3A_87, %shift_left3A_89 : vector<16xi32>
    %swap3A_91 = arith.constant 48 : index
    %swap3A_92 = tpu.vector_load %arg7[%swap3A_91] {strides = array<i32>} : memref<1024xi32, #tpu.memory_space<vmem>>, vector<16xi32>,
    tpu.vector_store %arg7[%swap3A_91], %shift_left3A_90 {strides = array<i32>} : memref<1024xi32, #tpu.memory_space<vmem>>, vector<16xi32>,
    %get3A_93 = arith.constant 64 : index
    %get3A_94 = tpu.vector_load %arg5[%get3A_93] {strides = array<i32>} : memref<1024xi32, #tpu.memory_space<vmem>>, vector<16xi32>,
    %and3A_95 = arith.constant 131071 : i32
    %and3A_96 = vector.broadcast %and3A_95 : i32 to vector<16xi32>
    %and3A_97 = arith.andi %get3A_94, %and3A_96 : vector<16xi32>
    %swap3A_98 = arith.constant 64 : index
    %swap3A_99 = tpu.vector_load %arg6[%swap3A_98] {strides = array<i32>} : memref<1024xi32, #tpu.memory_space<vmem>>, vector<16xi32>,
    tpu.vector_store %arg6[%swap3A_98], %and3A_97 {strides = array<i32>} : memref<1024xi32, #tpu.memory_space<vmem>>, vector<16xi32>,
    %shift_right_arithmetic3A_100 = arith.constant 17 : i32
    %shift_right_arithmetic3A_101 = vector.broadcast %shift_right_arithmetic3A_100 : i32 to vector<16xi32>
    %shift_right_arithmetic3A_102 = arith.shrsi %get3A_94, %shift_right_arithmetic3A_101 : vector<16xi32>
    %shift_left3A_103 = arith.constant 4 : i32
    %shift_left3A_104 = vector.broadcast %shift_left3A_103 : i32 to vector<16xi32>
    %shift_left3A_105 = arith.shli %shift_right_arithmetic3A_102, %shift_left3A_104 : vector<16xi32>
    %swap3A_106 = arith.constant 64 : index
    %swap3A_107 = tpu.vector_load %arg7[%swap3A_106] {strides = array<i32>} : memref<1024xi32, #tpu.memory_space<vmem>>, vector<16xi32>,
    tpu.vector_store %arg7[%swap3A_106], %shift_left3A_105 {strides = array<i32>} : memref<1024xi32, #tpu.memory_space<vmem>>, vector<16xi32>,
    %get3A_108 = arith.constant 80 : index
    %get3A_109 = tpu.vector_load %arg5[%get3A_108] {strides = array<i32>} : memref<1024xi32, #tpu.memory_space<vmem>>, vector<16xi32>,
    %and3A_110 = arith.constant 131071 : i32
    %and3A_111 = vector.broadcast %and3A_110 : i32 to vector<16xi32>
    %and3A_112 = arith.andi %get3A_109, %and3A_111 : vector<16xi32>
    %swap3A_113 = arith.constant 80 : index
    %swap3A_114 = tpu.vector_load %arg6[%swap3A_113] {strides = array<i32>} : memref<1024xi32, #tpu.memory_space<vmem>>, vector<16xi32>,
    tpu.vector_store %arg6[%swap3A_113], %and3A_112 {strides = array<i32>} : memref<1024xi32, #tpu.memory_space<vmem>>, vector<16xi32>,
    %shift_right_arithmetic3A_115 = arith.constant 17 : i32
    %shift_right_arithmetic3A_116 = vector.broadcast %shift_right_arithmetic3A_115 : i32 to vector<16xi32>
    %shift_right_arithmetic3A_117 = arith.shrsi %get3A_109, %shift_right_arithmetic3A_116 : vector<16xi32>
    %shift_left3A_118 = arith.constant 4 : i32
    %shift_left3A_119 = vector.broadcast %shift_left3A_118 : i32 to vector<16xi32>
    %shift_left3A_120 = arith.shli %shift_right_arithmetic3A_117, %shift_left3A_119 : vector<16xi32>
    %swap3A_121 = arith.constant 80 : index
    %swap3A_122 = tpu.vector_load %arg7[%swap3A_121] {strides = array<i32>} : memref<1024xi32, #tpu.memory_space<vmem>>, vector<16xi32>,
    tpu.vector_store %arg7[%swap3A_121], %shift_left3A_120 {strides = array<i32>} : memref<1024xi32, #tpu.memory_space<vmem>>, vector<16xi32>,
    %get3A_123 = arith.constant 96 : index
    %get3A_124 = tpu.vector_load %arg5[%get3A_123] {strides = array<i32>} : memref<1024xi32, #tpu.memory_space<vmem>>, vector<16xi32>,
    %and3A_125 = arith.constant 131071 : i32
    %and3A_126 = vector.broadcast %and3A_125 : i32 to vector<16xi32>
    %and3A_127 = arith.andi %get3A_124, %and3A_126 : vector<16xi32>
    %swap3A_128 = arith.constant 96 : index
    %swap3A_129 = tpu.vector_load %arg6[%swap3A_128] {strides = array<i32>} : memref<1024xi32, #tpu.memory_space<vmem>>, vector<16xi32>,
    tpu.vector_store %arg6[%swap3A_128], %and3A_127 {strides = array<i32>} : memref<1024xi32, #tpu.memory_space<vmem>>, vector<16xi32>,
    %shift_right_arithmetic3A_130 = arith.constant 17 : i32
    %shift_right_arithmetic3A_131 = vector.broadcast %shift_right_arithmetic3A_130 : i32 to vector<16xi32>
    %shift_right_arithmetic3A_132 = arith.shrsi %get3A_124, %shift_right_arithmetic3A_131 : vector<16xi32>
    %shift_left3A_133 = arith.constant 4 : i32
    %shift_left3A_134 = vector.broadcast %shift_left3A_133 : i32 to vector<16xi32>
    %shift_left3A_135 = arith.shli %shift_right_arithmetic3A_132, %shift_left3A_134 : vector<16xi32>
    %swap3A_136 = arith.constant 96 : index
    %swap3A_137 = tpu.vector_load %arg7[%swap3A_136] {strides = array<i32>} : memref<1024xi32, #tpu.memory_space<vmem>>, vector<16xi32>,
    tpu.vector_store %arg7[%swap3A_136], %shift_left3A_135 {strides = array<i32>} : memref<1024xi32, #tpu.memory_space<vmem>>, vector<16xi32>,
    %get3A_138 = arith.constant 112 : index
    %get3A_139 = tpu.vector_load %arg5[%get3A_138] {strides = array<i32>} : memref<1024xi32, #tpu.memory_space<vmem>>, vector<16xi32>,
    %and3A_140 = arith.constant 131071 : i32
    %and3A_141 = vector.broadcast %and3A_140 : i32 to vector<16xi32>
    %and3A_142 = arith.andi %get3A_139, %and3A_141 : vector<16xi32>
    %swap3A_143 = arith.constant 112 : index
    %swap3A_144 = tpu.vector_load %arg6[%swap3A_143] {strides = array<i32>} : memref<1024xi32, #tpu.memory_space<vmem>>, vector<16xi32>,
    tpu.vector_store %arg6[%swap3A_143], %and3A_142 {strides = array<i32>} : memref<1024xi32, #tpu.memory_space<vmem>>, vector<16xi32>,
    %shift_right_arithmetic3A_145 = arith.constant 17 : i32
    %shift_right_arithmetic3A_146 = vector.broadcast %shift_right_arithmetic3A_145 : i32 to vector<16xi32>
    %shift_right_arithmetic3A_147 = arith.shrsi %get3A_139, %shift_right_arithmetic3A_146 : vector<16xi32>
    %shift_left3A_148 = arith.constant 4 : i32
    %shift_left3A_149 = vector.broadcast %shift_left3A_148 : i32 to vector<16xi32>
    %shift_left3A_150 = arith.shli %shift_right_arithmetic3A_147, %shift_left3A_149 : vector<16xi32>
    %swap3A_151 = arith.constant 112 : index
    %swap3A_152 = tpu.vector_load %arg7[%swap3A_151] {strides = array<i32>} : memref<1024xi32, #tpu.memory_space<vmem>>, vector<16xi32>,
    tpu.vector_store %arg7[%swap3A_151], %shift_left3A_150 {strides = array<i32>} : memref<1024xi32, #tpu.memory_space<vmem>>, vector<16xi32>,
    %get3A_153 = arith.constant 128 : index
    %get3A_154 = tpu.vector_load %arg5[%get3A_153] {strides = array<i32>} : memref<1024xi32, #tpu.memory_space<vmem>>, vector<16xi32>,
    %and3A_155 = arith.constant 131071 : i32
    %and3A_156 = vector.broadcast %and3A_155 : i32 to vector<16xi32>
    %and3A_157 = arith.andi %get3A_154, %and3A_156 : vector<16xi32>
    %swap3A_158 = arith.constant 128 : index
    %swap3A_159 = tpu.vector_load %arg6[%swap3A_158] {strides = array<i32>} : memref<1024xi32, #tpu.memory_space<vmem>>, vector<16xi32>,
    tpu.vector_store %arg6[%swap3A_158], %and3A_157 {strides = array<i32>} : memref<1024xi32, #tpu.memory_space<vmem>>, vector<16xi32>,
    %shift_right_arithmetic3A_160 = arith.constant 17 : i32
    %shift_right_arithmetic3A_161 = vector.broadcast %shift_right_arithmetic3A_160 : i32 to vector<16xi32>
    %shift_right_arithmetic3A_162 = arith.shrsi %get3A_154, %shift_right_arithmetic3A_161 : vector<16xi32>
    %shift_left3A_163 = arith.constant 4 : i32
    %shift_left3A_164 = vector.broadcast %shift_left3A_163 : i32 to vector<16xi32>
    %shift_left3A_165 = arith.shli %shift_right_arithmetic3A_162, %shift_left3A_164 : vector<16xi32>
    %swap3A_166 = arith.constant 128 : index
    %swap3A_167 = tpu.vector_load %arg7[%swap3A_166] {strides = array<i32>} : memref<1024xi32, #tpu.memory_space<vmem>>, vector<16xi32>,
    tpu.vector_store %arg7[%swap3A_166], %shift_left3A_165 {strides = array<i32>} : memref<1024xi32, #tpu.memory_space<vmem>>, vector<16xi32>,
    %get3A_168 = arith.constant 144 : index
    %get3A_169 = tpu.vector_load %arg5[%get3A_168] {strides = array<i32>} : memref<1024xi32, #tpu.memory_space<vmem>>, vector<16xi32>,
    %and3A_170 = arith.constant 131071 : i32
    %and3A_171 = vector.broadcast %and3A_170 : i32 to vector<16xi32>
    %and3A_172 = arith.andi %get3A_169, %and3A_171 : vector<16xi32>
    %swap3A_173 = arith.constant 144 : index
    %swap3A_174 = tpu.vector_load %arg6[%swap3A_173] {strides = array<i32>} : memref<1024xi32, #tpu.memory_space<vmem>>, vector<16xi32>,
    tpu.vector_store %arg6[%swap3A_173], %and3A_172 {strides = array<i32>} : memref<1024xi32, #tpu.memory_space<vmem>>, vector<16xi32>,
    %shift_right_arithmetic3A_175 = arith.constant 17 : i32
    %shift_right_arithmetic3A_176 = vector.broadcast %shift_right_arithmetic3A_175 : i32 to vector<16xi32>
    %shift_right_arithmetic3A_177 = arith.shrsi %get3A_169, %shift_right_arithmetic3A_176 : vector<16xi32>
    %shift_left3A_178 = arith.constant 4 : i32
    %shift_left3A_179 = vector.broadcast %shift_left3A_178 : i32 to vector<16xi32>
    %shift_left3A_180 = arith.shli %shift_right_arithmetic3A_177, %shift_left3A_179 : vector<16xi32>
    %swap3A_181 = arith.constant 144 : index
    %swap3A_182 = tpu.vector_load %arg7[%swap3A_181] {strides = array<i32>} : memref<1024xi32, #tpu.memory_space<vmem>>, vector<16xi32>,
    tpu.vector_store %arg7[%swap3A_181], %shift_left3A_180 {strides = array<i32>} : memref<1024xi32, #tpu.memory_space<vmem>>, vector<16xi32>,
    %get3A_183 = arith.constant 160 : index
    %get3A_184 = tpu.vector_load %arg5[%get3A_183] {strides = array<i32>} : memref<1024xi32, #tpu.memory_space<vmem>>, vector<16xi32>,
    %and3A_185 = arith.constant 131071 : i32
    %and3A_186 = vector.broadcast %and3A_185 : i32 to vector<16xi32>
    %and3A_187 = arith.andi %get3A_184, %and3A_186 : vector<16xi32>
    %swap3A_188 = arith.constant 160 : index
    %swap3A_189 = tpu.vector_load %arg6[%swap3A_188] {strides = array<i32>} : memref<1024xi32, #tpu.memory_space<vmem>>, vector<16xi32>,
    tpu.vector_store %arg6[%swap3A_188], %and3A_187 {strides = array<i32>} : memref<1024xi32, #tpu.memory_space<vmem>>, vector<16xi32>,
    %shift_right_arithmetic3A_190 = arith.constant 17 : i32
    %shift_right_arithmetic3A_191 = vector.broadcast %shift_right_arithmetic3A_190 : i32 to vector<16xi32>
    %shift_right_arithmetic3A_192 = arith.shrsi %get3A_184, %shift_right_arithmetic3A_191 : vector<16xi32>
    %shift_left3A_193 = arith.constant 4 : i32
    %shift_left3A_194 = vector.broadcast %shift_left3A_193 : i32 to vector<16xi32>
    %shift_left3A_195 = arith.shli %shift_right_arithmetic3A_192, %shift_left3A_194 : vector<16xi32>
    %swap3A_196 = arith.constant 160 : index
    %swap3A_197 = tpu.vector_load %arg7[%swap3A_196] {strides = array<i32>} : memref<1024xi32, #tpu.memory_space<vmem>>, vector<16xi32>,
    tpu.vector_store %arg7[%swap3A_196], %shift_left3A_195 {strides = array<i32>} : memref<1024xi32, #tpu.memory_space<vmem>>, vector<16xi32>,
    %get3A_198 = arith.constant 176 : index
    %get3A_199 = tpu.vector_load %arg5[%get3A_198] {strides = array<i32>} : memref<1024xi32, #tpu.memory_space<vmem>>, vector<16xi32>,
    %and3A_200 = arith.constant 131071 : i32
    %and3A_201 = vector.broadcast %and3A_200 : i32 to vector<16xi32>
    %and3A_202 = arith.andi %get3A_199, %and3A_201 : vector<16xi32>
    %swap3A_203 = arith.constant 176 : index
    %swap3A_204 = tpu.vector_load %arg6[%swap3A_203] {strides = array<i32>} : memref<1024xi32, #tpu.memory_space<vmem>>, vector<16xi32>,
    tpu.vector_store %arg6[%swap3A_203], %and3A_202 {strides = array<i32>} : memref<1024xi32, #tpu.memory_space<vmem>>, vector<16xi32>,
    %shift_right_arithmetic3A_205 = arith.constant 17 : i32
    %shift_right_arithmetic3A_206 = vector.broadcast %shift_right_arithmetic3A_205 : i32 to vector<16xi32>
    %shift_right_arithmetic3A_207 = arith.shrsi %get3A_199, %shift_right_arithmetic3A_206 : vector<16xi32>
    %shift_left3A_208 = arith.constant 4 : i32
    %shift_left3A_209 = vector.broadcast %shift_left3A_208 : i32 to vector<16xi32>
    %shift_left3A_210 = arith.shli %shift_right_arithmetic3A_207, %shift_left3A_209 : vector<16xi32>
    %swap3A_211 = arith.constant 176 : index
    %swap3A_212 = tpu.vector_load %arg7[%swap3A_211] {strides = array<i32>} : memref<1024xi32, #tpu.memory_space<vmem>>, vector<16xi32>,
    tpu.vector_store %arg7[%swap3A_211], %shift_left3A_210 {strides = array<i32>} : memref<1024xi32, #tpu.memory_space<vmem>>, vector<16xi32>,
    %get3A_213 = arith.constant 192 : index
    %get3A_214 = tpu.vector_load %arg5[%get3A_213] {strides = array<i32>} : memref<1024xi32, #tpu.memory_space<vmem>>, vector<16xi32>,
    %and3A_215 = arith.constant 131071 : i32
    %and3A_216 = vector.broadcast %and3A_215 : i32 to vector<16xi32>
    %and3A_217 = arith.andi %get3A_214, %and3A_216 : vector<16xi32>
    %swap3A_218 = arith.constant 192 : index
    %swap3A_219 = tpu.vector_load %arg6[%swap3A_218] {strides = array<i32>} : memref<1024xi32, #tpu.memory_space<vmem>>, vector<16xi32>,
    tpu.vector_store %arg6[%swap3A_218], %and3A_217 {strides = array<i32>} : memref<1024xi32, #tpu.memory_space<vmem>>, vector<16xi32>,
    %shift_right_arithmetic3A_220 = arith.constant 17 : i32
    %shift_right_arithmetic3A_221 = vector.broadcast %shift_right_arithmetic3A_220 : i32 to vector<16xi32>
    %shift_right_arithmetic3A_222 = arith.shrsi %get3A_214, %shift_right_arithmetic3A_221 : vector<16xi32>
    %shift_left3A_223 = arith.constant 4 : i32
    %shift_left3A_224 = vector.broadcast %shift_left3A_223 : i32 to vector<16xi32>
    %shift_left3A_225 = arith.shli %shift_right_arithmetic3A_222, %shift_left3A_224 : vector<16xi32>
    %swap3A_226 = arith.constant 192 : index
    %swap3A_227 = tpu.vector_load %arg7[%swap3A_226] {strides = array<i32>} : memref<1024xi32, #tpu.memory_space<vmem>>, vector<16xi32>,
    tpu.vector_store %arg7[%swap3A_226], %shift_left3A_225 {strides = array<i32>} : memref<1024xi32, #tpu.memory_space<vmem>>, vector<16xi32>,
    %get3A_228 = arith.constant 208 : index
    %get3A_229 = tpu.vector_load %arg5[%get3A_228] {strides = array<i32>} : memref<1024xi32, #tpu.memory_space<vmem>>, vector<16xi32>,
    %and3A_230 = arith.constant 131071 : i32
    %and3A_231 = vector.broadcast %and3A_230 : i32 to vector<16xi32>
    %and3A_232 = arith.andi %get3A_229, %and3A_231 : vector<16xi32>
    %swap3A_233 = arith.constant 208 : index
    %swap3A_234 = tpu.vector_load %arg6[%swap3A_233] {strides = array<i32>} : memref<1024xi32, #tpu.memory_space<vmem>>, vector<16xi32>,
    tpu.vector_store %arg6[%swap3A_233], %and3A_232 {strides = array<i32>} : memref<1024xi32, #tpu.memory_space<vmem>>, vector<16xi32>,
    %shift_right_arithmetic3A_235 = arith.constant 17 : i32
    %shift_right_arithmetic3A_236 = vector.broadcast %shift_right_arithmetic3A_235 : i32 to vector<16xi32>
    %shift_right_arithmetic3A_237 = arith.shrsi %get3A_229, %shift_right_arithmetic3A_236 : vector<16xi32>
    %shift_left3A_238 = arith.constant 4 : i32
    %shift_left3A_239 = vector.broadcast %shift_left3A_238 : i32 to vector<16xi32>
    %shift_left3A_240 = arith.shli %shift_right_arithmetic3A_237, %shift_left3A_239 : vector<16xi32>
    %swap3A_241 = arith.constant 208 : index
    %swap3A_242 = tpu.vector_load %arg7[%swap3A_241] {strides = array<i32>} : memref<1024xi32, #tpu.memory_space<vmem>>, vector<16xi32>,
    tpu.vector_store %arg7[%swap3A_241], %shift_left3A_240 {strides = array<i32>} : memref<1024xi32, #tpu.memory_space<vmem>>, vector<16xi32>,
    %get3A_243 = arith.constant 224 : index
    %get3A_244 = tpu.vector_load %arg5[%get3A_243] {strides = array<i32>} : memref<1024xi32, #tpu.memory_space<vmem>>, vector<16xi32>,
    %and3A_245 = arith.constant 131071 : i32
    %and3A_246 = vector.broadcast %and3A_245 : i32 to vector<16xi32>
    %and3A_247 = arith.andi %get3A_244, %and3A_246 : vector<16xi32>
    %swap3A_248 = arith.constant 224 : index
    %swap3A_249 = tpu.vector_load %arg6[%swap3A_248] {strides = array<i32>} : memref<1024xi32, #tpu.memory_space<vmem>>, vector<16xi32>,
    tpu.vector_store %arg6[%swap3A_248], %and3A_247 {strides = array<i32>} : memref<1024xi32, #tpu.memory_space<vmem>>, vector<16xi32>,
    %shift_right_arithmetic3A_250 = arith.constant 17 : i32
    %shift_right_arithmetic3A_251 = vector.broadcast %shift_right_arithmetic3A_250 : i32 to vector<16xi32>
    %shift_right_arithmetic3A_252 = arith.shrsi %get3A_244, %shift_right_arithmetic3A_251 : vector<16xi32>
    %shift_left3A_253 = arith.constant 4 : i32
    %shift_left3A_254 = vector.broadcast %shift_left3A_253 : i32 to vector<16xi32>
    %shift_left3A_255 = arith.shli %shift_right_arithmetic3A_252, %shift_left3A_254 : vector<16xi32>
    %swap3A_256 = arith.constant 224 : index
    %swap3A_257 = tpu.vector_load %arg7[%swap3A_256] {strides = array<i32>} : memref<1024xi32, #tpu.memory_space<vmem>>, vector<16xi32>,
    tpu.vector_store %arg7[%swap3A_256], %shift_left3A_255 {strides = array<i32>} : memref<1024xi32, #tpu.memory_space<vmem>>, vector<16xi32>,
    %get3A_258 = arith.constant 240 : index
    %get3A_259 = tpu.vector_load %arg5[%get3A_258] {strides = array<i32>} : memref<1024xi32, #tpu.memory_space<vmem>>, vector<16xi32>,
    %and3A_260 = arith.constant 131071 : i32
    %and3A_261 = vector.broadcast %and3A_260 : i32 to vector<16xi32>
    %and3A_262 = arith.andi %get3A_259, %and3A_261 : vector<16xi32>
    %swap3A_263 = arith.constant 240 : index
    %swap3A_264 = tpu.vector_load %arg6[%swap3A_263] {strides = array<i32>} : memref<1024xi32, #tpu.memory_space<vmem>>, vector<16xi32>,
    tpu.vector_store %arg6[%swap3A_263], %and3A_262 {strides = array<i32>} : memref<1024xi32, #tpu.memory_space<vmem>>, vector<16xi32>,
    %shift_right_arithmetic3A_265 = arith.constant 17 : i32
    %shift_right_arithmetic3A_266 = vector.broadcast %shift_right_arithmetic3A_265 : i32 to vector<16xi32>
    %shift_right_arithmetic3A_267 = arith.shrsi %get3A_259, %shift_right_arithmetic3A_266 : vector<16xi32>
    %shift_left3A_268 = arith.constant 4 : i32
    %shift_left3A_269 = vector.broadcast %shift_left3A_268 : i32 to vector<16xi32>
    %shift_left3A_270 = arith.shli %shift_right_arithmetic3A_267, %shift_left3A_269 : vector<16xi32>
    %swap3A_271 = arith.constant 240 : index
    %swap3A_272 = tpu.vector_load %arg7[%swap3A_271] {strides = array<i32>} : memref<1024xi32, #tpu.memory_space<vmem>>, vector<16xi32>,
    tpu.vector_store %arg7[%swap3A_271], %shift_left3A_270 {strides = array<i32>} : memref<1024xi32, #tpu.memory_space<vmem>>, vector<16xi32>,
    %get3A_273 = arith.constant 256 : index
    %get3A_274 = tpu.vector_load %arg5[%get3A_273] {strides = array<i32>} : memref<1024xi32, #tpu.memory_space<vmem>>, vector<16xi32>,
    %and3A_275 = arith.constant 131071 : i32
    %and3A_276 = vector.broadcast %and3A_275 : i32 to vector<16xi32>
    %and3A_277 = arith.andi %get3A_274, %and3A_276 : vector<16xi32>
    %swap3A_278 = arith.constant 256 : index
    %swap3A_279 = tpu.vector_load %arg6[%swap3A_278] {strides = array<i32>} : memref<1024xi32, #tpu.memory_space<vmem>>, vector<16xi32>,
    tpu.vector_store %arg6[%swap3A_278], %and3A_277 {strides = array<i32>} : memref<1024xi32, #tpu.memory_space<vmem>>, vector<16xi32>,
    %shift_right_arithmetic3A_280 = arith.constant 17 : i32
    %shift_right_arithmetic3A_281 = vector.broadcast %shift_right_arithmetic3A_280 : i32 to vector<16xi32>
    %shift_right_arithmetic3A_282 = arith.shrsi %get3A_274, %shift_right_arithmetic3A_281 : vector<16xi32>
    %shift_left3A_283 = arith.constant 4 : i32
    %shift_left3A_284 = vector.broadcast %shift_left3A_283 : i32 to vector<16xi32>
    %shift_left3A_285 = arith.shli %shift_right_arithmetic3A_282, %shift_left3A_284 : vector<16xi32>
    %swap3A_286 = arith.constant 256 : index
    %swap3A_287 = tpu.vector_load %arg7[%swap3A_286] {strides = array<i32>} : memref<1024xi32, #tpu.memory_space<vmem>>, vector<16xi32>,
    tpu.vector_store %arg7[%swap3A_286], %shift_left3A_285 {strides = array<i32>} : memref<1024xi32, #tpu.memory_space<vmem>>, vector<16xi32>,
    %get3A_288 = arith.constant 272 : index
    %get3A_289 = tpu.vector_load %arg5[%get3A_288] {strides = array<i32>} : memref<1024xi32, #tpu.memory_space<vmem>>, vector<16xi32>,
    %and3A_290 = arith.constant 131071 : i32
    %and3A_291 = vector.broadcast %and3A_290 : i32 to vector<16xi32>
    %and3A_292 = arith.andi %get3A_289, %and3A_291 : vector<16xi32>
    %swap3A_293 = arith.constant 272 : index
    %swap3A_294 = tpu.vector_load %arg6[%swap3A_293] {strides = array<i32>} : memref<1024xi32, #tpu.memory_space<vmem>>, vector<16xi32>,
    tpu.vector_store %arg6[%swap3A_293], %and3A_292 {strides = array<i32>} : memref<1024xi32, #tpu.memory_space<vmem>>, vector<16xi32>,
    %shift_right_arithmetic3A_295 = arith.constant 17 : i32
    %shift_right_arithmetic3A_296 = vector.broadcast %shift_right_arithmetic3A_295 : i32 to vector<16xi32>
    %shift_right_arithmetic3A_297 = arith.shrsi %get3A_289, %shift_right_arithmetic3A_296 : vector<16xi32>
    %shift_left3A_298 = arith.constant 4 : i32
    %shift_left3A_299 = vector.broadcast %shift_left3A_298 : i32 to vector<16xi32>
    %shift_left3A_300 = arith.shli %shift_right_arithmetic3A_297, %shift_left3A_299 : vector<16xi32>
    %swap3A_301 = arith.constant 272 : index
    %swap3A_302 = tpu.vector_load %arg7[%swap3A_301] {strides = array<i32>} : memref<1024xi32, #tpu.memory_space<vmem>>, vector<16xi32>,
    tpu.vector_store %arg7[%swap3A_301], %shift_left3A_300 {strides = array<i32>} : memref<1024xi32, #tpu.memory_space<vmem>>, vector<16xi32>,
    %get3A_303 = arith.constant 288 : index
    %get3A_304 = tpu.vector_load %arg5[%get3A_303] {strides = array<i32>} : memref<1024xi32, #tpu.memory_space<vmem>>, vector<16xi32>,
    %and3A_305 = arith.constant 131071 : i32
    %and3A_306 = vector.broadcast %and3A_305 : i32 to vector<16xi32>
    %and3A_307 = arith.andi %get3A_304, %and3A_306 : vector<16xi32>
    %swap3A_308 = arith.constant 288 : index
    %swap3A_309 = tpu.vector_load %arg6[%swap3A_308] {strides = array<i32>} : memref<1024xi32, #tpu.memory_space<vmem>>, vector<16xi32>,
    tpu.vector_store %arg6[%swap3A_308], %and3A_307 {strides = array<i32>} : memref<1024xi32, #tpu.memory_space<vmem>>, vector<16xi32>,
    %shift_right_arithmetic3A_310 = arith.constant 17 : i32
    %shift_right_arithmetic3A_311 = vector.broadcast %shift_right_arithmetic3A_310 : i32 to vector<16xi32>
    %shift_right_arithmetic3A_312 = arith.shrsi %get3A_304, %shift_right_arithmetic3A_311 : vector<16xi32>
    %shift_left3A_313 = arith.constant 4 : i32
    %shift_left3A_314 = vector.broadcast %shift_left3A_313 : i32 to vector<16xi32>
    %shift_left3A_315 = arith.shli %shift_right_arithmetic3A_312, %shift_left3A_314 : vector<16xi32>
    %swap3A_316 = arith.constant 288 : index
    %swap3A_317 = tpu.vector_load %arg7[%swap3A_316] {strides = array<i32>} : memref<1024xi32, #tpu.memory_space<vmem>>, vector<16xi32>,
    tpu.vector_store %arg7[%swap3A_316], %shift_left3A_315 {strides = array<i32>} : memref<1024xi32, #tpu.memory_space<vmem>>, vector<16xi32>,
    %get3A_318 = arith.constant 304 : index
    %get3A_319 = tpu.vector_load %arg5[%get3A_318] {strides = array<i32>} : memref<1024xi32, #tpu.memory_space<vmem>>, vector<16xi32>,
    %and3A_320 = arith.constant 131071 : i32
    %and3A_321 = vector.broadcast %and3A_320 : i32 to vector<16xi32>
    %and3A_322 = arith.andi %get3A_319, %and3A_321 : vector<16xi32>
    %swap3A_323 = arith.constant 304 : index
    %swap3A_324 = tpu.vector_load %arg6[%swap3A_323] {strides = array<i32>} : memref<1024xi32, #tpu.memory_space<vmem>>, vector<16xi32>,
    tpu.vector_store %arg6[%swap3A_323], %and3A_322 {strides = array<i32>} : memref<1024xi32, #tpu.memory_space<vmem>>, vector<16xi32>,
    %shift_right_arithmetic3A_325 = arith.constant 17 : i32
    %shift_right_arithmetic3A_326 = vector.broadcast %shift_right_arithmetic3A_325 : i32 to vector<16xi32>
    %shift_right_arithmetic3A_327 = arith.shrsi %get3A_319, %shift_right_arithmetic3A_326 : vector<16xi32>
    %shift_left3A_328 = arith.constant 4 : i32
    %shift_left3A_329 = vector.broadcast %shift_left3A_328 : i32 to vector<16xi32>
    %shift_left3A_330 = arith.shli %shift_right_arithmetic3A_327, %shift_left3A_329 : vector<16xi32>
    %swap3A_331 = arith.constant 304 : index
    %swap3A_332 = tpu.vector_load %arg7[%swap3A_331] {strides = array<i32>} : memref<1024xi32, #tpu.memory_space<vmem>>, vector<16xi32>,
    tpu.vector_store %arg7[%swap3A_331], %shift_left3A_330 {strides = array<i32>} : memref<1024xi32, #tpu.memory_space<vmem>>, vector<16xi32>,
    %get3A_333 = arith.constant 320 : index
    %get3A_334 = tpu.vector_load %arg5[%get3A_333] {strides = array<i32>} : memref<1024xi32, #tpu.memory_space<vmem>>, vector<16xi32>,
    %and3A_335 = arith.constant 131071 : i32
    %and3A_336 = vector.broadcast %and3A_335 : i32 to vector<16xi32>
    %and3A_337 = arith.andi %get3A_334, %and3A_336 : vector<16xi32>
    %swap3A_338 = arith.constant 320 : index
    %swap3A_339 = tpu.vector_load %arg6[%swap3A_338] {strides = array<i32>} : memref<1024xi32, #tpu.memory_space<vmem>>, vector<16xi32>,
    tpu.vector_store %arg6[%swap3A_338], %and3A_337 {strides = array<i32>} : memref<1024xi32, #tpu.memory_space<vmem>>, vector<16xi32>,
    %shift_right_arithmetic3A_340 = arith.constant 17 : i32
    %shift_right_arithmetic3A_341 = vector.broadcast %shift_right_arithmetic3A_340 : i32 to vector<16xi32>
    %shift_right_arithmetic3A_342 = arith.shrsi %get3A_334, %shift_right_arithmetic3A_341 : vector<16xi32>
    %shift_left3A_343 = arith.constant 4 : i32
    %shift_left3A_344 = vector.broadcast %shift_left3A_343 : i32 to vector<16xi32>
    %shift_left3A_345 = arith.shli %shift_right_arithmetic3A_342, %shift_left3A_344 : vector<16xi32>
    %swap3A_346 = arith.constant 320 : index
    %swap3A_347 = tpu.vector_load %arg7[%swap3A_346] {strides = array<i32>} : memref<1024xi32, #tpu.memory_space<vmem>>, vector<16xi32>,
    tpu.vector_store %arg7[%swap3A_346], %shift_left3A_345 {strides = array<i32>} : memref<1024xi32, #tpu.memory_space<vmem>>, vector<16xi32>,
    %get3A_348 = arith.constant 336 : index
    %get3A_349 = tpu.vector_load %arg5[%get3A_348] {strides = array<i32>} : memref<1024xi32, #tpu.memory_space<vmem>>, vector<16xi32>,
    %and3A_350 = arith.constant 131071 : i32
    %and3A_351 = vector.broadcast %and3A_350 : i32 to vector<16xi32>
    %and3A_352 = arith.andi %get3A_349, %and3A_351 : vector<16xi32>
    %swap3A_353 = arith.constant 336 : index
    %swap3A_354 = tpu.vector_load %arg6[%swap3A_353] {strides = array<i32>} : memref<1024xi32, #tpu.memory_space<vmem>>, vector<16xi32>,
    tpu.vector_store %arg6[%swap3A_353], %and3A_352 {strides = array<i32>} : memref<1024xi32, #tpu.memory_space<vmem>>, vector<16xi32>,
    %shift_right_arithmetic3A_355 = arith.constant 17 : i32
    %shift_right_arithmetic3A_356 = vector.broadcast %shift_right_arithmetic3A_355 : i32 to vector<16xi32>
    %shift_right_arithmetic3A_357 = arith.shrsi %get3A_349, %shift_right_arithmetic3A_356 : vector<16xi32>
    %shift_left3A_358 = arith.constant 4 : i32
    %shift_left3A_359 = vector.broadcast %shift_left3A_358 : i32 to vector<16xi32>
    %shift_left3A_360 = arith.shli %shift_right_arithmetic3A_357, %shift_left3A_359 : vector<16xi32>
    %swap3A_361 = arith.constant 336 : index
    %swap3A_362 = tpu.vector_load %arg7[%swap3A_361] {strides = array<i32>} : memref<1024xi32, #tpu.memory_space<vmem>>, vector<16xi32>,
    tpu.vector_store %arg7[%swap3A_361], %shift_left3A_360 {strides = array<i32>} : memref<1024xi32, #tpu.memory_space<vmem>>, vector<16xi32>,
    %get3A_363 = arith.constant 352 : index
    %get3A_364 = tpu.vector_load %arg5[%get3A_363] {strides = array<i32>} : memref<1024xi32, #tpu.memory_space<vmem>>, vector<16xi32>,
    %and3A_365 = arith.constant 131071 : i32
    %and3A_366 = vector.broadcast %and3A_365 : i32 to vector<16xi32>
    %and3A_367 = arith.andi %get3A_364, %and3A_366 : vector<16xi32>
    %swap3A_368 = arith.constant 352 : index
    %swap3A_369 = tpu.vector_load %arg6[%swap3A_368] {strides = array<i32>} : memref<1024xi32, #tpu.memory_space<vmem>>, vector<16xi32>,
    tpu.vector_store %arg6[%swap3A_368], %and3A_367 {strides = array<i32>} : memref<1024xi32, #tpu.memory_space<vmem>>, vector<16xi32>,
    %shift_right_arithmetic3A_370 = arith.constant 17 : i32
    %shift_right_arithmetic3A_371 = vector.broadcast %shift_right_arithmetic3A_370 : i32 to vector<16xi32>
    %shift_right_arithmetic3A_372 = arith.shrsi %get3A_364, %shift_right_arithmetic3A_371 : vector<16xi32>
    %shift_left3A_373 = arith.constant 4 : i32
    %shift_left3A_374 = vector.broadcast %shift_left3A_373 : i32 to vector<16xi32>
    %shift_left3A_375 = arith.shli %shift_right_arithmetic3A_372, %shift_left3A_374 : vector<16xi32>
    %swap3A_376 = arith.constant 352 : index
    %swap3A_377 = tpu.vector_load %arg7[%swap3A_376] {strides = array<i32>} : memref<1024xi32, #tpu.memory_space<vmem>>, vector<16xi32>,
    tpu.vector_store %arg7[%swap3A_376], %shift_left3A_375 {strides = array<i32>} : memref<1024xi32, #tpu.memory_space<vmem>>, vector<16xi32>,
    %get3A_378 = arith.constant 368 : index
    %get3A_379 = tpu.vector_load %arg5[%get3A_378] {strides = array<i32>} : memref<1024xi32, #tpu.memory_space<vmem>>, vector<16xi32>,
    %and3A_380 = arith.constant 131071 : i32
    %and3A_381 = vector.broadcast %and3A_380 : i32 to vector<16xi32>
    %and3A_382 = arith.andi %get3A_379, %and3A_381 : vector<16xi32>
    %swap3A_383 = arith.constant 368 : index
    %swap3A_384 = tpu.vector_load %arg6[%swap3A_383] {strides = array<i32>} : memref<1024xi32, #tpu.memory_space<vmem>>, vector<16xi32>,
    tpu.vector_store %arg6[%swap3A_383], %and3A_382 {strides = array<i32>} : memref<1024xi32, #tpu.memory_space<vmem>>, vector<16xi32>,
    %shift_right_arithmetic3A_385 = arith.constant 17 : i32
    %shift_right_arithmetic3A_386 = vector.broadcast %shift_right_arithmetic3A_385 : i32 to vector<16xi32>
    %shift_right_arithmetic3A_387 = arith.shrsi %get3A_379, %shift_right_arithmetic3A_386 : vector<16xi32>
    %shift_left3A_388 = arith.constant 4 : i32
    %shift_left3A_389 = vector.broadcast %shift_left3A_388 : i32 to vector<16xi32>
    %shift_left3A_390 = arith.shli %shift_right_arithmetic3A_387, %shift_left3A_389 : vector<16xi32>
    %swap3A_391 = arith.constant 368 : index
    %swap3A_392 = tpu.vector_load %arg7[%swap3A_391] {strides = array<i32>} : memref<1024xi32, #tpu.memory_space<vmem>>, vector<16xi32>,
    tpu.vector_store %arg7[%swap3A_391], %shift_left3A_390 {strides = array<i32>} : memref<1024xi32, #tpu.memory_space<vmem>>, vector<16xi32>,
    %get3A_393 = arith.constant 384 : index
    %get3A_394 = tpu.vector_load %arg5[%get3A_393] {strides = array<i32>} : memref<1024xi32, #tpu.memory_space<vmem>>, vector<16xi32>,
    %and3A_395 = arith.constant 131071 : i32
    %and3A_396 = vector.broadcast %and3A_395 : i32 to vector<16xi32>
    %and3A_397 = arith.andi %get3A_394, %and3A_396 : vector<16xi32>
    %swap3A_398 = arith.constant 384 : index
    %swap3A_399 = tpu.vector_load %arg6[%swap3A_398] {strides = array<i32>} : memref<1024xi32, #tpu.memory_space<vmem>>, vector<16xi32>,
    tpu.vector_store %arg6[%swap3A_398], %and3A_397 {strides = array<i32>} : memref<1024xi32, #tpu.memory_space<vmem>>, vector<16xi32>,
    %shift_right_arithmetic3A_400 = arith.constant 17 : i32
    %shift_right_arithmetic3A_401 = vector.broadcast %shift_right_arithmetic3A_400 : i32 to vector<16xi32>
    %shift_right_arithmetic3A_402 = arith.shrsi %get3A_394, %shift_right_arithmetic3A_401 : vector<16xi32>
    %shift_left3A_403 = arith.constant 4 : i32
    %shift_left3A_404 = vector.broadcast %shift_left3A_403 : i32 to vector<16xi32>
    %shift_left3A_405 = arith.shli %shift_right_arithmetic3A_402, %shift_left3A_404 : vector<16xi32>
    %swap3A_406 = arith.constant 384 : index
    %swap3A_407 = tpu.vector_load %arg7[%swap3A_406] {strides = array<i32>} : memref<1024xi32, #tpu.memory_space<vmem>>, vector<16xi32>,
    tpu.vector_store %arg7[%swap3A_406], %shift_left3A_405 {strides = array<i32>} : memref<1024xi32, #tpu.memory_space<vmem>>, vector<16xi32>,
    %get3A_408 = arith.constant 400 : index
    %get3A_409 = tpu.vector_load %arg5[%get3A_408] {strides = array<i32>} : memref<1024xi32, #tpu.memory_space<vmem>>, vector<16xi32>,
    %and3A_410 = arith.constant 131071 : i32
    %and3A_411 = vector.broadcast %and3A_410 : i32 to vector<16xi32>
    %and3A_412 = arith.andi %get3A_409, %and3A_411 : vector<16xi32>
    %swap3A_413 = arith.constant 400 : index
    %swap3A_414 = tpu.vector_load %arg6[%swap3A_413] {strides = array<i32>} : memref<1024xi32, #tpu.memory_space<vmem>>, vector<16xi32>,
    tpu.vector_store %arg6[%swap3A_413], %and3A_412 {strides = array<i32>} : memref<1024xi32, #tpu.memory_space<vmem>>, vector<16xi32>,
    %shift_right_arithmetic3A_415 = arith.constant 17 : i32
    %shift_right_arithmetic3A_416 = vector.broadcast %shift_right_arithmetic3A_415 : i32 to vector<16xi32>
    %shift_right_arithmetic3A_417 = arith.shrsi %get3A_409, %shift_right_arithmetic3A_416 : vector<16xi32>
    %shift_left3A_418 = arith.constant 4 : i32
    %shift_left3A_419 = vector.broadcast %shift_left3A_418 : i32 to vector<16xi32>
    %shift_left3A_420 = arith.shli %shift_right_arithmetic3A_417, %shift_left3A_419 : vector<16xi32>
    %swap3A_421 = arith.constant 400 : index
    %swap3A_422 = tpu.vector_load %arg7[%swap3A_421] {strides = array<i32>} : memref<1024xi32, #tpu.memory_space<vmem>>, vector<16xi32>,
    tpu.vector_store %arg7[%swap3A_421], %shift_left3A_420 {strides = array<i32>} : memref<1024xi32, #tpu.memory_space<vmem>>, vector<16xi32>,
    %get3A_423 = arith.constant 416 : index
    %get3A_424 = tpu.vector_load %arg5[%get3A_423] {strides = array<i32>} : memref<1024xi32, #tpu.memory_space<vmem>>, vector<16xi32>,
    %and3A_425 = arith.constant 131071 : i32
    %and3A_426 = vector.broadcast %and3A_425 : i32 to vector<16xi32>
    %and3A_427 = arith.andi %get3A_424, %and3A_426 : vector<16xi32>
    %swap3A_428 = arith.constant 416 : index
    %swap3A_429 = tpu.vector_load %arg6[%swap3A_428] {strides = array<i32>} : memref<1024xi32, #tpu.memory_space<vmem>>, vector<16xi32>,
    tpu.vector_store %arg6[%swap3A_428], %and3A_427 {strides = array<i32>} : memref<1024xi32, #tpu.memory_space<vmem>>, vector<16xi32>,
    %shift_right_arithmetic3A_430 = arith.constant 17 : i32
    %shift_right_arithmetic3A_431 = vector.broadcast %shift_right_arithmetic3A_430 : i32 to vector<16xi32>
    %shift_right_arithmetic3A_432 = arith.shrsi %get3A_424, %shift_right_arithmetic3A_431 : vector<16xi32>
    %shift_left3A_433 = arith.constant 4 : i32
    %shift_left3A_434 = vector.broadcast %shift_left3A_433 : i32 to vector<16xi32>
    %shift_left3A_435 = arith.shli %shift_right_arithmetic3A_432, %shift_left3A_434 : vector<16xi32>
    %swap3A_436 = arith.constant 416 : index
    %swap3A_437 = tpu.vector_load %arg7[%swap3A_436] {strides = array<i32>} : memref<1024xi32, #tpu.memory_space<vmem>>, vector<16xi32>,
    tpu.vector_store %arg7[%swap3A_436], %shift_left3A_435 {strides = array<i32>} : memref<1024xi32, #tpu.memory_space<vmem>>, vector<16xi32>,
    %get3A_438 = arith.constant 432 : index
    %get3A_439 = tpu.vector_load %arg5[%get3A_438] {strides = array<i32>} : memref<1024xi32, #tpu.memory_space<vmem>>, vector<16xi32>,
    %and3A_440 = arith.constant 131071 : i32
    %and3A_441 = vector.broadcast %and3A_440 : i32 to vector<16xi32>
    %and3A_442 = arith.andi %get3A_439, %and3A_441 : vector<16xi32>
    %swap3A_443 = arith.constant 432 : index
    %swap3A_444 = tpu.vector_load %arg6[%swap3A_443] {strides = array<i32>} : memref<1024xi32, #tpu.memory_space<vmem>>, vector<16xi32>,
    tpu.vector_store %arg6[%swap3A_443], %and3A_442 {strides = array<i32>} : memref<1024xi32, #tpu.memory_space<vmem>>, vector<16xi32>,
    %shift_right_arithmetic3A_445 = arith.constant 17 : i32
    %shift_right_arithmetic3A_446 = vector.broadcast %shift_right_arithmetic3A_445 : i32 to vector<16xi32>
    %shift_right_arithmetic3A_447 = arith.shrsi %get3A_439, %shift_right_arithmetic3A_446 : vector<16xi32>
    %shift_left3A_448 = arith.constant 4 : i32
    %shift_left3A_449 = vector.broadcast %shift_left3A_448 : i32 to vector<16xi32>
    %shift_left3A_450 = arith.shli %shift_right_arithmetic3A_447, %shift_left3A_449 : vector<16xi32>
    %swap3A_451 = arith.constant 432 : index
    %swap3A_452 = tpu.vector_load %arg7[%swap3A_451] {strides = array<i32>} : memref<1024xi32, #tpu.memory_space<vmem>>, vector<16xi32>,
    tpu.vector_store %arg7[%swap3A_451], %shift_left3A_450 {strides = array<i32>} : memref<1024xi32, #tpu.memory_space<vmem>>, vector<16xi32>,
    %get3A_453 = arith.constant 448 : index
    %get3A_454 = tpu.vector_load %arg5[%get3A_453] {strides = array<i32>} : memref<1024xi32, #tpu.memory_space<vmem>>, vector<16xi32>,
    %and3A_455 = arith.constant 131071 : i32
    %and3A_456 = vector.broadcast %and3A_455 : i32 to vector<16xi32>
    %and3A_457 = arith.andi %get3A_454, %and3A_456 : vector<16xi32>
    %swap3A_458 = arith.constant 448 : index
    %swap3A_459 = tpu.vector_load %arg6[%swap3A_458] {strides = array<i32>} : memref<1024xi32, #tpu.memory_space<vmem>>, vector<16xi32>,
    tpu.vector_store %arg6[%swap3A_458], %and3A_457 {strides = array<i32>} : memref<1024xi32, #tpu.memory_space<vmem>>, vector<16xi32>,
    %shift_right_arithmetic3A_460 = arith.constant 17 : i32
    %shift_right_arithmetic3A_461 = vector.broadcast %shift_right_arithmetic3A_460 : i32 to vector<16xi32>
    %shift_right_arithmetic3A_462 = arith.shrsi %get3A_454, %shift_right_arithmetic3A_461 : vector<16xi32>
    %shift_left3A_463 = arith.constant 4 : i32
    %shift_left3A_464 = vector.broadcast %shift_left3A_463 : i32 to vector<16xi32>
    %shift_left3A_465 = arith.shli %shift_right_arithmetic3A_462, %shift_left3A_464 : vector<16xi32>
    %swap3A_466 = arith.constant 448 : index
    %swap3A_467 = tpu.vector_load %arg7[%swap3A_466] {strides = array<i32>} : memref<1024xi32, #tpu.memory_space<vmem>>, vector<16xi32>,
    tpu.vector_store %arg7[%swap3A_466], %shift_left3A_465 {strides = array<i32>} : memref<1024xi32, #tpu.memory_space<vmem>>, vector<16xi32>,
    %get3A_468 = arith.constant 464 : index
    %get3A_469 = tpu.vector_load %arg5[%get3A_468] {strides = array<i32>} : memref<1024xi32, #tpu.memory_space<vmem>>, vector<16xi32>,
    %and3A_470 = arith.constant 131071 : i32
    %and3A_471 = vector.broadcast %and3A_470 : i32 to vector<16xi32>
    %and3A_472 = arith.andi %get3A_469, %and3A_471 : vector<16xi32>
    %swap3A_473 = arith.constant 464 : index
    %swap3A_474 = tpu.vector_load %arg6[%swap3A_473] {strides = array<i32>} : memref<1024xi32, #tpu.memory_space<vmem>>, vector<16xi32>,
    tpu.vector_store %arg6[%swap3A_473], %and3A_472 {strides = array<i32>} : memref<1024xi32, #tpu.memory_space<vmem>>, vector<16xi32>,
    %shift_right_arithmetic3A_475 = arith.constant 17 : i32
    %shift_right_arithmetic3A_476 = vector.broadcast %shift_right_arithmetic3A_475 : i32 to vector<16xi32>
    %shift_right_arithmetic3A_477 = arith.shrsi %get3A_469, %shift_right_arithmetic3A_476 : vector<16xi32>
    %shift_left3A_478 = arith.constant 4 : i32
    %shift_left3A_479 = vector.broadcast %shift_left3A_478 : i32 to vector<16xi32>
    %shift_left3A_480 = arith.shli %shift_right_arithmetic3A_477, %shift_left3A_479 : vector<16xi32>
    %swap3A_481 = arith.constant 464 : index
    %swap3A_482 = tpu.vector_load %arg7[%swap3A_481] {strides = array<i32>} : memref<1024xi32, #tpu.memory_space<vmem>>, vector<16xi32>,
    tpu.vector_store %arg7[%swap3A_481], %shift_left3A_480 {strides = array<i32>} : memref<1024xi32, #tpu.memory_space<vmem>>, vector<16xi32>,
    %get3A_483 = arith.constant 480 : index
    %get3A_484 = tpu.vector_load %arg5[%get3A_483] {strides = array<i32>} : memref<1024xi32, #tpu.memory_space<vmem>>, vector<16xi32>,
    %and3A_485 = arith.constant 131071 : i32
    %and3A_486 = vector.broadcast %and3A_485 : i32 to vector<16xi32>
    %and3A_487 = arith.andi %get3A_484, %and3A_486 : vector<16xi32>
    %swap3A_488 = arith.constant 480 : index
    %swap3A_489 = tpu.vector_load %arg6[%swap3A_488] {strides = array<i32>} : memref<1024xi32, #tpu.memory_space<vmem>>, vector<16xi32>,
    tpu.vector_store %arg6[%swap3A_488], %and3A_487 {strides = array<i32>} : memref<1024xi32, #tpu.memory_space<vmem>>, vector<16xi32>,
    %shift_right_arithmetic3A_490 = arith.constant 17 : i32
    %shift_right_arithmetic3A_491 = vector.broadcast %shift_right_arithmetic3A_490 : i32 to vector<16xi32>
    %shift_right_arithmetic3A_492 = arith.shrsi %get3A_484, %shift_right_arithmetic3A_491 : vector<16xi32>
    %shift_left3A_493 = arith.constant 4 : i32
    %shift_left3A_494 = vector.broadcast %shift_left3A_493 : i32 to vector<16xi32>
    %shift_left3A_495 = arith.shli %shift_right_arithmetic3A_492, %shift_left3A_494 : vector<16xi32>
    %swap3A_496 = arith.constant 480 : index
    %swap3A_497 = tpu.vector_load %arg7[%swap3A_496] {strides = array<i32>} : memref<1024xi32, #tpu.memory_space<vmem>>, vector<16xi32>,
    tpu.vector_store %arg7[%swap3A_496], %shift_left3A_495 {strides = array<i32>} : memref<1024xi32, #tpu.memory_space<vmem>>, vector<16xi32>,
    %get3A_498 = arith.constant 496 : index
    %get3A_499 = tpu.vector_load %arg5[%get3A_498] {strides = array<i32>} : memref<1024xi32, #tpu.memory_space<vmem>>, vector<16xi32>,
    %and3A_500 = arith.constant 131071 : i32
    %and3A_501 = vector.broadcast %and3A_500 : i32 to vector<16xi32>
    %and3A_502 = arith.andi %get3A_499, %and3A_501 : vector<16xi32>
    %swap3A_503 = arith.constant 496 : index
    %swap3A_504 = tpu.vector_load %arg6[%swap3A_503] {strides = array<i32>} : memref<1024xi32, #tpu.memory_space<vmem>>, vector<16xi32>,
    tpu.vector_store %arg6[%swap3A_503], %and3A_502 {strides = array<i32>} : memref<1024xi32, #tpu.memory_space<vmem>>, vector<16xi32>,
    %shift_right_arithmetic3A_505 = arith.constant 17 : i32
    %shift_right_arithmetic3A_506 = vector.broadcast %shift_right_arithmetic3A_505 : i32 to vector<16xi32>
    %shift_right_arithmetic3A_507 = arith.shrsi %get3A_499, %shift_right_arithmetic3A_506 : vector<16xi32>
    %shift_left3A_508 = arith.constant 4 : i32
    %shift_left3A_509 = vector.broadcast %shift_left3A_508 : i32 to vector<16xi32>
    %shift_left3A_510 = arith.shli %shift_right_arithmetic3A_507, %shift_left3A_509 : vector<16xi32>
    %swap3A_511 = arith.constant 496 : index
    %swap3A_512 = tpu.vector_load %arg7[%swap3A_511] {strides = array<i32>} : memref<1024xi32, #tpu.memory_space<vmem>>, vector<16xi32>,
    tpu.vector_store %arg7[%swap3A_511], %shift_left3A_510 {strides = array<i32>} : memref<1024xi32, #tpu.memory_space<vmem>>, vector<16xi32>,
    %get3A_513 = arith.constant 512 : index
    %get3A_514 = tpu.vector_load %arg5[%get3A_513] {strides = array<i32>} : memref<1024xi32, #tpu.memory_space<vmem>>, vector<16xi32>,
    %and3A_515 = arith.constant 131071 : i32
    %and3A_516 = vector.broadcast %and3A_515 : i32 to vector<16xi32>
    %and3A_517 = arith.andi %get3A_514, %and3A_516 : vector<16xi32>
    %swap3A_518 = arith.constant 512 : index
    %swap3A_519 = tpu.vector_load %arg6[%swap3A_518] {strides = array<i32>} : memref<1024xi32, #tpu.memory_space<vmem>>, vector<16xi32>,
    tpu.vector_store %arg6[%swap3A_518], %and3A_517 {strides = array<i32>} : memref<1024xi32, #tpu.memory_space<vmem>>, vector<16xi32>,
    %shift_right_arithmetic3A_520 = arith.constant 17 : i32
    %shift_right_arithmetic3A_521 = vector.broadcast %shift_right_arithmetic3A_520 : i32 to vector<16xi32>
    %shift_right_arithmetic3A_522 = arith.shrsi %get3A_514, %shift_right_arithmetic3A_521 : vector<16xi32>
    %shift_left3A_523 = arith.constant 4 : i32
    %shift_left3A_524 = vector.broadcast %shift_left3A_523 : i32 to vector<16xi32>
    %shift_left3A_525 = arith.shli %shift_right_arithmetic3A_522, %shift_left3A_524 : vector<16xi32>
    %swap3A_526 = arith.constant 512 : index
    %swap3A_527 = tpu.vector_load %arg7[%swap3A_526] {strides = array<i32>} : memref<1024xi32, #tpu.memory_space<vmem>>, vector<16xi32>,
    tpu.vector_store %arg7[%swap3A_526], %shift_left3A_525 {strides = array<i32>} : memref<1024xi32, #tpu.memory_space<vmem>>, vector<16xi32>,
    %get3A_528 = arith.constant 528 : index
    %get3A_529 = tpu.vector_load %arg5[%get3A_528] {strides = array<i32>} : memref<1024xi32, #tpu.memory_space<vmem>>, vector<16xi32>,
    %and3A_530 = arith.constant 131071 : i32
    %and3A_531 = vector.broadcast %and3A_530 : i32 to vector<16xi32>
    %and3A_532 = arith.andi %get3A_529, %and3A_531 : vector<16xi32>
    %swap3A_533 = arith.constant 528 : index
    %swap3A_534 = tpu.vector_load %arg6[%swap3A_533] {strides = array<i32>} : memref<1024xi32, #tpu.memory_space<vmem>>, vector<16xi32>,
    tpu.vector_store %arg6[%swap3A_533], %and3A_532 {strides = array<i32>} : memref<1024xi32, #tpu.memory_space<vmem>>, vector<16xi32>,
    %shift_right_arithmetic3A_535 = arith.constant 17 : i32
    %shift_right_arithmetic3A_536 = vector.broadcast %shift_right_arithmetic3A_535 : i32 to vector<16xi32>
    %shift_right_arithmetic3A_537 = arith.shrsi %get3A_529, %shift_right_arithmetic3A_536 : vector<16xi32>
    %shift_left3A_538 = arith.constant 4 : i32
    %shift_left3A_539 = vector.broadcast %shift_left3A_538 : i32 to vector<16xi32>
    %shift_left3A_540 = arith.shli %shift_right_arithmetic3A_537, %shift_left3A_539 : vector<16xi32>
    %swap3A_541 = arith.constant 528 : index
    %swap3A_542 = tpu.vector_load %arg7[%swap3A_541] {strides = array<i32>} : memref<1024xi32, #tpu.memory_space<vmem>>, vector<16xi32>,
    tpu.vector_store %arg7[%swap3A_541], %shift_left3A_540 {strides = array<i32>} : memref<1024xi32, #tpu.memory_space<vmem>>, vector<16xi32>,
    %get3A_543 = arith.constant 544 : index
    %get3A_544 = tpu.vector_load %arg5[%get3A_543] {strides = array<i32>} : memref<1024xi32, #tpu.memory_space<vmem>>, vector<16xi32>,
    %and3A_545 = arith.constant 131071 : i32
    %and3A_546 = vector.broadcast %and3A_545 : i32 to vector<16xi32>
    %and3A_547 = arith.andi %get3A_544, %and3A_546 : vector<16xi32>
    %swap3A_548 = arith.constant 544 : index
    %swap3A_549 = tpu.vector_load %arg6[%swap3A_548] {strides = array<i32>} : memref<1024xi32, #tpu.memory_space<vmem>>, vector<16xi32>,
    tpu.vector_store %arg6[%swap3A_548], %and3A_547 {strides = array<i32>} : memref<1024xi32, #tpu.memory_space<vmem>>, vector<16xi32>,
    %shift_right_arithmetic3A_550 = arith.constant 17 : i32
    %shift_right_arithmetic3A_551 = vector.broadcast %shift_right_arithmetic3A_550 : i32 to vector<16xi32>
    %shift_right_arithmetic3A_552 = arith.shrsi %get3A_544, %shift_right_arithmetic3A_551 : vector<16xi32>
    %shift_left3A_553 = arith.constant 4 : i32
    %shift_left3A_554 = vector.broadcast %shift_left3A_553 : i32 to vector<16xi32>
    %shift_left3A_555 = arith.shli %shift_right_arithmetic3A_552, %shift_left3A_554 : vector<16xi32>
    %swap3A_556 = arith.constant 544 : index
    %swap3A_557 = tpu.vector_load %arg7[%swap3A_556] {strides = array<i32>} : memref<1024xi32, #tpu.memory_space<vmem>>, vector<16xi32>,
    tpu.vector_store %arg7[%swap3A_556], %shift_left3A_555 {strides = array<i32>} : memref<1024xi32, #tpu.memory_space<vmem>>, vector<16xi32>,
    %get3A_558 = arith.constant 560 : index
    %get3A_559 = tpu.vector_load %arg5[%get3A_558] {strides = array<i32>} : memref<1024xi32, #tpu.memory_space<vmem>>, vector<16xi32>,
    %and3A_560 = arith.constant 131071 : i32
    %and3A_561 = vector.broadcast %and3A_560 : i32 to vector<16xi32>
    %and3A_562 = arith.andi %get3A_559, %and3A_561 : vector<16xi32>
    %swap3A_563 = arith.constant 560 : index
    %swap3A_564 = tpu.vector_load %arg6[%swap3A_563] {strides = array<i32>} : memref<1024xi32, #tpu.memory_space<vmem>>, vector<16xi32>,
    tpu.vector_store %arg6[%swap3A_563], %and3A_562 {strides = array<i32>} : memref<1024xi32, #tpu.memory_space<vmem>>, vector<16xi32>,
    %shift_right_arithmetic3A_565 = arith.constant 17 : i32
    %shift_right_arithmetic3A_566 = vector.broadcast %shift_right_arithmetic3A_565 : i32 to vector<16xi32>
    %shift_right_arithmetic3A_567 = arith.shrsi %get3A_559, %shift_right_arithmetic3A_566 : vector<16xi32>
    %shift_left3A_568 = arith.constant 4 : i32
    %shift_left3A_569 = vector.broadcast %shift_left3A_568 : i32 to vector<16xi32>
    %shift_left3A_570 = arith.shli %shift_right_arithmetic3A_567, %shift_left3A_569 : vector<16xi32>
    %swap3A_571 = arith.constant 560 : index
    %swap3A_572 = tpu.vector_load %arg7[%swap3A_571] {strides = array<i32>} : memref<1024xi32, #tpu.memory_space<vmem>>, vector<16xi32>,
    tpu.vector_store %arg7[%swap3A_571], %shift_left3A_570 {strides = array<i32>} : memref<1024xi32, #tpu.memory_space<vmem>>, vector<16xi32>,
    %get3A_573 = arith.constant 576 : index
    %get3A_574 = tpu.vector_load %arg5[%get3A_573] {strides = array<i32>} : memref<1024xi32, #tpu.memory_space<vmem>>, vector<16xi32>,
    %and3A_575 = arith.constant 131071 : i32
    %and3A_576 = vector.broadcast %and3A_575 : i32 to vector<16xi32>
    %and3A_577 = arith.andi %get3A_574, %and3A_576 : vector<16xi32>
    %swap3A_578 = arith.constant 576 : index
    %swap3A_579 = tpu.vector_load %arg6[%swap3A_578] {strides = array<i32>} : memref<1024xi32, #tpu.memory_space<vmem>>, vector<16xi32>,
    tpu.vector_store %arg6[%swap3A_578], %and3A_577 {strides = array<i32>} : memref<1024xi32, #tpu.memory_space<vmem>>, vector<16xi32>,
    %shift_right_arithmetic3A_580 = arith.constant 17 : i32
    %shift_right_arithmetic3A_581 = vector.broadcast %shift_right_arithmetic3A_580 : i32 to vector<16xi32>
    %shift_right_arithmetic3A_582 = arith.shrsi %get3A_574, %shift_right_arithmetic3A_581 : vector<16xi32>
    %shift_left3A_583 = arith.constant 4 : i32
    %shift_left3A_584 = vector.broadcast %shift_left3A_583 : i32 to vector<16xi32>
    %shift_left3A_585 = arith.shli %shift_right_arithmetic3A_582, %shift_left3A_584 : vector<16xi32>
    %swap3A_586 = arith.constant 576 : index
    %swap3A_587 = tpu.vector_load %arg7[%swap3A_586] {strides = array<i32>} : memref<1024xi32, #tpu.memory_space<vmem>>, vector<16xi32>,
    tpu.vector_store %arg7[%swap3A_586], %shift_left3A_585 {strides = array<i32>} : memref<1024xi32, #tpu.memory_space<vmem>>, vector<16xi32>,
    %get3A_588 = arith.constant 592 : index
    %get3A_589 = tpu.vector_load %arg5[%get3A_588] {strides = array<i32>} : memref<1024xi32, #tpu.memory_space<vmem>>, vector<16xi32>,
    %and3A_590 = arith.constant 131071 : i32
    %and3A_591 = vector.broadcast %and3A_590 : i32 to vector<16xi32>
    %and3A_592 = arith.andi %get3A_589, %and3A_591 : vector<16xi32>
    %swap3A_593 = arith.constant 592 : index
    %swap3A_594 = tpu.vector_load %arg6[%swap3A_593] {strides = array<i32>} : memref<1024xi32, #tpu.memory_space<vmem>>, vector<16xi32>,
    tpu.vector_store %arg6[%swap3A_593], %and3A_592 {strides = array<i32>} : memref<1024xi32, #tpu.memory_space<vmem>>, vector<16xi32>,
    %shift_right_arithmetic3A_595 = arith.constant 17 : i32
    %shift_right_arithmetic3A_596 = vector.broadcast %shift_right_arithmetic3A_595 : i32 to vector<16xi32>
    %shift_right_arithmetic3A_597 = arith.shrsi %get3A_589, %shift_right_arithmetic3A_596 : vector<16xi32>
    %shift_left3A_598 = arith.constant 4 : i32
    %shift_left3A_599 = vector.broadcast %shift_left3A_598 : i32 to vector<16xi32>
    %shift_left3A_600 = arith.shli %shift_right_arithmetic3A_597, %shift_left3A_599 : vector<16xi32>
    %swap3A_601 = arith.constant 592 : index
    %swap3A_602 = tpu.vector_load %arg7[%swap3A_601] {strides = array<i32>} : memref<1024xi32, #tpu.memory_space<vmem>>, vector<16xi32>,
    tpu.vector_store %arg7[%swap3A_601], %shift_left3A_600 {strides = array<i32>} : memref<1024xi32, #tpu.memory_space<vmem>>, vector<16xi32>,
    %get3A_603 = arith.constant 608 : index
    %get3A_604 = tpu.vector_load %arg5[%get3A_603] {strides = array<i32>} : memref<1024xi32, #tpu.memory_space<vmem>>, vector<16xi32>,
    %and3A_605 = arith.constant 131071 : i32
    %and3A_606 = vector.broadcast %and3A_605 : i32 to vector<16xi32>
    %and3A_607 = arith.andi %get3A_604, %and3A_606 : vector<16xi32>
    %swap3A_608 = arith.constant 608 : index
    %swap3A_609 = tpu.vector_load %arg6[%swap3A_608] {strides = array<i32>} : memref<1024xi32, #tpu.memory_space<vmem>>, vector<16xi32>,
    tpu.vector_store %arg6[%swap3A_608], %and3A_607 {strides = array<i32>} : memref<1024xi32, #tpu.memory_space<vmem>>, vector<16xi32>,
    %shift_right_arithmetic3A_610 = arith.constant 17 : i32
    %shift_right_arithmetic3A_611 = vector.broadcast %shift_right_arithmetic3A_610 : i32 to vector<16xi32>
    %shift_right_arithmetic3A_612 = arith.shrsi %get3A_604, %shift_right_arithmetic3A_611 : vector<16xi32>
    %shift_left3A_613 = arith.constant 4 : i32
    %shift_left3A_614 = vector.broadcast %shift_left3A_613 : i32 to vector<16xi32>
    %shift_left3A_615 = arith.shli %shift_right_arithmetic3A_612, %shift_left3A_614 : vector<16xi32>
    %swap3A_616 = arith.constant 608 : index
    %swap3A_617 = tpu.vector_load %arg7[%swap3A_616] {strides = array<i32>} : memref<1024xi32, #tpu.memory_space<vmem>>, vector<16xi32>,
    tpu.vector_store %arg7[%swap3A_616], %shift_left3A_615 {strides = array<i32>} : memref<1024xi32, #tpu.memory_space<vmem>>, vector<16xi32>,
    %get3A_618 = arith.constant 624 : index
    %get3A_619 = tpu.vector_load %arg5[%get3A_618] {strides = array<i32>} : memref<1024xi32, #tpu.memory_space<vmem>>, vector<16xi32>,
    %and3A_620 = arith.constant 131071 : i32
    %and3A_621 = vector.broadcast %and3A_620 : i32 to vector<16xi32>
    %and3A_622 = arith.andi %get3A_619, %and3A_621 : vector<16xi32>
    %swap3A_623 = arith.constant 624 : index
    %swap3A_624 = tpu.vector_load %arg6[%swap3A_623] {strides = array<i32>} : memref<1024xi32, #tpu.memory_space<vmem>>, vector<16xi32>,
    tpu.vector_store %arg6[%swap3A_623], %and3A_622 {strides = array<i32>} : memref<1024xi32, #tpu.memory_space<vmem>>, vector<16xi32>,
    %shift_right_arithmetic3A_625 = arith.constant 17 : i32
    %shift_right_arithmetic3A_626 = vector.broadcast %shift_right_arithmetic3A_625 : i32 to vector<16xi32>
    %shift_right_arithmetic3A_627 = arith.shrsi %get3A_619, %shift_right_arithmetic3A_626 : vector<16xi32>
    %shift_left3A_628 = arith.constant 4 : i32
    %shift_left3A_629 = vector.broadcast %shift_left3A_628 : i32 to vector<16xi32>
    %shift_left3A_630 = arith.shli %shift_right_arithmetic3A_627, %shift_left3A_629 : vector<16xi32>
    %swap3A_631 = arith.constant 624 : index
    %swap3A_632 = tpu.vector_load %arg7[%swap3A_631] {strides = array<i32>} : memref<1024xi32, #tpu.memory_space<vmem>>, vector<16xi32>,
    tpu.vector_store %arg7[%swap3A_631], %shift_left3A_630 {strides = array<i32>} : memref<1024xi32, #tpu.memory_space<vmem>>, vector<16xi32>,
    %get3A_633 = arith.constant 640 : index
    %get3A_634 = tpu.vector_load %arg5[%get3A_633] {strides = array<i32>} : memref<1024xi32, #tpu.memory_space<vmem>>, vector<16xi32>,
    %and3A_635 = arith.constant 131071 : i32
    %and3A_636 = vector.broadcast %and3A_635 : i32 to vector<16xi32>
    %and3A_637 = arith.andi %get3A_634, %and3A_636 : vector<16xi32>
    %swap3A_638 = arith.constant 640 : index
    %swap3A_639 = tpu.vector_load %arg6[%swap3A_638] {strides = array<i32>} : memref<1024xi32, #tpu.memory_space<vmem>>, vector<16xi32>,
    tpu.vector_store %arg6[%swap3A_638], %and3A_637 {strides = array<i32>} : memref<1024xi32, #tpu.memory_space<vmem>>, vector<16xi32>,
    %shift_right_arithmetic3A_640 = arith.constant 17 : i32
    %shift_right_arithmetic3A_641 = vector.broadcast %shift_right_arithmetic3A_640 : i32 to vector<16xi32>
    %shift_right_arithmetic3A_642 = arith.shrsi %get3A_634, %shift_right_arithmetic3A_641 : vector<16xi32>
    %shift_left3A_643 = arith.constant 4 : i32
    %shift_left3A_644 = vector.broadcast %shift_left3A_643 : i32 to vector<16xi32>
    %shift_left3A_645 = arith.shli %shift_right_arithmetic3A_642, %shift_left3A_644 : vector<16xi32>
    %swap3A_646 = arith.constant 640 : index
    %swap3A_647 = tpu.vector_load %arg7[%swap3A_646] {strides = array<i32>} : memref<1024xi32, #tpu.memory_space<vmem>>, vector<16xi32>,
    tpu.vector_store %arg7[%swap3A_646], %shift_left3A_645 {strides = array<i32>} : memref<1024xi32, #tpu.memory_space<vmem>>, vector<16xi32>,
    %get3A_648 = arith.constant 656 : index
    %get3A_649 = tpu.vector_load %arg5[%get3A_648] {strides = array<i32>} : memref<1024xi32, #tpu.memory_space<vmem>>, vector<16xi32>,
    %and3A_650 = arith.constant 131071 : i32
    %and3A_651 = vector.broadcast %and3A_650 : i32 to vector<16xi32>
    %and3A_652 = arith.andi %get3A_649, %and3A_651 : vector<16xi32>
    %swap3A_653 = arith.constant 656 : index
    %swap3A_654 = tpu.vector_load %arg6[%swap3A_653] {strides = array<i32>} : memref<1024xi32, #tpu.memory_space<vmem>>, vector<16xi32>,
    tpu.vector_store %arg6[%swap3A_653], %and3A_652 {strides = array<i32>} : memref<1024xi32, #tpu.memory_space<vmem>>, vector<16xi32>,
    %shift_right_arithmetic3A_655 = arith.constant 17 : i32
    %shift_right_arithmetic3A_656 = vector.broadcast %shift_right_arithmetic3A_655 : i32 to vector<16xi32>
    %shift_right_arithmetic3A_657 = arith.shrsi %get3A_649, %shift_right_arithmetic3A_656 : vector<16xi32>
    %shift_left3A_658 = arith.constant 4 : i32
    %shift_left3A_659 = vector.broadcast %shift_left3A_658 : i32 to vector<16xi32>
    %shift_left3A_660 = arith.shli %shift_right_arithmetic3A_657, %shift_left3A_659 : vector<16xi32>
    %swap3A_661 = arith.constant 656 : index
    %swap3A_662 = tpu.vector_load %arg7[%swap3A_661] {strides = array<i32>} : memref<1024xi32, #tpu.memory_space<vmem>>, vector<16xi32>,
    tpu.vector_store %arg7[%swap3A_661], %shift_left3A_660 {strides = array<i32>} : memref<1024xi32, #tpu.memory_space<vmem>>, vector<16xi32>,
    %get3A_663 = arith.constant 672 : index
    %get3A_664 = tpu.vector_load %arg5[%get3A_663] {strides = array<i32>} : memref<1024xi32, #tpu.memory_space<vmem>>, vector<16xi32>,
    %and3A_665 = arith.constant 131071 : i32
    %and3A_666 = vector.broadcast %and3A_665 : i32 to vector<16xi32>
    %and3A_667 = arith.andi %get3A_664, %and3A_666 : vector<16xi32>
    %swap3A_668 = arith.constant 672 : index
    %swap3A_669 = tpu.vector_load %arg6[%swap3A_668] {strides = array<i32>} : memref<1024xi32, #tpu.memory_space<vmem>>, vector<16xi32>,
    tpu.vector_store %arg6[%swap3A_668], %and3A_667 {strides = array<i32>} : memref<1024xi32, #tpu.memory_space<vmem>>, vector<16xi32>,
    %shift_right_arithmetic3A_670 = arith.constant 17 : i32
    %shift_right_arithmetic3A_671 = vector.broadcast %shift_right_arithmetic3A_670 : i32 to vector<16xi32>
    %shift_right_arithmetic3A_672 = arith.shrsi %get3A_664, %shift_right_arithmetic3A_671 : vector<16xi32>
    %shift_left3A_673 = arith.constant 4 : i32
    %shift_left3A_674 = vector.broadcast %shift_left3A_673 : i32 to vector<16xi32>
    %shift_left3A_675 = arith.shli %shift_right_arithmetic3A_672, %shift_left3A_674 : vector<16xi32>
    %swap3A_676 = arith.constant 672 : index
    %swap3A_677 = tpu.vector_load %arg7[%swap3A_676] {strides = array<i32>} : memref<1024xi32, #tpu.memory_space<vmem>>, vector<16xi32>,
    tpu.vector_store %arg7[%swap3A_676], %shift_left3A_675 {strides = array<i32>} : memref<1024xi32, #tpu.memory_space<vmem>>, vector<16xi32>,
    %get3A_678 = arith.constant 688 : index
    %get3A_679 = tpu.vector_load %arg5[%get3A_678] {strides = array<i32>} : memref<1024xi32, #tpu.memory_space<vmem>>, vector<16xi32>,
    %and3A_680 = arith.constant 131071 : i32
    %and3A_681 = vector.broadcast %and3A_680 : i32 to vector<16xi32>
    %and3A_682 = arith.andi %get3A_679, %and3A_681 : vector<16xi32>
    %swap3A_683 = arith.constant 688 : index
    %swap3A_684 = tpu.vector_load %arg6[%swap3A_683] {strides = array<i32>} : memref<1024xi32, #tpu.memory_space<vmem>>, vector<16xi32>,
    tpu.vector_store %arg6[%swap3A_683], %and3A_682 {strides = array<i32>} : memref<1024xi32, #tpu.memory_space<vmem>>, vector<16xi32>,
    %shift_right_arithmetic3A_685 = arith.constant 17 : i32
    %shift_right_arithmetic3A_686 = vector.broadcast %shift_right_arithmetic3A_685 : i32 to vector<16xi32>
    %shift_right_arithmetic3A_687 = arith.shrsi %get3A_679, %shift_right_arithmetic3A_686 : vector<16xi32>
    %shift_left3A_688 = arith.constant 4 : i32
    %shift_left3A_689 = vector.broadcast %shift_left3A_688 : i32 to vector<16xi32>
    %shift_left3A_690 = arith.shli %shift_right_arithmetic3A_687, %shift_left3A_689 : vector<16xi32>
    %swap3A_691 = arith.constant 688 : index
    %swap3A_692 = tpu.vector_load %arg7[%swap3A_691] {strides = array<i32>} : memref<1024xi32, #tpu.memory_space<vmem>>, vector<16xi32>,
    tpu.vector_store %arg7[%swap3A_691], %shift_left3A_690 {strides = array<i32>} : memref<1024xi32, #tpu.memory_space<vmem>>, vector<16xi32>,
    %get3A_693 = arith.constant 704 : index
    %get3A_694 = tpu.vector_load %arg5[%get3A_693] {strides = array<i32>} : memref<1024xi32, #tpu.memory_space<vmem>>, vector<16xi32>,
    %and3A_695 = arith.constant 131071 : i32
    %and3A_696 = vector.broadcast %and3A_695 : i32 to vector<16xi32>
    %and3A_697 = arith.andi %get3A_694, %and3A_696 : vector<16xi32>
    %swap3A_698 = arith.constant 704 : index
    %swap3A_699 = tpu.vector_load %arg6[%swap3A_698] {strides = array<i32>} : memref<1024xi32, #tpu.memory_space<vmem>>, vector<16xi32>,
    tpu.vector_store %arg6[%swap3A_698], %and3A_697 {strides = array<i32>} : memref<1024xi32, #tpu.memory_space<vmem>>, vector<16xi32>,
    %shift_right_arithmetic3A_700 = arith.constant 17 : i32
    %shift_right_arithmetic3A_701 = vector.broadcast %shift_right_arithmetic3A_700 : i32 to vector<16xi32>
    %shift_right_arithmetic3A_702 = arith.shrsi %get3A_694, %shift_right_arithmetic3A_701 : vector<16xi32>
    %shift_left3A_703 = arith.constant 4 : i32
    %shift_left3A_704 = vector.broadcast %shift_left3A_703 : i32 to vector<16xi32>
    %shift_left3A_705 = arith.shli %shift_right_arithmetic3A_702, %shift_left3A_704 : vector<16xi32>
    %swap3A_706 = arith.constant 704 : index
    %swap3A_707 = tpu.vector_load %arg7[%swap3A_706] {strides = array<i32>} : memref<1024xi32, #tpu.memory_space<vmem>>, vector<16xi32>,
    tpu.vector_store %arg7[%swap3A_706], %shift_left3A_705 {strides = array<i32>} : memref<1024xi32, #tpu.memory_space<vmem>>, vector<16xi32>,
    %get3A_708 = arith.constant 720 : index
    %get3A_709 = tpu.vector_load %arg5[%get3A_708] {strides = array<i32>} : memref<1024xi32, #tpu.memory_space<vmem>>, vector<16xi32>,
    %and3A_710 = arith.constant 131071 : i32
    %and3A_711 = vector.broadcast %and3A_710 : i32 to vector<16xi32>
    %and3A_712 = arith.andi %get3A_709, %and3A_711 : vector<16xi32>
    %swap3A_713 = arith.constant 720 : index
    %swap3A_714 = tpu.vector_load %arg6[%swap3A_713] {strides = array<i32>} : memref<1024xi32, #tpu.memory_space<vmem>>, vector<16xi32>,
    tpu.vector_store %arg6[%swap3A_713], %and3A_712 {strides = array<i32>} : memref<1024xi32, #tpu.memory_space<vmem>>, vector<16xi32>,
    %shift_right_arithmetic3A_715 = arith.constant 17 : i32
    %shift_right_arithmetic3A_716 = vector.broadcast %shift_right_arithmetic3A_715 : i32 to vector<16xi32>
    %shift_right_arithmetic3A_717 = arith.shrsi %get3A_709, %shift_right_arithmetic3A_716 : vector<16xi32>
    %shift_left3A_718 = arith.constant 4 : i32
    %shift_left3A_719 = vector.broadcast %shift_left3A_718 : i32 to vector<16xi32>
    %shift_left3A_720 = arith.shli %shift_right_arithmetic3A_717, %shift_left3A_719 : vector<16xi32>
    %swap3A_721 = arith.constant 720 : index
    %swap3A_722 = tpu.vector_load %arg7[%swap3A_721] {strides = array<i32>} : memref<1024xi32, #tpu.memory_space<vmem>>, vector<16xi32>,
    tpu.vector_store %arg7[%swap3A_721], %shift_left3A_720 {strides = array<i32>} : memref<1024xi32, #tpu.memory_space<vmem>>, vector<16xi32>,
    %get3A_723 = arith.constant 736 : index
    %get3A_724 = tpu.vector_load %arg5[%get3A_723] {strides = array<i32>} : memref<1024xi32, #tpu.memory_space<vmem>>, vector<16xi32>,
    %and3A_725 = arith.constant 131071 : i32
    %and3A_726 = vector.broadcast %and3A_725 : i32 to vector<16xi32>
    %and3A_727 = arith.andi %get3A_724, %and3A_726 : vector<16xi32>
    %swap3A_728 = arith.constant 736 : index
    %swap3A_729 = tpu.vector_load %arg6[%swap3A_728] {strides = array<i32>} : memref<1024xi32, #tpu.memory_space<vmem>>, vector<16xi32>,
    tpu.vector_store %arg6[%swap3A_728], %and3A_727 {strides = array<i32>} : memref<1024xi32, #tpu.memory_space<vmem>>, vector<16xi32>,
    %shift_right_arithmetic3A_730 = arith.constant 17 : i32
    %shift_right_arithmetic3A_731 = vector.broadcast %shift_right_arithmetic3A_730 : i32 to vector<16xi32>
    %shift_right_arithmetic3A_732 = arith.shrsi %get3A_724, %shift_right_arithmetic3A_731 : vector<16xi32>
    %shift_left3A_733 = arith.constant 4 : i32
    %shift_left3A_734 = vector.broadcast %shift_left3A_733 : i32 to vector<16xi32>
    %shift_left3A_735 = arith.shli %shift_right_arithmetic3A_732, %shift_left3A_734 : vector<16xi32>
    %swap3A_736 = arith.constant 736 : index
    %swap3A_737 = tpu.vector_load %arg7[%swap3A_736] {strides = array<i32>} : memref<1024xi32, #tpu.memory_space<vmem>>, vector<16xi32>,
    tpu.vector_store %arg7[%swap3A_736], %shift_left3A_735 {strides = array<i32>} : memref<1024xi32, #tpu.memory_space<vmem>>, vector<16xi32>,
    %get3A_738 = arith.constant 752 : index
    %get3A_739 = tpu.vector_load %arg5[%get3A_738] {strides = array<i32>} : memref<1024xi32, #tpu.memory_space<vmem>>, vector<16xi32>,
    %and3A_740 = arith.constant 131071 : i32
    %and3A_741 = vector.broadcast %and3A_740 : i32 to vector<16xi32>
    %and3A_742 = arith.andi %get3A_739, %and3A_741 : vector<16xi32>
    %swap3A_743 = arith.constant 752 : index
    %swap3A_744 = tpu.vector_load %arg6[%swap3A_743] {strides = array<i32>} : memref<1024xi32, #tpu.memory_space<vmem>>, vector<16xi32>,
    tpu.vector_store %arg6[%swap3A_743], %and3A_742 {strides = array<i32>} : memref<1024xi32, #tpu.memory_space<vmem>>, vector<16xi32>,
    %shift_right_arithmetic3A_745 = arith.constant 17 : i32
    %shift_right_arithmetic3A_746 = vector.broadcast %shift_right_arithmetic3A_745 : i32 to vector<16xi32>
    %shift_right_arithmetic3A_747 = arith.shrsi %get3A_739, %shift_right_arithmetic3A_746 : vector<16xi32>
    %shift_left3A_748 = arith.constant 4 : i32
    %shift_left3A_749 = vector.broadcast %shift_left3A_748 : i32 to vector<16xi32>
    %shift_left3A_750 = arith.shli %shift_right_arithmetic3A_747, %shift_left3A_749 : vector<16xi32>
    %swap3A_751 = arith.constant 752 : index
    %swap3A_752 = tpu.vector_load %arg7[%swap3A_751] {strides = array<i32>} : memref<1024xi32, #tpu.memory_space<vmem>>, vector<16xi32>,
    tpu.vector_store %arg7[%swap3A_751], %shift_left3A_750 {strides = array<i32>} : memref<1024xi32, #tpu.memory_space<vmem>>, vector<16xi32>,
    %get3A_753 = arith.constant 768 : index
    %get3A_754 = tpu.vector_load %arg5[%get3A_753] {strides = array<i32>} : memref<1024xi32, #tpu.memory_space<vmem>>, vector<16xi32>,
    %and3A_755 = arith.constant 131071 : i32
    %and3A_756 = vector.broadcast %and3A_755 : i32 to vector<16xi32>
    %and3A_757 = arith.andi %get3A_754, %and3A_756 : vector<16xi32>
    %swap3A_758 = arith.constant 768 : index
    %swap3A_759 = tpu.vector_load %arg6[%swap3A_758] {strides = array<i32>} : memref<1024xi32, #tpu.memory_space<vmem>>, vector<16xi32>,
    tpu.vector_store %arg6[%swap3A_758], %and3A_757 {strides = array<i32>} : memref<1024xi32, #tpu.memory_space<vmem>>, vector<16xi32>,
    %shift_right_arithmetic3A_760 = arith.constant 17 : i32
    %shift_right_arithmetic3A_761 = vector.broadcast %shift_right_arithmetic3A_760 : i32 to vector<16xi32>
    %shift_right_arithmetic3A_762 = arith.shrsi %get3A_754, %shift_right_arithmetic3A_761 : vector<16xi32>
    %shift_left3A_763 = arith.constant 4 : i32
    %shift_left3A_764 = vector.broadcast %shift_left3A_763 : i32 to vector<16xi32>
    %shift_left3A_765 = arith.shli %shift_right_arithmetic3A_762, %shift_left3A_764 : vector<16xi32>
    %swap3A_766 = arith.constant 768 : index
    %swap3A_767 = tpu.vector_load %arg7[%swap3A_766] {strides = array<i32>} : memref<1024xi32, #tpu.memory_space<vmem>>, vector<16xi32>,
    tpu.vector_store %arg7[%swap3A_766], %shift_left3A_765 {strides = array<i32>} : memref<1024xi32, #tpu.memory_space<vmem>>, vector<16xi32>,
    %get3A_768 = arith.constant 784 : index
    %get3A_769 = tpu.vector_load %arg5[%get3A_768] {strides = array<i32>} : memref<1024xi32, #tpu.memory_space<vmem>>, vector<16xi32>,
    %and3A_770 = arith.constant 131071 : i32
    %and3A_771 = vector.broadcast %and3A_770 : i32 to vector<16xi32>
    %and3A_772 = arith.andi %get3A_769, %and3A_771 : vector<16xi32>
    %swap3A_773 = arith.constant 784 : index
    %swap3A_774 = tpu.vector_load %arg6[%swap3A_773] {strides = array<i32>} : memref<1024xi32, #tpu.memory_space<vmem>>, vector<16xi32>,
    tpu.vector_store %arg6[%swap3A_773], %and3A_772 {strides = array<i32>} : memref<1024xi32, #tpu.memory_space<vmem>>, vector<16xi32>,
    %shift_right_arithmetic3A_775 = arith.constant 17 : i32
    %shift_right_arithmetic3A_776 = vector.broadcast %shift_right_arithmetic3A_775 : i32 to vector<16xi32>
    %shift_right_arithmetic3A_777 = arith.shrsi %get3A_769, %shift_right_arithmetic3A_776 : vector<16xi32>
    %shift_left3A_778 = arith.constant 4 : i32
    %shift_left3A_779 = vector.broadcast %shift_left3A_778 : i32 to vector<16xi32>
    %shift_left3A_780 = arith.shli %shift_right_arithmetic3A_777, %shift_left3A_779 : vector<16xi32>
    %swap3A_781 = arith.constant 784 : index
    %swap3A_782 = tpu.vector_load %arg7[%swap3A_781] {strides = array<i32>} : memref<1024xi32, #tpu.memory_space<vmem>>, vector<16xi32>,
    tpu.vector_store %arg7[%swap3A_781], %shift_left3A_780 {strides = array<i32>} : memref<1024xi32, #tpu.memory_space<vmem>>, vector<16xi32>,
    %get3A_783 = arith.constant 800 : index
    %get3A_784 = tpu.vector_load %arg5[%get3A_783] {strides = array<i32>} : memref<1024xi32, #tpu.memory_space<vmem>>, vector<16xi32>,
    %and3A_785 = arith.constant 131071 : i32
    %and3A_786 = vector.broadcast %and3A_785 : i32 to vector<16xi32>
    %and3A_787 = arith.andi %get3A_784, %and3A_786 : vector<16xi32>
    %swap3A_788 = arith.constant 800 : index
    %swap3A_789 = tpu.vector_load %arg6[%swap3A_788] {strides = array<i32>} : memref<1024xi32, #tpu.memory_space<vmem>>, vector<16xi32>,
    tpu.vector_store %arg6[%swap3A_788], %and3A_787 {strides = array<i32>} : memref<1024xi32, #tpu.memory_space<vmem>>, vector<16xi32>,
    %shift_right_arithmetic3A_790 = arith.constant 17 : i32
    %shift_right_arithmetic3A_791 = vector.broadcast %shift_right_arithmetic3A_790 : i32 to vector<16xi32>
    %shift_right_arithmetic3A_792 = arith.shrsi %get3A_784, %shift_right_arithmetic3A_791 : vector<16xi32>
    %shift_left3A_793 = arith.constant 4 : i32
    %shift_left3A_794 = vector.broadcast %shift_left3A_793 : i32 to vector<16xi32>
    %shift_left3A_795 = arith.shli %shift_right_arithmetic3A_792, %shift_left3A_794 : vector<16xi32>
    %swap3A_796 = arith.constant 800 : index
    %swap3A_797 = tpu.vector_load %arg7[%swap3A_796] {strides = array<i32>} : memref<1024xi32, #tpu.memory_space<vmem>>, vector<16xi32>,
    tpu.vector_store %arg7[%swap3A_796], %shift_left3A_795 {strides = array<i32>} : memref<1024xi32, #tpu.memory_space<vmem>>, vector<16xi32>,
    %get3A_798 = arith.constant 816 : index
    %get3A_799 = tpu.vector_load %arg5[%get3A_798] {strides = array<i32>} : memref<1024xi32, #tpu.memory_space<vmem>>, vector<16xi32>,
    %and3A_800 = arith.constant 131071 : i32
    %and3A_801 = vector.broadcast %and3A_800 : i32 to vector<16xi32>
    %and3A_802 = arith.andi %get3A_799, %and3A_801 : vector<16xi32>
    %swap3A_803 = arith.constant 816 : index
    %swap3A_804 = tpu.vector_load %arg6[%swap3A_803] {strides = array<i32>} : memref<1024xi32, #tpu.memory_space<vmem>>, vector<16xi32>,
    tpu.vector_store %arg6[%swap3A_803], %and3A_802 {strides = array<i32>} : memref<1024xi32, #tpu.memory_space<vmem>>, vector<16xi32>,
    %shift_right_arithmetic3A_805 = arith.constant 17 : i32
    %shift_right_arithmetic3A_806 = vector.broadcast %shift_right_arithmetic3A_805 : i32 to vector<16xi32>
    %shift_right_arithmetic3A_807 = arith.shrsi %get3A_799, %shift_right_arithmetic3A_806 : vector<16xi32>
    %shift_left3A_808 = arith.constant 4 : i32
    %shift_left3A_809 = vector.broadcast %shift_left3A_808 : i32 to vector<16xi32>
    %shift_left3A_810 = arith.shli %shift_right_arithmetic3A_807, %shift_left3A_809 : vector<16xi32>
    %swap3A_811 = arith.constant 816 : index
    %swap3A_812 = tpu.vector_load %arg7[%swap3A_811] {strides = array<i32>} : memref<1024xi32, #tpu.memory_space<vmem>>, vector<16xi32>,
    tpu.vector_store %arg7[%swap3A_811], %shift_left3A_810 {strides = array<i32>} : memref<1024xi32, #tpu.memory_space<vmem>>, vector<16xi32>,
    %get3A_813 = arith.constant 832 : index
    %get3A_814 = tpu.vector_load %arg5[%get3A_813] {strides = array<i32>} : memref<1024xi32, #tpu.memory_space<vmem>>, vector<16xi32>,
    %and3A_815 = arith.constant 131071 : i32
    %and3A_816 = vector.broadcast %and3A_815 : i32 to vector<16xi32>
    %and3A_817 = arith.andi %get3A_814, %and3A_816 : vector<16xi32>
    %swap3A_818 = arith.constant 832 : index
    %swap3A_819 = tpu.vector_load %arg6[%swap3A_818] {strides = array<i32>} : memref<1024xi32, #tpu.memory_space<vmem>>, vector<16xi32>,
    tpu.vector_store %arg6[%swap3A_818], %and3A_817 {strides = array<i32>} : memref<1024xi32, #tpu.memory_space<vmem>>, vector<16xi32>,
    %shift_right_arithmetic3A_820 = arith.constant 17 : i32
    %shift_right_arithmetic3A_821 = vector.broadcast %shift_right_arithmetic3A_820 : i32 to vector<16xi32>
    %shift_right_arithmetic3A_822 = arith.shrsi %get3A_814, %shift_right_arithmetic3A_821 : vector<16xi32>
    %shift_left3A_823 = arith.constant 4 : i32
    %shift_left3A_824 = vector.broadcast %shift_left3A_823 : i32 to vector<16xi32>
    %shift_left3A_825 = arith.shli %shift_right_arithmetic3A_822, %shift_left3A_824 : vector<16xi32>
    %swap3A_826 = arith.constant 832 : index
    %swap3A_827 = tpu.vector_load %arg7[%swap3A_826] {strides = array<i32>} : memref<1024xi32, #tpu.memory_space<vmem>>, vector<16xi32>,
    tpu.vector_store %arg7[%swap3A_826], %shift_left3A_825 {strides = array<i32>} : memref<1024xi32, #tpu.memory_space<vmem>>, vector<16xi32>,
    %get3A_828 = arith.constant 848 : index
    %get3A_829 = tpu.vector_load %arg5[%get3A_828] {strides = array<i32>} : memref<1024xi32, #tpu.memory_space<vmem>>, vector<16xi32>,
    %and3A_830 = arith.constant 131071 : i32
    %and3A_831 = vector.broadcast %and3A_830 : i32 to vector<16xi32>
    %and3A_832 = arith.andi %get3A_829, %and3A_831 : vector<16xi32>
    %swap3A_833 = arith.constant 848 : index
    %swap3A_834 = tpu.vector_load %arg6[%swap3A_833] {strides = array<i32>} : memref<1024xi32, #tpu.memory_space<vmem>>, vector<16xi32>,
    tpu.vector_store %arg6[%swap3A_833], %and3A_832 {strides = array<i32>} : memref<1024xi32, #tpu.memory_space<vmem>>, vector<16xi32>,
    %shift_right_arithmetic3A_835 = arith.constant 17 : i32
    %shift_right_arithmetic3A_836 = vector.broadcast %shift_right_arithmetic3A_835 : i32 to vector<16xi32>
    %shift_right_arithmetic3A_837 = arith.shrsi %get3A_829, %shift_right_arithmetic3A_836 : vector<16xi32>
    %shift_left3A_838 = arith.constant 4 : i32
    %shift_left3A_839 = vector.broadcast %shift_left3A_838 : i32 to vector<16xi32>
    %shift_left3A_840 = arith.shli %shift_right_arithmetic3A_837, %shift_left3A_839 : vector<16xi32>
    %swap3A_841 = arith.constant 848 : index
    %swap3A_842 = tpu.vector_load %arg7[%swap3A_841] {strides = array<i32>} : memref<1024xi32, #tpu.memory_space<vmem>>, vector<16xi32>,
    tpu.vector_store %arg7[%swap3A_841], %shift_left3A_840 {strides = array<i32>} : memref<1024xi32, #tpu.memory_space<vmem>>, vector<16xi32>,
    %get3A_843 = arith.constant 864 : index
    %get3A_844 = tpu.vector_load %arg5[%get3A_843] {strides = array<i32>} : memref<1024xi32, #tpu.memory_space<vmem>>, vector<16xi32>,
    %and3A_845 = arith.constant 131071 : i32
    %and3A_846 = vector.broadcast %and3A_845 : i32 to vector<16xi32>
    %and3A_847 = arith.andi %get3A_844, %and3A_846 : vector<16xi32>
    %swap3A_848 = arith.constant 864 : index
    %swap3A_849 = tpu.vector_load %arg6[%swap3A_848] {strides = array<i32>} : memref<1024xi32, #tpu.memory_space<vmem>>, vector<16xi32>,
    tpu.vector_store %arg6[%swap3A_848], %and3A_847 {strides = array<i32>} : memref<1024xi32, #tpu.memory_space<vmem>>, vector<16xi32>,
    %shift_right_arithmetic3A_850 = arith.constant 17 : i32
    %shift_right_arithmetic3A_851 = vector.broadcast %shift_right_arithmetic3A_850 : i32 to vector<16xi32>
    %shift_right_arithmetic3A_852 = arith.shrsi %get3A_844, %shift_right_arithmetic3A_851 : vector<16xi32>
    %shift_left3A_853 = arith.constant 4 : i32
    %shift_left3A_854 = vector.broadcast %shift_left3A_853 : i32 to vector<16xi32>
    %shift_left3A_855 = arith.shli %shift_right_arithmetic3A_852, %shift_left3A_854 : vector<16xi32>
    %swap3A_856 = arith.constant 864 : index
    %swap3A_857 = tpu.vector_load %arg7[%swap3A_856] {strides = array<i32>} : memref<1024xi32, #tpu.memory_space<vmem>>, vector<16xi32>,
    tpu.vector_store %arg7[%swap3A_856], %shift_left3A_855 {strides = array<i32>} : memref<1024xi32, #tpu.memory_space<vmem>>, vector<16xi32>,
    %get3A_858 = arith.constant 880 : index
    %get3A_859 = tpu.vector_load %arg5[%get3A_858] {strides = array<i32>} : memref<1024xi32, #tpu.memory_space<vmem>>, vector<16xi32>,
    %and3A_860 = arith.constant 131071 : i32
    %and3A_861 = vector.broadcast %and3A_860 : i32 to vector<16xi32>
    %and3A_862 = arith.andi %get3A_859, %and3A_861 : vector<16xi32>
    %swap3A_863 = arith.constant 880 : index
    %swap3A_864 = tpu.vector_load %arg6[%swap3A_863] {strides = array<i32>} : memref<1024xi32, #tpu.memory_space<vmem>>, vector<16xi32>,
    tpu.vector_store %arg6[%swap3A_863], %and3A_862 {strides = array<i32>} : memref<1024xi32, #tpu.memory_space<vmem>>, vector<16xi32>,
    %shift_right_arithmetic3A_865 = arith.constant 17 : i32
    %shift_right_arithmetic3A_866 = vector.broadcast %shift_right_arithmetic3A_865 : i32 to vector<16xi32>
    %shift_right_arithmetic3A_867 = arith.shrsi %get3A_859, %shift_right_arithmetic3A_866 : vector<16xi32>
    %shift_left3A_868 = arith.constant 4 : i32
    %shift_left3A_869 = vector.broadcast %shift_left3A_868 : i32 to vector<16xi32>
    %shift_left3A_870 = arith.shli %shift_right_arithmetic3A_867, %shift_left3A_869 : vector<16xi32>
    %swap3A_871 = arith.constant 880 : index
    %swap3A_872 = tpu.vector_load %arg7[%swap3A_871] {strides = array<i32>} : memref<1024xi32, #tpu.memory_space<vmem>>, vector<16xi32>,
    tpu.vector_store %arg7[%swap3A_871], %shift_left3A_870 {strides = array<i32>} : memref<1024xi32, #tpu.memory_space<vmem>>, vector<16xi32>,
    %get3A_873 = arith.constant 896 : index
    %get3A_874 = tpu.vector_load %arg5[%get3A_873] {strides = array<i32>} : memref<1024xi32, #tpu.memory_space<vmem>>, vector<16xi32>,
    %and3A_875 = arith.constant 131071 : i32
    %and3A_876 = vector.broadcast %and3A_875 : i32 to vector<16xi32>
    %and3A_877 = arith.andi %get3A_874, %and3A_876 : vector<16xi32>
    %swap3A_878 = arith.constant 896 : index
    %swap3A_879 = tpu.vector_load %arg6[%swap3A_878] {strides = array<i32>} : memref<1024xi32, #tpu.memory_space<vmem>>, vector<16xi32>,
    tpu.vector_store %arg6[%swap3A_878], %and3A_877 {strides = array<i32>} : memref<1024xi32, #tpu.memory_space<vmem>>, vector<16xi32>,
    %shift_right_arithmetic3A_880 = arith.constant 17 : i32
    %shift_right_arithmetic3A_881 = vector.broadcast %shift_right_arithmetic3A_880 : i32 to vector<16xi32>
    %shift_right_arithmetic3A_882 = arith.shrsi %get3A_874, %shift_right_arithmetic3A_881 : vector<16xi32>
    %shift_left3A_883 = arith.constant 4 : i32
    %shift_left3A_884 = vector.broadcast %shift_left3A_883 : i32 to vector<16xi32>
    %shift_left3A_885 = arith.shli %shift_right_arithmetic3A_882, %shift_left3A_884 : vector<16xi32>
    %swap3A_886 = arith.constant 896 : index
    %swap3A_887 = tpu.vector_load %arg7[%swap3A_886] {strides = array<i32>} : memref<1024xi32, #tpu.memory_space<vmem>>, vector<16xi32>,
    tpu.vector_store %arg7[%swap3A_886], %shift_left3A_885 {strides = array<i32>} : memref<1024xi32, #tpu.memory_space<vmem>>, vector<16xi32>,
    %get3A_888 = arith.constant 912 : index
    %get3A_889 = tpu.vector_load %arg5[%get3A_888] {strides = array<i32>} : memref<1024xi32, #tpu.memory_space<vmem>>, vector<16xi32>,
    %and3A_890 = arith.constant 131071 : i32
    %and3A_891 = vector.broadcast %and3A_890 : i32 to vector<16xi32>
    %and3A_892 = arith.andi %get3A_889, %and3A_891 : vector<16xi32>
    %swap3A_893 = arith.constant 912 : index
    %swap3A_894 = tpu.vector_load %arg6[%swap3A_893] {strides = array<i32>} : memref<1024xi32, #tpu.memory_space<vmem>>, vector<16xi32>,
    tpu.vector_store %arg6[%swap3A_893], %and3A_892 {strides = array<i32>} : memref<1024xi32, #tpu.memory_space<vmem>>, vector<16xi32>,
    %shift_right_arithmetic3A_895 = arith.constant 17 : i32
    %shift_right_arithmetic3A_896 = vector.broadcast %shift_right_arithmetic3A_895 : i32 to vector<16xi32>
    %shift_right_arithmetic3A_897 = arith.shrsi %get3A_889, %shift_right_arithmetic3A_896 : vector<16xi32>
    %shift_left3A_898 = arith.constant 4 : i32
    %shift_left3A_899 = vector.broadcast %shift_left3A_898 : i32 to vector<16xi32>
    %shift_left3A_900 = arith.shli %shift_right_arithmetic3A_897, %shift_left3A_899 : vector<16xi32>
    %swap3A_901 = arith.constant 912 : index
    %swap3A_902 = tpu.vector_load %arg7[%swap3A_901] {strides = array<i32>} : memref<1024xi32, #tpu.memory_space<vmem>>, vector<16xi32>,
    tpu.vector_store %arg7[%swap3A_901], %shift_left3A_900 {strides = array<i32>} : memref<1024xi32, #tpu.memory_space<vmem>>, vector<16xi32>,
    %get3A_903 = arith.constant 928 : index
    %get3A_904 = tpu.vector_load %arg5[%get3A_903] {strides = array<i32>} : memref<1024xi32, #tpu.memory_space<vmem>>, vector<16xi32>,
    %and3A_905 = arith.constant 131071 : i32
    %and3A_906 = vector.broadcast %and3A_905 : i32 to vector<16xi32>
    %and3A_907 = arith.andi %get3A_904, %and3A_906 : vector<16xi32>
    %swap3A_908 = arith.constant 928 : index
    %swap3A_909 = tpu.vector_load %arg6[%swap3A_908] {strides = array<i32>} : memref<1024xi32, #tpu.memory_space<vmem>>, vector<16xi32>,
    tpu.vector_store %arg6[%swap3A_908], %and3A_907 {strides = array<i32>} : memref<1024xi32, #tpu.memory_space<vmem>>, vector<16xi32>,
    %shift_right_arithmetic3A_910 = arith.constant 17 : i32
    %shift_right_arithmetic3A_911 = vector.broadcast %shift_right_arithmetic3A_910 : i32 to vector<16xi32>
    %shift_right_arithmetic3A_912 = arith.shrsi %get3A_904, %shift_right_arithmetic3A_911 : vector<16xi32>
    %shift_left3A_913 = arith.constant 4 : i32
    %shift_left3A_914 = vector.broadcast %shift_left3A_913 : i32 to vector<16xi32>
    %shift_left3A_915 = arith.shli %shift_right_arithmetic3A_912, %shift_left3A_914 : vector<16xi32>
    %swap3A_916 = arith.constant 928 : index
    %swap3A_917 = tpu.vector_load %arg7[%swap3A_916] {strides = array<i32>} : memref<1024xi32, #tpu.memory_space<vmem>>, vector<16xi32>,
    tpu.vector_store %arg7[%swap3A_916], %shift_left3A_915 {strides = array<i32>} : memref<1024xi32, #tpu.memory_space<vmem>>, vector<16xi32>,
    %get3A_918 = arith.constant 944 : index
    %get3A_919 = tpu.vector_load %arg5[%get3A_918] {strides = array<i32>} : memref<1024xi32, #tpu.memory_space<vmem>>, vector<16xi32>,
    %and3A_920 = arith.constant 131071 : i32
    %and3A_921 = vector.broadcast %and3A_920 : i32 to vector<16xi32>
    %and3A_922 = arith.andi %get3A_919, %and3A_921 : vector<16xi32>
    %swap3A_923 = arith.constant 944 : index
    %swap3A_924 = tpu.vector_load %arg6[%swap3A_923] {strides = array<i32>} : memref<1024xi32, #tpu.memory_space<vmem>>, vector<16xi32>,
    tpu.vector_store %arg6[%swap3A_923], %and3A_922 {strides = array<i32>} : memref<1024xi32, #tpu.memory_space<vmem>>, vector<16xi32>,
    %shift_right_arithmetic3A_925 = arith.constant 17 : i32
    %shift_right_arithmetic3A_926 = vector.broadcast %shift_right_arithmetic3A_925 : i32 to vector<16xi32>
    %shift_right_arithmetic3A_927 = arith.shrsi %get3A_919, %shift_right_arithmetic3A_926 : vector<16xi32>
    %shift_left3A_928 = arith.constant 4 : i32
    %shift_left3A_929 = vector.broadcast %shift_left3A_928 : i32 to vector<16xi32>
    %shift_left3A_930 = arith.shli %shift_right_arithmetic3A_927, %shift_left3A_929 : vector<16xi32>
    %swap3A_931 = arith.constant 944 : index
    %swap3A_932 = tpu.vector_load %arg7[%swap3A_931] {strides = array<i32>} : memref<1024xi32, #tpu.memory_space<vmem>>, vector<16xi32>,
    tpu.vector_store %arg7[%swap3A_931], %shift_left3A_930 {strides = array<i32>} : memref<1024xi32, #tpu.memory_space<vmem>>, vector<16xi32>,
    %get3A_933 = arith.constant 960 : index
    %get3A_934 = tpu.vector_load %arg5[%get3A_933] {strides = array<i32>} : memref<1024xi32, #tpu.memory_space<vmem>>, vector<16xi32>,
    %and3A_935 = arith.constant 131071 : i32
    %and3A_936 = vector.broadcast %and3A_935 : i32 to vector<16xi32>
    %and3A_937 = arith.andi %get3A_934, %and3A_936 : vector<16xi32>
    %swap3A_938 = arith.constant 960 : index
    %swap3A_939 = tpu.vector_load %arg6[%swap3A_938] {strides = array<i32>} : memref<1024xi32, #tpu.memory_space<vmem>>, vector<16xi32>,
    tpu.vector_store %arg6[%swap3A_938], %and3A_937 {strides = array<i32>} : memref<1024xi32, #tpu.memory_space<vmem>>, vector<16xi32>,
    %shift_right_arithmetic3A_940 = arith.constant 17 : i32
    %shift_right_arithmetic3A_941 = vector.broadcast %shift_right_arithmetic3A_940 : i32 to vector<16xi32>
    %shift_right_arithmetic3A_942 = arith.shrsi %get3A_934, %shift_right_arithmetic3A_941 : vector<16xi32>
    %shift_left3A_943 = arith.constant 4 : i32
    %shift_left3A_944 = vector.broadcast %shift_left3A_943 : i32 to vector<16xi32>
    %shift_left3A_945 = arith.shli %shift_right_arithmetic3A_942, %shift_left3A_944 : vector<16xi32>
    %swap3A_946 = arith.constant 960 : index
    %swap3A_947 = tpu.vector_load %arg7[%swap3A_946] {strides = array<i32>} : memref<1024xi32, #tpu.memory_space<vmem>>, vector<16xi32>,
    tpu.vector_store %arg7[%swap3A_946], %shift_left3A_945 {strides = array<i32>} : memref<1024xi32, #tpu.memory_space<vmem>>, vector<16xi32>,
    %get3A_948 = arith.constant 976 : index
    %get3A_949 = tpu.vector_load %arg5[%get3A_948] {strides = array<i32>} : memref<1024xi32, #tpu.memory_space<vmem>>, vector<16xi32>,
    %and3A_950 = arith.constant 131071 : i32
    %and3A_951 = vector.broadcast %and3A_950 : i32 to vector<16xi32>
    %and3A_952 = arith.andi %get3A_949, %and3A_951 : vector<16xi32>
    %swap3A_953 = arith.constant 976 : index
    %swap3A_954 = tpu.vector_load %arg6[%swap3A_953] {strides = array<i32>} : memref<1024xi32, #tpu.memory_space<vmem>>, vector<16xi32>,
    tpu.vector_store %arg6[%swap3A_953], %and3A_952 {strides = array<i32>} : memref<1024xi32, #tpu.memory_space<vmem>>, vector<16xi32>,
    %shift_right_arithmetic3A_955 = arith.constant 17 : i32
    %shift_right_arithmetic3A_956 = vector.broadcast %shift_right_arithmetic3A_955 : i32 to vector<16xi32>
    %shift_right_arithmetic3A_957 = arith.shrsi %get3A_949, %shift_right_arithmetic3A_956 : vector<16xi32>
    %shift_left3A_958 = arith.constant 4 : i32
    %shift_left3A_959 = vector.broadcast %shift_left3A_958 : i32 to vector<16xi32>
    %shift_left3A_960 = arith.shli %shift_right_arithmetic3A_957, %shift_left3A_959 : vector<16xi32>
    %swap3A_961 = arith.constant 976 : index
    %swap3A_962 = tpu.vector_load %arg7[%swap3A_961] {strides = array<i32>} : memref<1024xi32, #tpu.memory_space<vmem>>, vector<16xi32>,
    tpu.vector_store %arg7[%swap3A_961], %shift_left3A_960 {strides = array<i32>} : memref<1024xi32, #tpu.memory_space<vmem>>, vector<16xi32>,
    %get3A_963 = arith.constant 992 : index
    %get3A_964 = tpu.vector_load %arg5[%get3A_963] {strides = array<i32>} : memref<1024xi32, #tpu.memory_space<vmem>>, vector<16xi32>,
    %and3A_965 = arith.constant 131071 : i32
    %and3A_966 = vector.broadcast %and3A_965 : i32 to vector<16xi32>
    %and3A_967 = arith.andi %get3A_964, %and3A_966 : vector<16xi32>
    %swap3A_968 = arith.constant 992 : index
    %swap3A_969 = tpu.vector_load %arg6[%swap3A_968] {strides = array<i32>} : memref<1024xi32, #tpu.memory_space<vmem>>, vector<16xi32>,
    tpu.vector_store %arg6[%swap3A_968], %and3A_967 {strides = array<i32>} : memref<1024xi32, #tpu.memory_space<vmem>>, vector<16xi32>,
    %shift_right_arithmetic3A_970 = arith.constant 17 : i32
    %shift_right_arithmetic3A_971 = vector.broadcast %shift_right_arithmetic3A_970 : i32 to vector<16xi32>
    %shift_right_arithmetic3A_972 = arith.shrsi %get3A_964, %shift_right_arithmetic3A_971 : vector<16xi32>
    %shift_left3A_973 = arith.constant 4 : i32
    %shift_left3A_974 = vector.broadcast %shift_left3A_973 : i32 to vector<16xi32>
    %shift_left3A_975 = arith.shli %shift_right_arithmetic3A_972, %shift_left3A_974 : vector<16xi32>
    %swap3A_976 = arith.constant 992 : index
    %swap3A_977 = tpu.vector_load %arg7[%swap3A_976] {strides = array<i32>} : memref<1024xi32, #tpu.memory_space<vmem>>, vector<16xi32>,
    tpu.vector_store %arg7[%swap3A_976], %shift_left3A_975 {strides = array<i32>} : memref<1024xi32, #tpu.memory_space<vmem>>, vector<16xi32>,
    %get3A_978 = arith.constant 1008 : index
    %get3A_979 = tpu.vector_load %arg5[%get3A_978] {strides = array<i32>} : memref<1024xi32, #tpu.memory_space<vmem>>, vector<16xi32>,
    %and3A_980 = arith.constant 131071 : i32
    %and3A_981 = vector.broadcast %and3A_980 : i32 to vector<16xi32>
    %and3A_982 = arith.andi %get3A_979, %and3A_981 : vector<16xi32>
    %swap3A_983 = arith.constant 1008 : index
    %swap3A_984 = tpu.vector_load %arg6[%swap3A_983] {strides = array<i32>} : memref<1024xi32, #tpu.memory_space<vmem>>, vector<16xi32>,
    tpu.vector_store %arg6[%swap3A_983], %and3A_982 {strides = array<i32>} : memref<1024xi32, #tpu.memory_space<vmem>>, vector<16xi32>,
    %shift_right_arithmetic3A_985 = arith.constant 17 : i32
    %shift_right_arithmetic3A_986 = vector.broadcast %shift_right_arithmetic3A_985 : i32 to vector<16xi32>
    %shift_right_arithmetic3A_987 = arith.shrsi %get3A_979, %shift_right_arithmetic3A_986 : vector<16xi32>
    %shift_left3A_988 = arith.constant 4 : i32
    %shift_left3A_989 = vector.broadcast %shift_left3A_988 : i32 to vector<16xi32>
    %shift_left3A_990 = arith.shli %shift_right_arithmetic3A_987, %shift_left3A_989 : vector<16xi32>
    %swap3A_991 = arith.constant 1008 : index
    %swap3A_992 = tpu.vector_load %arg7[%swap3A_991] {strides = array<i32>} : memref<1024xi32, #tpu.memory_space<vmem>>, vector<16xi32>,
    tpu.vector_store %arg7[%swap3A_991], %shift_left3A_990 {strides = array<i32>} : memref<1024xi32, #tpu.memory_space<vmem>>, vector<16xi32>,
    %iota3A = tpu.iota {dimensions = array<i32: 0>} : vector<16xi32>
    %dma_start3A = arith.constant 0 : i32
    %dma_start3A_993 = arith.constant 0 : i32
    %dma_start3A_994 = tpu.memref_slice %arg8[%dma_start3A, %dma_start3A_993] : memref<256x128xf32, #tpu.memory_space<vmem>> -> memref<128x128xf32, #tpu.memory_space<vmem>>
    %dma_start3A_995 = arith.constant 0 : i32
    %dma_start3A_996 = tpu.memref_slice %arg6[%dma_start3A_995] : memref<1024xi32, #tpu.memory_space<vmem>> -> memref<128xi32, #tpu.memory_space<vmem>>
    %dma_start3A_997 = arith.constant 0 : i32
    %dma_start3A_998 = arith.constant 0 : i32
    %dma_start3A_999 = tpu.memref_slice %arg3[%dma_start3A_997, %dma_start3A_998] : memref<131072x128xf32, #tpu.memory_space<hbm>> -> memref<131072x128xf32, #tpu.memory_space<hbm>>
    tpu.enqueue_indirect_dma source(%dma_start3A_999 : memref<131072x128xf32, #tpu.memory_space<hbm>>) target(%dma_start3A_994 : memref<128x128xf32, #tpu.memory_space<vmem>>) offsets(%dma_start3A_996 : memref<128xi32, #tpu.memory_space<vmem>>) semaphore(%arg12 : memref<!tpu.dma_semaphore, #tpu.memory_space<semaphore_mem>>)
    %dma_start3A_1000 = arith.constant 128 : i32
    %dma_start3A_1001 = arith.constant 0 : i32
    %dma_start3A_1002 = tpu.memref_slice %arg8[%dma_start3A_1000, %dma_start3A_1001] : memref<256x128xf32, #tpu.memory_space<vmem>> -> memref<128x128xf32, #tpu.memory_space<vmem>>
    %dma_start3A_1003 = arith.constant 128 : i32
    %dma_start3A_1004 = tpu.memref_slice %arg6[%dma_start3A_1003] : memref<1024xi32, #tpu.memory_space<vmem>> -> memref<128xi32, #tpu.memory_space<vmem>>
    %dma_start3A_1005 = arith.constant 0 : i32
    %dma_start3A_1006 = arith.constant 0 : i32
    %dma_start3A_1007 = tpu.memref_slice %arg3[%dma_start3A_1005, %dma_start3A_1006] : memref<131072x128xf32, #tpu.memory_space<hbm>> -> memref<131072x128xf32, #tpu.memory_space<hbm>>
    tpu.enqueue_indirect_dma source(%dma_start3A_1007 : memref<131072x128xf32, #tpu.memory_space<hbm>>) target(%dma_start3A_1002 : memref<128x128xf32, #tpu.memory_space<vmem>>) offsets(%dma_start3A_1004 : memref<128xi32, #tpu.memory_space<vmem>>) semaphore(%arg12 : memref<!tpu.dma_semaphore, #tpu.memory_space<semaphore_mem>>)
    %dma_start3A_1008 = arith.constant 0 : i32
    %dma_start3A_1009 = arith.constant 0 : i32
    %dma_start3A_1010 = tpu.memref_slice %arg9[%dma_start3A_1008, %dma_start3A_1009] : memref<256x128xf32, #tpu.memory_space<vmem>> -> memref<128x128xf32, #tpu.memory_space<vmem>>
    %dma_start3A_1011 = arith.constant 256 : i32
    %dma_start3A_1012 = tpu.memref_slice %arg6[%dma_start3A_1011] : memref<1024xi32, #tpu.memory_space<vmem>> -> memref<128xi32, #tpu.memory_space<vmem>>
    %dma_start3A_1013 = arith.constant 0 : i32
    %dma_start3A_1014 = arith.constant 0 : i32
    %dma_start3A_1015 = tpu.memref_slice %arg3[%dma_start3A_1013, %dma_start3A_1014] : memref<131072x128xf32, #tpu.memory_space<hbm>> -> memref<131072x128xf32, #tpu.memory_space<hbm>>
    tpu.enqueue_indirect_dma source(%dma_start3A_1015 : memref<131072x128xf32, #tpu.memory_space<hbm>>) target(%dma_start3A_1010 : memref<128x128xf32, #tpu.memory_space<vmem>>) offsets(%dma_start3A_1012 : memref<128xi32, #tpu.memory_space<vmem>>) semaphore(%arg12 : memref<!tpu.dma_semaphore, #tpu.memory_space<semaphore_mem>>)
    %dma_start3A_1016 = arith.constant 128 : i32
    %dma_start3A_1017 = arith.constant 0 : i32
    %dma_start3A_1018 = tpu.memref_slice %arg9[%dma_start3A_1016, %dma_start3A_1017] : memref<256x128xf32, #tpu.memory_space<vmem>> -> memref<128x128xf32, #tpu.memory_space<vmem>>
    %dma_start3A_1019 = arith.constant 384 : i32
    %dma_start3A_1020 = tpu.memref_slice %arg6[%dma_start3A_1019] : memref<1024xi32, #tpu.memory_space<vmem>> -> memref<128xi32, #tpu.memory_space<vmem>>
    %dma_start3A_1021 = arith.constant 0 : i32
    %dma_start3A_1022 = arith.constant 0 : i32
    %dma_start3A_1023 = tpu.memref_slice %arg3[%dma_start3A_1021, %dma_start3A_1022] : memref<131072x128xf32, #tpu.memory_space<hbm>> -> memref<131072x128xf32, #tpu.memory_space<hbm>>
    tpu.enqueue_indirect_dma source(%dma_start3A_1023 : memref<131072x128xf32, #tpu.memory_space<hbm>>) target(%dma_start3A_1018 : memref<128x128xf32, #tpu.memory_space<vmem>>) offsets(%dma_start3A_1020 : memref<128xi32, #tpu.memory_space<vmem>>) semaphore(%arg12 : memref<!tpu.dma_semaphore, #tpu.memory_space<semaphore_mem>>)
    %dma_wait3A = arith.constant 0 : i32
    %dma_wait3A_1024 = arith.constant 0 : i32
    %dma_wait3A_1025 = tpu.memref_slice %arg8[%dma_wait3A, %dma_wait3A_1024] : memref<256x128xf32, #tpu.memory_space<vmem>> -> memref<128x128xf32, #tpu.memory_space<vmem>>
    %dma_wait3A_1026 = arith.constant 0 : i32
    %dma_wait3A_1027 = tpu.memref_slice %arg6[%dma_wait3A_1026] : memref<1024xi32, #tpu.memory_space<vmem>> -> memref<128xi32, #tpu.memory_space<vmem>>
    %dma_wait3A_1028 = arith.constant 0 : i32
    %dma_wait3A_1029 = arith.constant 0 : i32
    %dma_wait3A_1030 = tpu.memref_slice %arg3[%dma_wait3A_1028, %dma_wait3A_1029] : memref<131072x128xf32, #tpu.memory_space<hbm>> -> memref<131072x128xf32, #tpu.memory_space<hbm>>
    tpu.wait_indirect_dma semaphore(%arg12 : memref<!tpu.dma_semaphore, #tpu.memory_space<semaphore_mem>>) src(%dma_wait3A_1030 : memref<131072x128xf32, #tpu.memory_space<hbm>>) dst(%dma_wait3A_1025 : memref<128x128xf32, #tpu.memory_space<vmem>>)
    %dma_wait3A_1031 = arith.constant 128 : i32
    %dma_wait3A_1032 = arith.constant 0 : i32
    %dma_wait3A_1033 = tpu.memref_slice %arg8[%dma_wait3A_1031, %dma_wait3A_1032] : memref<256x128xf32, #tpu.memory_space<vmem>> -> memref<128x128xf32, #tpu.memory_space<vmem>>
    %dma_wait3A_1034 = arith.constant 128 : i32
    %dma_wait3A_1035 = tpu.memref_slice %arg6[%dma_wait3A_1034] : memref<1024xi32, #tpu.memory_space<vmem>> -> memref<128xi32, #tpu.memory_space<vmem>>
    %dma_wait3A_1036 = arith.constant 0 : i32
    %dma_wait3A_1037 = arith.constant 0 : i32
    %dma_wait3A_1038 = tpu.memref_slice %arg3[%dma_wait3A_1036, %dma_wait3A_1037] : memref<131072x128xf32, #tpu.memory_space<hbm>> -> memref<131072x128xf32, #tpu.memory_space<hbm>>
    tpu.wait_indirect_dma semaphore(%arg12 : memref<!tpu.dma_semaphore, #tpu.memory_space<semaphore_mem>>) src(%dma_wait3A_1038 : memref<131072x128xf32, #tpu.memory_space<hbm>>) dst(%dma_wait3A_1033 : memref<128x128xf32, #tpu.memory_space<vmem>>)
    %scan3A = arith.constant 0 : i32
    %scan3A_1039 = arith.constant 0 : i32
    %scan3A_1040 = arith.constant 16 : i32
    %scan3A_1041 = arith.addi %scan3A_1039, %scan3A_1040 : i32
    %scan3A_1042 = arith.constant 1 : i32
    %scan3A_1043 = scf.for %scan3A_1170 = %scan3A_1039 to %scan3A_1041 step %scan3A_1042 iter_args(%scan3A_1171 = %scan3A) -> (i32)  : i32 {
      %mul3A_1172 = arith.constant 16 : i32
      %mul3A_1173 = arith.muli %scan3A_1170, %mul3A_1172 : i32
      %add3A_1174 = vector.broadcast %mul3A_1173 : i32 to vector<16xi32>
      %add3A_1175 = arith.addi %iota3A, %add3A_1174 : vector<16xi32>
      %mul3A_1176 = arith.constant 16 : i32
      %mul3A_1177 = arith.muli %scan3A_1170, %mul3A_1176 : i32
      %add3A_1178 = arith.constant 0 : i32
      %add3A_1179 = arith.addi %add3A_1178, %mul3A_1177 : i32
      %get3A_1180 = arith.index_cast %add3A_1179 : i32 to index
      %get3A_1181 = tpu.vector_load %arg7[%get3A_1180] {strides = array<i32>} : memref<1024xi32, #tpu.memory_space<vmem>>, vector<16xi32>,
      %add3A_1182 = arith.constant 0 : i32
      %add3A_1183 = vector.broadcast %add3A_1182 : i32 to vector<16xi32>
      %add3A_1184 = arith.addi %get3A_1181, %add3A_1183 : vector<16xi32>
      %gather3A = tpu.vector_load_idx %arg8[%add3A_1175, %add3A_1184] : memref<256x128xf32, #tpu.memory_space<vmem>>[vector<16xi32>, vector<16xi32>], vector<16xf32>,
      %broadcast_in_dim3A = arith.constant 0 : i32
      %broadcast_in_dim3A_1185 = vector.broadcast %broadcast_in_dim3A : i32 to vector<16xi32>
      tpu.vector_store_idx %arg10[%broadcast_in_dim3A_1185, %add3A_1175], %gather3A : memref<16x256xf32, #tpu.memory_space<vmem>>[vector<16xi32>, vector<16xi32>], vector<16xf32>,
      %add3A_1186 = arith.constant 1 : i32
      %add3A_1187 = vector.broadcast %add3A_1186 : i32 to vector<16xi32>
      %add3A_1188 = arith.addi %get3A_1181, %add3A_1187 : vector<16xi32>
      %gather3A_1189 = tpu.vector_load_idx %arg8[%add3A_1175, %add3A_1188] : memref<256x128xf32, #tpu.memory_space<vmem>>[vector<16xi32>, vector<16xi32>], vector<16xf32>,
      %broadcast_in_dim3A_1190 = arith.constant 1 : i32
      %broadcast_in_dim3A_1191 = vector.broadcast %broadcast_in_dim3A_1190 : i32 to vector<16xi32>
      tpu.vector_store_idx %arg10[%broadcast_in_dim3A_1191, %add3A_1175], %gather3A_1189 : memref<16x256xf32, #tpu.memory_space<vmem>>[vector<16xi32>, vector<16xi32>], vector<16xf32>,
      %add3A_1192 = arith.constant 2 : i32
      %add3A_1193 = vector.broadcast %add3A_1192 : i32 to vector<16xi32>
      %add3A_1194 = arith.addi %get3A_1181, %add3A_1193 : vector<16xi32>
      %gather3A_1195 = tpu.vector_load_idx %arg8[%add3A_1175, %add3A_1194] : memref<256x128xf32, #tpu.memory_space<vmem>>[vector<16xi32>, vector<16xi32>], vector<16xf32>,
      %broadcast_in_dim3A_1196 = arith.constant 2 : i32
      %broadcast_in_dim3A_1197 = vector.broadcast %broadcast_in_dim3A_1196 : i32 to vector<16xi32>
      tpu.vector_store_idx %arg10[%broadcast_in_dim3A_1197, %add3A_1175], %gather3A_1195 : memref<16x256xf32, #tpu.memory_space<vmem>>[vector<16xi32>, vector<16xi32>], vector<16xf32>,
      %add3A_1198 = arith.constant 3 : i32
      %add3A_1199 = vector.broadcast %add3A_1198 : i32 to vector<16xi32>
      %add3A_1200 = arith.addi %get3A_1181, %add3A_1199 : vector<16xi32>
      %gather3A_1201 = tpu.vector_load_idx %arg8[%add3A_1175, %add3A_1200] : memref<256x128xf32, #tpu.memory_space<vmem>>[vector<16xi32>, vector<16xi32>], vector<16xf32>,
      %broadcast_in_dim3A_1202 = arith.constant 3 : i32
      %broadcast_in_dim3A_1203 = vector.broadcast %broadcast_in_dim3A_1202 : i32 to vector<16xi32>
      tpu.vector_store_idx %arg10[%broadcast_in_dim3A_1203, %add3A_1175], %gather3A_1201 : memref<16x256xf32, #tpu.memory_space<vmem>>[vector<16xi32>, vector<16xi32>], vector<16xf32>,
      %add3A_1204 = arith.constant 4 : i32
      %add3A_1205 = vector.broadcast %add3A_1204 : i32 to vector<16xi32>
      %add3A_1206 = arith.addi %get3A_1181, %add3A_1205 : vector<16xi32>
      %gather3A_1207 = tpu.vector_load_idx %arg8[%add3A_1175, %add3A_1206] : memref<256x128xf32, #tpu.memory_space<vmem>>[vector<16xi32>, vector<16xi32>], vector<16xf32>,
      %broadcast_in_dim3A_1208 = arith.constant 4 : i32
      %broadcast_in_dim3A_1209 = vector.broadcast %broadcast_in_dim3A_1208 : i32 to vector<16xi32>
      tpu.vector_store_idx %arg10[%broadcast_in_dim3A_1209, %add3A_1175], %gather3A_1207 : memref<16x256xf32, #tpu.memory_space<vmem>>[vector<16xi32>, vector<16xi32>], vector<16xf32>,
      %add3A_1210 = arith.constant 5 : i32
      %add3A_1211 = vector.broadcast %add3A_1210 : i32 to vector<16xi32>
      %add3A_1212 = arith.addi %get3A_1181, %add3A_1211 : vector<16xi32>
      %gather3A_1213 = tpu.vector_load_idx %arg8[%add3A_1175, %add3A_1212] : memref<256x128xf32, #tpu.memory_space<vmem>>[vector<16xi32>, vector<16xi32>], vector<16xf32>,
      %broadcast_in_dim3A_1214 = arith.constant 5 : i32
      %broadcast_in_dim3A_1215 = vector.broadcast %broadcast_in_dim3A_1214 : i32 to vector<16xi32>
      tpu.vector_store_idx %arg10[%broadcast_in_dim3A_1215, %add3A_1175], %gather3A_1213 : memref<16x256xf32, #tpu.memory_space<vmem>>[vector<16xi32>, vector<16xi32>], vector<16xf32>,
      %add3A_1216 = arith.constant 6 : i32
      %add3A_1217 = vector.broadcast %add3A_1216 : i32 to vector<16xi32>
      %add3A_1218 = arith.addi %get3A_1181, %add3A_1217 : vector<16xi32>
      %gather3A_1219 = tpu.vector_load_idx %arg8[%add3A_1175, %add3A_1218] : memref<256x128xf32, #tpu.memory_space<vmem>>[vector<16xi32>, vector<16xi32>], vector<16xf32>,
      %broadcast_in_dim3A_1220 = arith.constant 6 : i32
      %broadcast_in_dim3A_1221 = vector.broadcast %broadcast_in_dim3A_1220 : i32 to vector<16xi32>
      tpu.vector_store_idx %arg10[%broadcast_in_dim3A_1221, %add3A_1175], %gather3A_1219 : memref<16x256xf32, #tpu.memory_space<vmem>>[vector<16xi32>, vector<16xi32>], vector<16xf32>,
      %add3A_1222 = arith.constant 7 : i32
      %add3A_1223 = vector.broadcast %add3A_1222 : i32 to vector<16xi32>
      %add3A_1224 = arith.addi %get3A_1181, %add3A_1223 : vector<16xi32>
      %gather3A_1225 = tpu.vector_load_idx %arg8[%add3A_1175, %add3A_1224] : memref<256x128xf32, #tpu.memory_space<vmem>>[vector<16xi32>, vector<16xi32>], vector<16xf32>,
      %broadcast_in_dim3A_1226 = arith.constant 7 : i32
      %broadcast_in_dim3A_1227 = vector.broadcast %broadcast_in_dim3A_1226 : i32 to vector<16xi32>
      tpu.vector_store_idx %arg10[%broadcast_in_dim3A_1227, %add3A_1175], %gather3A_1225 : memref<16x256xf32, #tpu.memory_space<vmem>>[vector<16xi32>, vector<16xi32>], vector<16xf32>,
      %add3A_1228 = arith.constant 8 : i32
      %add3A_1229 = vector.broadcast %add3A_1228 : i32 to vector<16xi32>
      %add3A_1230 = arith.addi %get3A_1181, %add3A_1229 : vector<16xi32>
      %gather3A_1231 = tpu.vector_load_idx %arg8[%add3A_1175, %add3A_1230] : memref<256x128xf32, #tpu.memory_space<vmem>>[vector<16xi32>, vector<16xi32>], vector<16xf32>,
      %broadcast_in_dim3A_1232 = arith.constant 8 : i32
      %broadcast_in_dim3A_1233 = vector.broadcast %broadcast_in_dim3A_1232 : i32 to vector<16xi32>
      tpu.vector_store_idx %arg10[%broadcast_in_dim3A_1233, %add3A_1175], %gather3A_1231 : memref<16x256xf32, #tpu.memory_space<vmem>>[vector<16xi32>, vector<16xi32>], vector<16xf32>,
      %add3A_1234 = arith.constant 9 : i32
      %add3A_1235 = vector.broadcast %add3A_1234 : i32 to vector<16xi32>
      %add3A_1236 = arith.addi %get3A_1181, %add3A_1235 : vector<16xi32>
      %gather3A_1237 = tpu.vector_load_idx %arg8[%add3A_1175, %add3A_1236] : memref<256x128xf32, #tpu.memory_space<vmem>>[vector<16xi32>, vector<16xi32>], vector<16xf32>,
      %broadcast_in_dim3A_1238 = arith.constant 9 : i32
      %broadcast_in_dim3A_1239 = vector.broadcast %broadcast_in_dim3A_1238 : i32 to vector<16xi32>
      tpu.vector_store_idx %arg10[%broadcast_in_dim3A_1239, %add3A_1175], %gather3A_1237 : memref<16x256xf32, #tpu.memory_space<vmem>>[vector<16xi32>, vector<16xi32>], vector<16xf32>,
      %add3A_1240 = arith.constant 10 : i32
      %add3A_1241 = vector.broadcast %add3A_1240 : i32 to vector<16xi32>
      %add3A_1242 = arith.addi %get3A_1181, %add3A_1241 : vector<16xi32>
      %gather3A_1243 = tpu.vector_load_idx %arg8[%add3A_1175, %add3A_1242] : memref<256x128xf32, #tpu.memory_space<vmem>>[vector<16xi32>, vector<16xi32>], vector<16xf32>,
      %broadcast_in_dim3A_1244 = arith.constant 10 : i32
      %broadcast_in_dim3A_1245 = vector.broadcast %broadcast_in_dim3A_1244 : i32 to vector<16xi32>
      tpu.vector_store_idx %arg10[%broadcast_in_dim3A_1245, %add3A_1175], %gather3A_1243 : memref<16x256xf32, #tpu.memory_space<vmem>>[vector<16xi32>, vector<16xi32>], vector<16xf32>,
      %add3A_1246 = arith.constant 11 : i32
      %add3A_1247 = vector.broadcast %add3A_1246 : i32 to vector<16xi32>
      %add3A_1248 = arith.addi %get3A_1181, %add3A_1247 : vector<16xi32>
      %gather3A_1249 = tpu.vector_load_idx %arg8[%add3A_1175, %add3A_1248] : memref<256x128xf32, #tpu.memory_space<vmem>>[vector<16xi32>, vector<16xi32>], vector<16xf32>,
      %broadcast_in_dim3A_1250 = arith.constant 11 : i32
      %broadcast_in_dim3A_1251 = vector.broadcast %broadcast_in_dim3A_1250 : i32 to vector<16xi32>
      tpu.vector_store_idx %arg10[%broadcast_in_dim3A_1251, %add3A_1175], %gather3A_1249 : memref<16x256xf32, #tpu.memory_space<vmem>>[vector<16xi32>, vector<16xi32>], vector<16xf32>,
      %add3A_1252 = arith.constant 12 : i32
      %add3A_1253 = vector.broadcast %add3A_1252 : i32 to vector<16xi32>
      %add3A_1254 = arith.addi %get3A_1181, %add3A_1253 : vector<16xi32>
      %gather3A_1255 = tpu.vector_load_idx %arg8[%add3A_1175, %add3A_1254] : memref<256x128xf32, #tpu.memory_space<vmem>>[vector<16xi32>, vector<16xi32>], vector<16xf32>,
      %broadcast_in_dim3A_1256 = arith.constant 12 : i32
      %broadcast_in_dim3A_1257 = vector.broadcast %broadcast_in_dim3A_1256 : i32 to vector<16xi32>
      tpu.vector_store_idx %arg10[%broadcast_in_dim3A_1257, %add3A_1175], %gather3A_1255 : memref<16x256xf32, #tpu.memory_space<vmem>>[vector<16xi32>, vector<16xi32>], vector<16xf32>,
      %add3A_1258 = arith.constant 13 : i32
      %add3A_1259 = vector.broadcast %add3A_1258 : i32 to vector<16xi32>
      %add3A_1260 = arith.addi %get3A_1181, %add3A_1259 : vector<16xi32>
      %gather3A_1261 = tpu.vector_load_idx %arg8[%add3A_1175, %add3A_1260] : memref<256x128xf32, #tpu.memory_space<vmem>>[vector<16xi32>, vector<16xi32>], vector<16xf32>,
      %broadcast_in_dim3A_1262 = arith.constant 13 : i32
      %broadcast_in_dim3A_1263 = vector.broadcast %broadcast_in_dim3A_1262 : i32 to vector<16xi32>
      tpu.vector_store_idx %arg10[%broadcast_in_dim3A_1263, %add3A_1175], %gather3A_1261 : memref<16x256xf32, #tpu.memory_space<vmem>>[vector<16xi32>, vector<16xi32>], vector<16xf32>,
      %add3A_1264 = arith.constant 14 : i32
      %add3A_1265 = vector.broadcast %add3A_1264 : i32 to vector<16xi32>
      %add3A_1266 = arith.addi %get3A_1181, %add3A_1265 : vector<16xi32>
      %gather3A_1267 = tpu.vector_load_idx %arg8[%add3A_1175, %add3A_1266] : memref<256x128xf32, #tpu.memory_space<vmem>>[vector<16xi32>, vector<16xi32>], vector<16xf32>,
      %broadcast_in_dim3A_1268 = arith.constant 14 : i32
      %broadcast_in_dim3A_1269 = vector.broadcast %broadcast_in_dim3A_1268 : i32 to vector<16xi32>
      tpu.vector_store_idx %arg10[%broadcast_in_dim3A_1269, %add3A_1175], %gather3A_1267 : memref<16x256xf32, #tpu.memory_space<vmem>>[vector<16xi32>, vector<16xi32>], vector<16xf32>,
      %add3A_1270 = arith.constant 15 : i32
      %add3A_1271 = vector.broadcast %add3A_1270 : i32 to vector<16xi32>
      %add3A_1272 = arith.addi %get3A_1181, %add3A_1271 : vector<16xi32>
      %gather3A_1273 = tpu.vector_load_idx %arg8[%add3A_1175, %add3A_1272] : memref<256x128xf32, #tpu.memory_space<vmem>>[vector<16xi32>, vector<16xi32>], vector<16xf32>,
      %broadcast_in_dim3A_1274 = arith.constant 15 : i32
      %broadcast_in_dim3A_1275 = vector.broadcast %broadcast_in_dim3A_1274 : i32 to vector<16xi32>
      tpu.vector_store_idx %arg10[%broadcast_in_dim3A_1275, %add3A_1175], %gather3A_1273 : memref<16x256xf32, #tpu.memory_space<vmem>>[vector<16xi32>, vector<16xi32>], vector<16xf32>,
      %scan3A_1276 = arith.constant 0 : i32
      scf.yield %scan3A_1276 : i32
    }
    %scan3A_1044 = arith.constant 16 : i32
    %add3A_1045 = arith.constant 0 : i32
    %add3A_1046 = arith.addi %mul3A_36, %add3A_1045 : i32
    %dma_start3A_1047 = tpu.memref_slice %arg4[%mul3A_20, %add3A_1046] : memref<32x16384xf32, #tpu.memory_space<hbm>> -> memref<16x256xf32, #tpu.memory_space<hbm>>
    %dma_start3A_1048 = tpu.memref_slice %arg4[%mul3A_20, %add3A_1046] : memref<32x16384xf32, #tpu.memory_space<hbm>> -> memref<16x256xf32, #tpu.memory_space<hbm>>
    tpu.enqueue_dma source(%arg10 : memref<16x256xf32, #tpu.memory_space<vmem>>) target(%dma_start3A_1048 : memref<16x256xf32, #tpu.memory_space<hbm>>) target_semaphore(%arg13 : memref<!tpu.dma_semaphore, #tpu.memory_space<semaphore_mem>>)
    %dma_wait3A_1049 = tpu.memref_slice %arg4[%mul3A_20, %add3A_1046] : memref<32x16384xf32, #tpu.memory_space<hbm>> -> memref<16x256xf32, #tpu.memory_space<hbm>>
    %dma_wait3A_1050 = tpu.memref_slice %arg4[%mul3A_20, %add3A_1046] : memref<32x16384xf32, #tpu.memory_space<hbm>> -> memref<16x256xf32, #tpu.memory_space<hbm>>
    tpu.wait_dma2 semaphore(%arg13 : memref<!tpu.dma_semaphore, #tpu.memory_space<semaphore_mem>>) src(%arg10 : memref<16x256xf32, #tpu.memory_space<vmem>>) dst(%dma_wait3A_1050 : memref<16x256xf32, #tpu.memory_space<hbm>>)
    %dma_start3A_1051 = arith.constant 0 : i32
    %dma_start3A_1052 = arith.constant 0 : i32
    %dma_start3A_1053 = tpu.memref_slice %arg8[%dma_start3A_1051, %dma_start3A_1052] : memref<256x128xf32, #tpu.memory_space<vmem>> -> memref<128x128xf32, #tpu.memory_space<vmem>>
    %dma_start3A_1054 = arith.constant 512 : i32
    %dma_start3A_1055 = tpu.memref_slice %arg6[%dma_start3A_1054] : memref<1024xi32, #tpu.memory_space<vmem>> -> memref<128xi32, #tpu.memory_space<vmem>>
    %dma_start3A_1056 = arith.constant 0 : i32
    %dma_start3A_1057 = arith.constant 0 : i32
    %dma_start3A_1058 = tpu.memref_slice %arg3[%dma_start3A_1056, %dma_start3A_1057] : memref<131072x128xf32, #tpu.memory_space<hbm>> -> memref<131072x128xf32, #tpu.memory_space<hbm>>
    tpu.enqueue_indirect_dma source(%dma_start3A_1058 : memref<131072x128xf32, #tpu.memory_space<hbm>>) target(%dma_start3A_1053 : memref<128x128xf32, #tpu.memory_space<vmem>>) offsets(%dma_start3A_1055 : memref<128xi32, #tpu.memory_space<vmem>>) semaphore(%arg12 : memref<!tpu.dma_semaphore, #tpu.memory_space<semaphore_mem>>)
    %dma_start3A_1059 = arith.constant 128 : i32
    %dma_start3A_1060 = arith.constant 0 : i32
    %dma_start3A_1061 = tpu.memref_slice %arg8[%dma_start3A_1059, %dma_start3A_1060] : memref<256x128xf32, #tpu.memory_space<vmem>> -> memref<128x128xf32, #tpu.memory_space<vmem>>
    %dma_start3A_1062 = arith.constant 640 : i32
    %dma_start3A_1063 = tpu.memref_slice %arg6[%dma_start3A_1062] : memref<1024xi32, #tpu.memory_space<vmem>> -> memref<128xi32, #tpu.memory_space<vmem>>
    %dma_start3A_1064 = arith.constant 0 : i32
    %dma_start3A_1065 = arith.constant 0 : i32
    %dma_start3A_1066 = tpu.memref_slice %arg3[%dma_start3A_1064, %dma_start3A_1065] : memref<131072x128xf32, #tpu.memory_space<hbm>> -> memref<131072x128xf32, #tpu.memory_space<hbm>>
    tpu.enqueue_indirect_dma source(%dma_start3A_1066 : memref<131072x128xf32, #tpu.memory_space<hbm>>) target(%dma_start3A_1061 : memref<128x128xf32, #tpu.memory_space<vmem>>) offsets(%dma_start3A_1063 : memref<128xi32, #tpu.memory_space<vmem>>) semaphore(%arg12 : memref<!tpu.dma_semaphore, #tpu.memory_space<semaphore_mem>>)
    %dma_wait3A_1067 = arith.constant 0 : i32
    %dma_wait3A_1068 = arith.constant 0 : i32
    %dma_wait3A_1069 = tpu.memref_slice %arg9[%dma_wait3A_1067, %dma_wait3A_1068] : memref<256x128xf32, #tpu.memory_space<vmem>> -> memref<128x128xf32, #tpu.memory_space<vmem>>
    %dma_wait3A_1070 = arith.constant 256 : i32
    %dma_wait3A_1071 = tpu.memref_slice %arg6[%dma_wait3A_1070] : memref<1024xi32, #tpu.memory_space<vmem>> -> memref<128xi32, #tpu.memory_space<vmem>>
    %dma_wait3A_1072 = arith.constant 0 : i32
    %dma_wait3A_1073 = arith.constant 0 : i32
    %dma_wait3A_1074 = tpu.memref_slice %arg3[%dma_wait3A_1072, %dma_wait3A_1073] : memref<131072x128xf32, #tpu.memory_space<hbm>> -> memref<131072x128xf32, #tpu.memory_space<hbm>>
    tpu.wait_indirect_dma semaphore(%arg12 : memref<!tpu.dma_semaphore, #tpu.memory_space<semaphore_mem>>) src(%dma_wait3A_1074 : memref<131072x128xf32, #tpu.memory_space<hbm>>) dst(%dma_wait3A_1069 : memref<128x128xf32, #tpu.memory_space<vmem>>)
    %dma_wait3A_1075 = arith.constant 128 : i32
    %dma_wait3A_1076 = arith.constant 0 : i32
    %dma_wait3A_1077 = tpu.memref_slice %arg9[%dma_wait3A_1075, %dma_wait3A_1076] : memref<256x128xf32, #tpu.memory_space<vmem>> -> memref<128x128xf32, #tpu.memory_space<vmem>>
    %dma_wait3A_1078 = arith.constant 384 : i32
    %dma_wait3A_1079 = tpu.memref_slice %arg6[%dma_wait3A_1078] : memref<1024xi32, #tpu.memory_space<vmem>> -> memref<128xi32, #tpu.memory_space<vmem>>
    %dma_wait3A_1080 = arith.constant 0 : i32
    %dma_wait3A_1081 = arith.constant 0 : i32
    %dma_wait3A_1082 = tpu.memref_slice %arg3[%dma_wait3A_1080, %dma_wait3A_1081] : memref<131072x128xf32, #tpu.memory_space<hbm>> -> memref<131072x128xf32, #tpu.memory_space<hbm>>
    tpu.wait_indirect_dma semaphore(%arg12 : memref<!tpu.dma_semaphore, #tpu.memory_space<semaphore_mem>>) src(%dma_wait3A_1082 : memref<131072x128xf32, #tpu.memory_space<hbm>>) dst(%dma_wait3A_1077 : memref<128x128xf32, #tpu.memory_space<vmem>>)
    %scan3A_1083 = arith.constant 0 : i32
    %scan3A_1084 = arith.constant 0 : i32
    %scan3A_1085 = arith.constant 16 : i32
    %scan3A_1086 = arith.addi %scan3A_1084, %scan3A_1085 : i32
    %scan3A_1087 = arith.constant 1 : i32
    %scan3A_1088 = scf.for %scan3A_1170 = %scan3A_1084 to %scan3A_1086 step %scan3A_1087 iter_args(%scan3A_1171 = %scan3A_1083) -> (i32)  : i32 {
      %mul3A_1172 = arith.constant 16 : i32
      %mul3A_1173 = arith.muli %scan3A_1170, %mul3A_1172 : i32
      %add3A_1174 = vector.broadcast %mul3A_1173 : i32 to vector<16xi32>
      %add3A_1175 = arith.addi %iota3A, %add3A_1174 : vector<16xi32>
      %mul3A_1176 = arith.constant 16 : i32
      %mul3A_1177 = arith.muli %scan3A_1170, %mul3A_1176 : i32
      %add3A_1178 = arith.constant 256 : i32
      %add3A_1179 = arith.addi %add3A_1178, %mul3A_1177 : i32
      %get3A_1180 = arith.index_cast %add3A_1179 : i32 to index
      %get3A_1181 = tpu.vector_load %arg7[%get3A_1180] {strides = array<i32>} : memref<1024xi32, #tpu.memory_space<vmem>>, vector<16xi32>,
      %add3A_1182 = arith.constant 0 : i32
      %add3A_1183 = vector.broadcast %add3A_1182 : i32 to vector<16xi32>
      %add3A_1184 = arith.addi %get3A_1181, %add3A_1183 : vector<16xi32>
      %gather3A = tpu.vector_load_idx %arg9[%add3A_1175, %add3A_1184] : memref<256x128xf32, #tpu.memory_space<vmem>>[vector<16xi32>, vector<16xi32>], vector<16xf32>,
      %broadcast_in_dim3A = arith.constant 0 : i32
      %broadcast_in_dim3A_1185 = vector.broadcast %broadcast_in_dim3A : i32 to vector<16xi32>
      tpu.vector_store_idx %arg11[%broadcast_in_dim3A_1185, %add3A_1175], %gather3A : memref<16x256xf32, #tpu.memory_space<vmem>>[vector<16xi32>, vector<16xi32>], vector<16xf32>,
      %add3A_1186 = arith.constant 1 : i32
      %add3A_1187 = vector.broadcast %add3A_1186 : i32 to vector<16xi32>
      %add3A_1188 = arith.addi %get3A_1181, %add3A_1187 : vector<16xi32>
      %gather3A_1189 = tpu.vector_load_idx %arg9[%add3A_1175, %add3A_1188] : memref<256x128xf32, #tpu.memory_space<vmem>>[vector<16xi32>, vector<16xi32>], vector<16xf32>,
      %broadcast_in_dim3A_1190 = arith.constant 1 : i32
      %broadcast_in_dim3A_1191 = vector.broadcast %broadcast_in_dim3A_1190 : i32 to vector<16xi32>
      tpu.vector_store_idx %arg11[%broadcast_in_dim3A_1191, %add3A_1175], %gather3A_1189 : memref<16x256xf32, #tpu.memory_space<vmem>>[vector<16xi32>, vector<16xi32>], vector<16xf32>,
      %add3A_1192 = arith.constant 2 : i32
      %add3A_1193 = vector.broadcast %add3A_1192 : i32 to vector<16xi32>
      %add3A_1194 = arith.addi %get3A_1181, %add3A_1193 : vector<16xi32>
      %gather3A_1195 = tpu.vector_load_idx %arg9[%add3A_1175, %add3A_1194] : memref<256x128xf32, #tpu.memory_space<vmem>>[vector<16xi32>, vector<16xi32>], vector<16xf32>,
      %broadcast_in_dim3A_1196 = arith.constant 2 : i32
      %broadcast_in_dim3A_1197 = vector.broadcast %broadcast_in_dim3A_1196 : i32 to vector<16xi32>
      tpu.vector_store_idx %arg11[%broadcast_in_dim3A_1197, %add3A_1175], %gather3A_1195 : memref<16x256xf32, #tpu.memory_space<vmem>>[vector<16xi32>, vector<16xi32>], vector<16xf32>,
      %add3A_1198 = arith.constant 3 : i32
      %add3A_1199 = vector.broadcast %add3A_1198 : i32 to vector<16xi32>
      %add3A_1200 = arith.addi %get3A_1181, %add3A_1199 : vector<16xi32>
      %gather3A_1201 = tpu.vector_load_idx %arg9[%add3A_1175, %add3A_1200] : memref<256x128xf32, #tpu.memory_space<vmem>>[vector<16xi32>, vector<16xi32>], vector<16xf32>,
      %broadcast_in_dim3A_1202 = arith.constant 3 : i32
      %broadcast_in_dim3A_1203 = vector.broadcast %broadcast_in_dim3A_1202 : i32 to vector<16xi32>
      tpu.vector_store_idx %arg11[%broadcast_in_dim3A_1203, %add3A_1175], %gather3A_1201 : memref<16x256xf32, #tpu.memory_space<vmem>>[vector<16xi32>, vector<16xi32>], vector<16xf32>,
      %add3A_1204 = arith.constant 4 : i32
      %add3A_1205 = vector.broadcast %add3A_1204 : i32 to vector<16xi32>
      %add3A_1206 = arith.addi %get3A_1181, %add3A_1205 : vector<16xi32>
      %gather3A_1207 = tpu.vector_load_idx %arg9[%add3A_1175, %add3A_1206] : memref<256x128xf32, #tpu.memory_space<vmem>>[vector<16xi32>, vector<16xi32>], vector<16xf32>,
      %broadcast_in_dim3A_1208 = arith.constant 4 : i32
      %broadcast_in_dim3A_1209 = vector.broadcast %broadcast_in_dim3A_1208 : i32 to vector<16xi32>
      tpu.vector_store_idx %arg11[%broadcast_in_dim3A_1209, %add3A_1175], %gather3A_1207 : memref<16x256xf32, #tpu.memory_space<vmem>>[vector<16xi32>, vector<16xi32>], vector<16xf32>,
      %add3A_1210 = arith.constant 5 : i32
      %add3A_1211 = vector.broadcast %add3A_1210 : i32 to vector<16xi32>
      %add3A_1212 = arith.addi %get3A_1181, %add3A_1211 : vector<16xi32>
      %gather3A_1213 = tpu.vector_load_idx %arg9[%add3A_1175, %add3A_1212] : memref<256x128xf32, #tpu.memory_space<vmem>>[vector<16xi32>, vector<16xi32>], vector<16xf32>,
      %broadcast_in_dim3A_1214 = arith.constant 5 : i32
      %broadcast_in_dim3A_1215 = vector.broadcast %broadcast_in_dim3A_1214 : i32 to vector<16xi32>
      tpu.vector_store_idx %arg11[%broadcast_in_dim3A_1215, %add3A_1175], %gather3A_1213 : memref<16x256xf32, #tpu.memory_space<vmem>>[vector<16xi32>, vector<16xi32>], vector<16xf32>,
      %add3A_1216 = arith.constant 6 : i32
      %add3A_1217 = vector.broadcast %add3A_1216 : i32 to vector<16xi32>
      %add3A_1218 = arith.addi %get3A_1181, %add3A_1217 : vector<16xi32>
      %gather3A_1219 = tpu.vector_load_idx %arg9[%add3A_1175, %add3A_1218] : memref<256x128xf32, #tpu.memory_space<vmem>>[vector<16xi32>, vector<16xi32>], vector<16xf32>,
      %broadcast_in_dim3A_1220 = arith.constant 6 : i32
      %broadcast_in_dim3A_1221 = vector.broadcast %broadcast_in_dim3A_1220 : i32 to vector<16xi32>
      tpu.vector_store_idx %arg11[%broadcast_in_dim3A_1221, %add3A_1175], %gather3A_1219 : memref<16x256xf32, #tpu.memory_space<vmem>>[vector<16xi32>, vector<16xi32>], vector<16xf32>,
      %add3A_1222 = arith.constant 7 : i32
      %add3A_1223 = vector.broadcast %add3A_1222 : i32 to vector<16xi32>
      %add3A_1224 = arith.addi %get3A_1181, %add3A_1223 : vector<16xi32>
      %gather3A_1225 = tpu.vector_load_idx %arg9[%add3A_1175, %add3A_1224] : memref<256x128xf32, #tpu.memory_space<vmem>>[vector<16xi32>, vector<16xi32>], vector<16xf32>,
      %broadcast_in_dim3A_1226 = arith.constant 7 : i32
      %broadcast_in_dim3A_1227 = vector.broadcast %broadcast_in_dim3A_1226 : i32 to vector<16xi32>
      tpu.vector_store_idx %arg11[%broadcast_in_dim3A_1227, %add3A_1175], %gather3A_1225 : memref<16x256xf32, #tpu.memory_space<vmem>>[vector<16xi32>, vector<16xi32>], vector<16xf32>,
      %add3A_1228 = arith.constant 8 : i32
      %add3A_1229 = vector.broadcast %add3A_1228 : i32 to vector<16xi32>
      %add3A_1230 = arith.addi %get3A_1181, %add3A_1229 : vector<16xi32>
      %gather3A_1231 = tpu.vector_load_idx %arg9[%add3A_1175, %add3A_1230] : memref<256x128xf32, #tpu.memory_space<vmem>>[vector<16xi32>, vector<16xi32>], vector<16xf32>,
      %broadcast_in_dim3A_1232 = arith.constant 8 : i32
      %broadcast_in_dim3A_1233 = vector.broadcast %broadcast_in_dim3A_1232 : i32 to vector<16xi32>
      tpu.vector_store_idx %arg11[%broadcast_in_dim3A_1233, %add3A_1175], %gather3A_1231 : memref<16x256xf32, #tpu.memory_space<vmem>>[vector<16xi32>, vector<16xi32>], vector<16xf32>,
      %add3A_1234 = arith.constant 9 : i32
      %add3A_1235 = vector.broadcast %add3A_1234 : i32 to vector<16xi32>
      %add3A_1236 = arith.addi %get3A_1181, %add3A_1235 : vector<16xi32>
      %gather3A_1237 = tpu.vector_load_idx %arg9[%add3A_1175, %add3A_1236] : memref<256x128xf32, #tpu.memory_space<vmem>>[vector<16xi32>, vector<16xi32>], vector<16xf32>,
      %broadcast_in_dim3A_1238 = arith.constant 9 : i32
      %broadcast_in_dim3A_1239 = vector.broadcast %broadcast_in_dim3A_1238 : i32 to vector<16xi32>
      tpu.vector_store_idx %arg11[%broadcast_in_dim3A_1239, %add3A_1175], %gather3A_1237 : memref<16x256xf32, #tpu.memory_space<vmem>>[vector<16xi32>, vector<16xi32>], vector<16xf32>,
      %add3A_1240 = arith.constant 10 : i32
      %add3A_1241 = vector.broadcast %add3A_1240 : i32 to vector<16xi32>
      %add3A_1242 = arith.addi %get3A_1181, %add3A_1241 : vector<16xi32>
      %gather3A_1243 = tpu.vector_load_idx %arg9[%add3A_1175, %add3A_1242] : memref<256x128xf32, #tpu.memory_space<vmem>>[vector<16xi32>, vector<16xi32>], vector<16xf32>,
      %broadcast_in_dim3A_1244 = arith.constant 10 : i32
      %broadcast_in_dim3A_1245 = vector.broadcast %broadcast_in_dim3A_1244 : i32 to vector<16xi32>
      tpu.vector_store_idx %arg11[%broadcast_in_dim3A_1245, %add3A_1175], %gather3A_1243 : memref<16x256xf32, #tpu.memory_space<vmem>>[vector<16xi32>, vector<16xi32>], vector<16xf32>,
      %add3A_1246 = arith.constant 11 : i32
      %add3A_1247 = vector.broadcast %add3A_1246 : i32 to vector<16xi32>
      %add3A_1248 = arith.addi %get3A_1181, %add3A_1247 : vector<16xi32>
      %gather3A_1249 = tpu.vector_load_idx %arg9[%add3A_1175, %add3A_1248] : memref<256x128xf32, #tpu.memory_space<vmem>>[vector<16xi32>, vector<16xi32>], vector<16xf32>,
      %broadcast_in_dim3A_1250 = arith.constant 11 : i32
      %broadcast_in_dim3A_1251 = vector.broadcast %broadcast_in_dim3A_1250 : i32 to vector<16xi32>
      tpu.vector_store_idx %arg11[%broadcast_in_dim3A_1251, %add3A_1175], %gather3A_1249 : memref<16x256xf32, #tpu.memory_space<vmem>>[vector<16xi32>, vector<16xi32>], vector<16xf32>,
      %add3A_1252 = arith.constant 12 : i32
      %add3A_1253 = vector.broadcast %add3A_1252 : i32 to vector<16xi32>
      %add3A_1254 = arith.addi %get3A_1181, %add3A_1253 : vector<16xi32>
      %gather3A_1255 = tpu.vector_load_idx %arg9[%add3A_1175, %add3A_1254] : memref<256x128xf32, #tpu.memory_space<vmem>>[vector<16xi32>, vector<16xi32>], vector<16xf32>,
      %broadcast_in_dim3A_1256 = arith.constant 12 : i32
      %broadcast_in_dim3A_1257 = vector.broadcast %broadcast_in_dim3A_1256 : i32 to vector<16xi32>
      tpu.vector_store_idx %arg11[%broadcast_in_dim3A_1257, %add3A_1175], %gather3A_1255 : memref<16x256xf32, #tpu.memory_space<vmem>>[vector<16xi32>, vector<16xi32>], vector<16xf32>,
      %add3A_1258 = arith.constant 13 : i32
      %add3A_1259 = vector.broadcast %add3A_1258 : i32 to vector<16xi32>
      %add3A_1260 = arith.addi %get3A_1181, %add3A_1259 : vector<16xi32>
      %gather3A_1261 = tpu.vector_load_idx %arg9[%add3A_1175, %add3A_1260] : memref<256x128xf32, #tpu.memory_space<vmem>>[vector<16xi32>, vector<16xi32>], vector<16xf32>,
      %broadcast_in_dim3A_1262 = arith.constant 13 : i32
      %broadcast_in_dim3A_1263 = vector.broadcast %broadcast_in_dim3A_1262 : i32 to vector<16xi32>
      tpu.vector_store_idx %arg11[%broadcast_in_dim3A_1263, %add3A_1175], %gather3A_1261 : memref<16x256xf32, #tpu.memory_space<vmem>>[vector<16xi32>, vector<16xi32>], vector<16xf32>,
      %add3A_1264 = arith.constant 14 : i32
      %add3A_1265 = vector.broadcast %add3A_1264 : i32 to vector<16xi32>
      %add3A_1266 = arith.addi %get3A_1181, %add3A_1265 : vector<16xi32>
      %gather3A_1267 = tpu.vector_load_idx %arg9[%add3A_1175, %add3A_1266] : memref<256x128xf32, #tpu.memory_space<vmem>>[vector<16xi32>, vector<16xi32>], vector<16xf32>,
      %broadcast_in_dim3A_1268 = arith.constant 14 : i32
      %broadcast_in_dim3A_1269 = vector.broadcast %broadcast_in_dim3A_1268 : i32 to vector<16xi32>
      tpu.vector_store_idx %arg11[%broadcast_in_dim3A_1269, %add3A_1175], %gather3A_1267 : memref<16x256xf32, #tpu.memory_space<vmem>>[vector<16xi32>, vector<16xi32>], vector<16xf32>,
      %add3A_1270 = arith.constant 15 : i32
      %add3A_1271 = vector.broadcast %add3A_1270 : i32 to vector<16xi32>
      %add3A_1272 = arith.addi %get3A_1181, %add3A_1271 : vector<16xi32>
      %gather3A_1273 = tpu.vector_load_idx %arg9[%add3A_1175, %add3A_1272] : memref<256x128xf32, #tpu.memory_space<vmem>>[vector<16xi32>, vector<16xi32>], vector<16xf32>,
      %broadcast_in_dim3A_1274 = arith.constant 15 : i32
      %broadcast_in_dim3A_1275 = vector.broadcast %broadcast_in_dim3A_1274 : i32 to vector<16xi32>
      tpu.vector_store_idx %arg11[%broadcast_in_dim3A_1275, %add3A_1175], %gather3A_1273 : memref<16x256xf32, #tpu.memory_space<vmem>>[vector<16xi32>, vector<16xi32>], vector<16xf32>,
      %scan3A_1276 = arith.constant 0 : i32
      scf.yield %scan3A_1276 : i32
    }
    %scan3A_1089 = arith.constant 16 : i32
    %add3A_1090 = arith.constant 256 : i32
    %add3A_1091 = arith.addi %mul3A_36, %add3A_1090 : i32
    %dma_start3A_1092 = tpu.memref_slice %arg4[%mul3A_20, %add3A_1091] : memref<32x16384xf32, #tpu.memory_space<hbm>> -> memref<16x256xf32, #tpu.memory_space<hbm>>
    %dma_start3A_1093 = tpu.memref_slice %arg4[%mul3A_20, %add3A_1091] : memref<32x16384xf32, #tpu.memory_space<hbm>> -> memref<16x256xf32, #tpu.memory_space<hbm>>
    tpu.enqueue_dma source(%arg11 : memref<16x256xf32, #tpu.memory_space<vmem>>) target(%dma_start3A_1093 : memref<16x256xf32, #tpu.memory_space<hbm>>) target_semaphore(%arg13 : memref<!tpu.dma_semaphore, #tpu.memory_space<semaphore_mem>>)
    %dma_wait3A_1094 = tpu.memref_slice %arg4[%mul3A_20, %add3A_1091] : memref<32x16384xf32, #tpu.memory_space<hbm>> -> memref<16x256xf32, #tpu.memory_space<hbm>>
    %dma_wait3A_1095 = tpu.memref_slice %arg4[%mul3A_20, %add3A_1091] : memref<32x16384xf32, #tpu.memory_space<hbm>> -> memref<16x256xf32, #tpu.memory_space<hbm>>
    tpu.wait_dma2 semaphore(%arg13 : memref<!tpu.dma_semaphore, #tpu.memory_space<semaphore_mem>>) src(%arg11 : memref<16x256xf32, #tpu.memory_space<vmem>>) dst(%dma_wait3A_1095 : memref<16x256xf32, #tpu.memory_space<hbm>>)
    %dma_start3A_1096 = arith.constant 0 : i32
    %dma_start3A_1097 = arith.constant 0 : i32
    %dma_start3A_1098 = tpu.memref_slice %arg9[%dma_start3A_1096, %dma_start3A_1097] : memref<256x128xf32, #tpu.memory_space<vmem>> -> memref<128x128xf32, #tpu.memory_space<vmem>>
    %dma_start3A_1099 = arith.constant 768 : i32
    %dma_start3A_1100 = tpu.memref_slice %arg6[%dma_start3A_1099] : memref<1024xi32, #tpu.memory_space<vmem>> -> memref<128xi32, #tpu.memory_space<vmem>>
    %dma_start3A_1101 = arith.constant 0 : i32
    %dma_start3A_1102 = arith.constant 0 : i32
    %dma_start3A_1103 = tpu.memref_slice %arg3[%dma_start3A_1101, %dma_start3A_1102] : memref<131072x128xf32, #tpu.memory_space<hbm>> -> memref<131072x128xf32, #tpu.memory_space<hbm>>
    tpu.enqueue_indirect_dma source(%dma_start3A_1103 : memref<131072x128xf32, #tpu.memory_space<hbm>>) target(%dma_start3A_1098 : memref<128x128xf32, #tpu.memory_space<vmem>>) offsets(%dma_start3A_1100 : memref<128xi32, #tpu.memory_space<vmem>>) semaphore(%arg12 : memref<!tpu.dma_semaphore, #tpu.memory_space<semaphore_mem>>)
    %dma_start3A_1104 = arith.constant 128 : i32
    %dma_start3A_1105 = arith.constant 0 : i32
    %dma_start3A_1106 = tpu.memref_slice %arg9[%dma_start3A_1104, %dma_start3A_1105] : memref<256x128xf32, #tpu.memory_space<vmem>> -> memref<128x128xf32, #tpu.memory_space<vmem>>
    %dma_start3A_1107 = arith.constant 896 : i32
    %dma_start3A_1108 = tpu.memref_slice %arg6[%dma_start3A_1107] : memref<1024xi32, #tpu.memory_space<vmem>> -> memref<128xi32, #tpu.memory_space<vmem>>
    %dma_start3A_1109 = arith.constant 0 : i32
    %dma_start3A_1110 = arith.constant 0 : i32
    %dma_start3A_1111 = tpu.memref_slice %arg3[%dma_start3A_1109, %dma_start3A_1110] : memref<131072x128xf32, #tpu.memory_space<hbm>> -> memref<131072x128xf32, #tpu.memory_space<hbm>>
    tpu.enqueue_indirect_dma source(%dma_start3A_1111 : memref<131072x128xf32, #tpu.memory_space<hbm>>) target(%dma_start3A_1106 : memref<128x128xf32, #tpu.memory_space<vmem>>) offsets(%dma_start3A_1108 : memref<128xi32, #tpu.memory_space<vmem>>) semaphore(%arg12 : memref<!tpu.dma_semaphore, #tpu.memory_space<semaphore_mem>>)
    %dma_wait3A_1112 = arith.constant 0 : i32
    %dma_wait3A_1113 = arith.constant 0 : i32
    %dma_wait3A_1114 = tpu.memref_slice %arg8[%dma_wait3A_1112, %dma_wait3A_1113] : memref<256x128xf32, #tpu.memory_space<vmem>> -> memref<128x128xf32, #tpu.memory_space<vmem>>
    %dma_wait3A_1115 = arith.constant 512 : i32
    %dma_wait3A_1116 = tpu.memref_slice %arg6[%dma_wait3A_1115] : memref<1024xi32, #tpu.memory_space<vmem>> -> memref<128xi32, #tpu.memory_space<vmem>>
    %dma_wait3A_1117 = arith.constant 0 : i32
    %dma_wait3A_1118 = arith.constant 0 : i32
    %dma_wait3A_1119 = tpu.memref_slice %arg3[%dma_wait3A_1117, %dma_wait3A_1118] : memref<131072x128xf32, #tpu.memory_space<hbm>> -> memref<131072x128xf32, #tpu.memory_space<hbm>>
    tpu.wait_indirect_dma semaphore(%arg12 : memref<!tpu.dma_semaphore, #tpu.memory_space<semaphore_mem>>) src(%dma_wait3A_1119 : memref<131072x128xf32, #tpu.memory_space<hbm>>) dst(%dma_wait3A_1114 : memref<128x128xf32, #tpu.memory_space<vmem>>)
    %dma_wait3A_1120 = arith.constant 128 : i32
    %dma_wait3A_1121 = arith.constant 0 : i32
    %dma_wait3A_1122 = tpu.memref_slice %arg8[%dma_wait3A_1120, %dma_wait3A_1121] : memref<256x128xf32, #tpu.memory_space<vmem>> -> memref<128x128xf32, #tpu.memory_space<vmem>>
    %dma_wait3A_1123 = arith.constant 640 : i32
    %dma_wait3A_1124 = tpu.memref_slice %arg6[%dma_wait3A_1123] : memref<1024xi32, #tpu.memory_space<vmem>> -> memref<128xi32, #tpu.memory_space<vmem>>
    %dma_wait3A_1125 = arith.constant 0 : i32
    %dma_wait3A_1126 = arith.constant 0 : i32
    %dma_wait3A_1127 = tpu.memref_slice %arg3[%dma_wait3A_1125, %dma_wait3A_1126] : memref<131072x128xf32, #tpu.memory_space<hbm>> -> memref<131072x128xf32, #tpu.memory_space<hbm>>
    tpu.wait_indirect_dma semaphore(%arg12 : memref<!tpu.dma_semaphore, #tpu.memory_space<semaphore_mem>>) src(%dma_wait3A_1127 : memref<131072x128xf32, #tpu.memory_space<hbm>>) dst(%dma_wait3A_1122 : memref<128x128xf32, #tpu.memory_space<vmem>>)
    %scan3A_1128 = arith.constant 0 : i32
    %scan3A_1129 = arith.constant 0 : i32
    %scan3A_1130 = arith.constant 16 : i32
    %scan3A_1131 = arith.addi %scan3A_1129, %scan3A_1130 : i32
    %scan3A_1132 = arith.constant 1 : i32
    %scan3A_1133 = scf.for %scan3A_1170 = %scan3A_1129 to %scan3A_1131 step %scan3A_1132 iter_args(%scan3A_1171 = %scan3A_1128) -> (i32)  : i32 {
      %mul3A_1172 = arith.constant 16 : i32
      %mul3A_1173 = arith.muli %scan3A_1170, %mul3A_1172 : i32
      %add3A_1174 = vector.broadcast %mul3A_1173 : i32 to vector<16xi32>
      %add3A_1175 = arith.addi %iota3A, %add3A_1174 : vector<16xi32>
      %mul3A_1176 = arith.constant 16 : i32
      %mul3A_1177 = arith.muli %scan3A_1170, %mul3A_1176 : i32
      %add3A_1178 = arith.constant 512 : i32
      %add3A_1179 = arith.addi %add3A_1178, %mul3A_1177 : i32
      %get3A_1180 = arith.index_cast %add3A_1179 : i32 to index
      %get3A_1181 = tpu.vector_load %arg7[%get3A_1180] {strides = array<i32>} : memref<1024xi32, #tpu.memory_space<vmem>>, vector<16xi32>,
      %add3A_1182 = arith.constant 0 : i32
      %add3A_1183 = vector.broadcast %add3A_1182 : i32 to vector<16xi32>
      %add3A_1184 = arith.addi %get3A_1181, %add3A_1183 : vector<16xi32>
      %gather3A = tpu.vector_load_idx %arg8[%add3A_1175, %add3A_1184] : memref<256x128xf32, #tpu.memory_space<vmem>>[vector<16xi32>, vector<16xi32>], vector<16xf32>,
      %broadcast_in_dim3A = arith.constant 0 : i32
      %broadcast_in_dim3A_1185 = vector.broadcast %broadcast_in_dim3A : i32 to vector<16xi32>
      tpu.vector_store_idx %arg10[%broadcast_in_dim3A_1185, %add3A_1175], %gather3A : memref<16x256xf32, #tpu.memory_space<vmem>>[vector<16xi32>, vector<16xi32>], vector<16xf32>,
      %add3A_1186 = arith.constant 1 : i32
      %add3A_1187 = vector.broadcast %add3A_1186 : i32 to vector<16xi32>
      %add3A_1188 = arith.addi %get3A_1181, %add3A_1187 : vector<16xi32>
      %gather3A_1189 = tpu.vector_load_idx %arg8[%add3A_1175, %add3A_1188] : memref<256x128xf32, #tpu.memory_space<vmem>>[vector<16xi32>, vector<16xi32>], vector<16xf32>,
      %broadcast_in_dim3A_1190 = arith.constant 1 : i32
      %broadcast_in_dim3A_1191 = vector.broadcast %broadcast_in_dim3A_1190 : i32 to vector<16xi32>
      tpu.vector_store_idx %arg10[%broadcast_in_dim3A_1191, %add3A_1175], %gather3A_1189 : memref<16x256xf32, #tpu.memory_space<vmem>>[vector<16xi32>, vector<16xi32>], vector<16xf32>,
      %add3A_1192 = arith.constant 2 : i32
      %add3A_1193 = vector.broadcast %add3A_1192 : i32 to vector<16xi32>
      %add3A_1194 = arith.addi %get3A_1181, %add3A_1193 : vector<16xi32>
      %gather3A_1195 = tpu.vector_load_idx %arg8[%add3A_1175, %add3A_1194] : memref<256x128xf32, #tpu.memory_space<vmem>>[vector<16xi32>, vector<16xi32>], vector<16xf32>,
      %broadcast_in_dim3A_1196 = arith.constant 2 : i32
      %broadcast_in_dim3A_1197 = vector.broadcast %broadcast_in_dim3A_1196 : i32 to vector<16xi32>
      tpu.vector_store_idx %arg10[%broadcast_in_dim3A_1197, %add3A_1175], %gather3A_1195 : memref<16x256xf32, #tpu.memory_space<vmem>>[vector<16xi32>, vector<16xi32>], vector<16xf32>,
      %add3A_1198 = arith.constant 3 : i32
      %add3A_1199 = vector.broadcast %add3A_1198 : i32 to vector<16xi32>
      %add3A_1200 = arith.addi %get3A_1181, %add3A_1199 : vector<16xi32>
      %gather3A_1201 = tpu.vector_load_idx %arg8[%add3A_1175, %add3A_1200] : memref<256x128xf32, #tpu.memory_space<vmem>>[vector<16xi32>, vector<16xi32>], vector<16xf32>,
      %broadcast_in_dim3A_1202 = arith.constant 3 : i32
      %broadcast_in_dim3A_1203 = vector.broadcast %broadcast_in_dim3A_1202 : i32 to vector<16xi32>
      tpu.vector_store_idx %arg10[%broadcast_in_dim3A_1203, %add3A_1175], %gather3A_1201 : memref<16x256xf32, #tpu.memory_space<vmem>>[vector<16xi32>, vector<16xi32>], vector<16xf32>,
      %add3A_1204 = arith.constant 4 : i32
      %add3A_1205 = vector.broadcast %add3A_1204 : i32 to vector<16xi32>
      %add3A_1206 = arith.addi %get3A_1181, %add3A_1205 : vector<16xi32>
      %gather3A_1207 = tpu.vector_load_idx %arg8[%add3A_1175, %add3A_1206] : memref<256x128xf32, #tpu.memory_space<vmem>>[vector<16xi32>, vector<16xi32>], vector<16xf32>,
      %broadcast_in_dim3A_1208 = arith.constant 4 : i32
      %broadcast_in_dim3A_1209 = vector.broadcast %broadcast_in_dim3A_1208 : i32 to vector<16xi32>
      tpu.vector_store_idx %arg10[%broadcast_in_dim3A_1209, %add3A_1175], %gather3A_1207 : memref<16x256xf32, #tpu.memory_space<vmem>>[vector<16xi32>, vector<16xi32>], vector<16xf32>,
      %add3A_1210 = arith.constant 5 : i32
      %add3A_1211 = vector.broadcast %add3A_1210 : i32 to vector<16xi32>
      %add3A_1212 = arith.addi %get3A_1181, %add3A_1211 : vector<16xi32>
      %gather3A_1213 = tpu.vector_load_idx %arg8[%add3A_1175, %add3A_1212] : memref<256x128xf32, #tpu.memory_space<vmem>>[vector<16xi32>, vector<16xi32>], vector<16xf32>,
      %broadcast_in_dim3A_1214 = arith.constant 5 : i32
      %broadcast_in_dim3A_1215 = vector.broadcast %broadcast_in_dim3A_1214 : i32 to vector<16xi32>
      tpu.vector_store_idx %arg10[%broadcast_in_dim3A_1215, %add3A_1175], %gather3A_1213 : memref<16x256xf32, #tpu.memory_space<vmem>>[vector<16xi32>, vector<16xi32>], vector<16xf32>,
      %add3A_1216 = arith.constant 6 : i32
      %add3A_1217 = vector.broadcast %add3A_1216 : i32 to vector<16xi32>
      %add3A_1218 = arith.addi %get3A_1181, %add3A_1217 : vector<16xi32>
      %gather3A_1219 = tpu.vector_load_idx %arg8[%add3A_1175, %add3A_1218] : memref<256x128xf32, #tpu.memory_space<vmem>>[vector<16xi32>, vector<16xi32>], vector<16xf32>,
      %broadcast_in_dim3A_1220 = arith.constant 6 : i32
      %broadcast_in_dim3A_1221 = vector.broadcast %broadcast_in_dim3A_1220 : i32 to vector<16xi32>
      tpu.vector_store_idx %arg10[%broadcast_in_dim3A_1221, %add3A_1175], %gather3A_1219 : memref<16x256xf32, #tpu.memory_space<vmem>>[vector<16xi32>, vector<16xi32>], vector<16xf32>,
      %add3A_1222 = arith.constant 7 : i32
      %add3A_1223 = vector.broadcast %add3A_1222 : i32 to vector<16xi32>
      %add3A_1224 = arith.addi %get3A_1181, %add3A_1223 : vector<16xi32>
      %gather3A_1225 = tpu.vector_load_idx %arg8[%add3A_1175, %add3A_1224] : memref<256x128xf32, #tpu.memory_space<vmem>>[vector<16xi32>, vector<16xi32>], vector<16xf32>,
      %broadcast_in_dim3A_1226 = arith.constant 7 : i32
      %broadcast_in_dim3A_1227 = vector.broadcast %broadcast_in_dim3A_1226 : i32 to vector<16xi32>
      tpu.vector_store_idx %arg10[%broadcast_in_dim3A_1227, %add3A_1175], %gather3A_1225 : memref<16x256xf32, #tpu.memory_space<vmem>>[vector<16xi32>, vector<16xi32>], vector<16xf32>,
      %add3A_1228 = arith.constant 8 : i32
      %add3A_1229 = vector.broadcast %add3A_1228 : i32 to vector<16xi32>
      %add3A_1230 = arith.addi %get3A_1181, %add3A_1229 : vector<16xi32>
      %gather3A_1231 = tpu.vector_load_idx %arg8[%add3A_1175, %add3A_1230] : memref<256x128xf32, #tpu.memory_space<vmem>>[vector<16xi32>, vector<16xi32>], vector<16xf32>,
      %broadcast_in_dim3A_1232 = arith.constant 8 : i32
      %broadcast_in_dim3A_1233 = vector.broadcast %broadcast_in_dim3A_1232 : i32 to vector<16xi32>
      tpu.vector_store_idx %arg10[%broadcast_in_dim3A_1233, %add3A_1175], %gather3A_1231 : memref<16x256xf32, #tpu.memory_space<vmem>>[vector<16xi32>, vector<16xi32>], vector<16xf32>,
      %add3A_1234 = arith.constant 9 : i32
      %add3A_1235 = vector.broadcast %add3A_1234 : i32 to vector<16xi32>
      %add3A_1236 = arith.addi %get3A_1181, %add3A_1235 : vector<16xi32>
      %gather3A_1237 = tpu.vector_load_idx %arg8[%add3A_1175, %add3A_1236] : memref<256x128xf32, #tpu.memory_space<vmem>>[vector<16xi32>, vector<16xi32>], vector<16xf32>,
      %broadcast_in_dim3A_1238 = arith.constant 9 : i32
      %broadcast_in_dim3A_1239 = vector.broadcast %broadcast_in_dim3A_1238 : i32 to vector<16xi32>
      tpu.vector_store_idx %arg10[%broadcast_in_dim3A_1239, %add3A_1175], %gather3A_1237 : memref<16x256xf32, #tpu.memory_space<vmem>>[vector<16xi32>, vector<16xi32>], vector<16xf32>,
      %add3A_1240 = arith.constant 10 : i32
      %add3A_1241 = vector.broadcast %add3A_1240 : i32 to vector<16xi32>
      %add3A_1242 = arith.addi %get3A_1181, %add3A_1241 : vector<16xi32>
      %gather3A_1243 = tpu.vector_load_idx %arg8[%add3A_1175, %add3A_1242] : memref<256x128xf32, #tpu.memory_space<vmem>>[vector<16xi32>, vector<16xi32>], vector<16xf32>,
      %broadcast_in_dim3A_1244 = arith.constant 10 : i32
      %broadcast_in_dim3A_1245 = vector.broadcast %broadcast_in_dim3A_1244 : i32 to vector<16xi32>
      tpu.vector_store_idx %arg10[%broadcast_in_dim3A_1245, %add3A_1175], %gather3A_1243 : memref<16x256xf32, #tpu.memory_space<vmem>>[vector<16xi32>, vector<16xi32>], vector<16xf32>,
      %add3A_1246 = arith.constant 11 : i32
      %add3A_1247 = vector.broadcast %add3A_1246 : i32 to vector<16xi32>
      %add3A_1248 = arith.addi %get3A_1181, %add3A_1247 : vector<16xi32>
      %gather3A_1249 = tpu.vector_load_idx %arg8[%add3A_1175, %add3A_1248] : memref<256x128xf32, #tpu.memory_space<vmem>>[vector<16xi32>, vector<16xi32>], vector<16xf32>,
      %broadcast_in_dim3A_1250 = arith.constant 11 : i32
      %broadcast_in_dim3A_1251 = vector.broadcast %broadcast_in_dim3A_1250 : i32 to vector<16xi32>
      tpu.vector_store_idx %arg10[%broadcast_in_dim3A_1251, %add3A_1175], %gather3A_1249 : memref<16x256xf32, #tpu.memory_space<vmem>>[vector<16xi32>, vector<16xi32>], vector<16xf32>,
      %add3A_1252 = arith.constant 12 : i32
      %add3A_1253 = vector.broadcast %add3A_1252 : i32 to vector<16xi32>
      %add3A_1254 = arith.addi %get3A_1181, %add3A_1253 : vector<16xi32>
      %gather3A_1255 = tpu.vector_load_idx %arg8[%add3A_1175, %add3A_1254] : memref<256x128xf32, #tpu.memory_space<vmem>>[vector<16xi32>, vector<16xi32>], vector<16xf32>,
      %broadcast_in_dim3A_1256 = arith.constant 12 : i32
      %broadcast_in_dim3A_1257 = vector.broadcast %broadcast_in_dim3A_1256 : i32 to vector<16xi32>
      tpu.vector_store_idx %arg10[%broadcast_in_dim3A_1257, %add3A_1175], %gather3A_1255 : memref<16x256xf32, #tpu.memory_space<vmem>>[vector<16xi32>, vector<16xi32>], vector<16xf32>,
      %add3A_1258 = arith.constant 13 : i32
      %add3A_1259 = vector.broadcast %add3A_1258 : i32 to vector<16xi32>
      %add3A_1260 = arith.addi %get3A_1181, %add3A_1259 : vector<16xi32>
      %gather3A_1261 = tpu.vector_load_idx %arg8[%add3A_1175, %add3A_1260] : memref<256x128xf32, #tpu.memory_space<vmem>>[vector<16xi32>, vector<16xi32>], vector<16xf32>,
      %broadcast_in_dim3A_1262 = arith.constant 13 : i32
      %broadcast_in_dim3A_1263 = vector.broadcast %broadcast_in_dim3A_1262 : i32 to vector<16xi32>
      tpu.vector_store_idx %arg10[%broadcast_in_dim3A_1263, %add3A_1175], %gather3A_1261 : memref<16x256xf32, #tpu.memory_space<vmem>>[vector<16xi32>, vector<16xi32>], vector<16xf32>,
      %add3A_1264 = arith.constant 14 : i32
      %add3A_1265 = vector.broadcast %add3A_1264 : i32 to vector<16xi32>
      %add3A_1266 = arith.addi %get3A_1181, %add3A_1265 : vector<16xi32>
      %gather3A_1267 = tpu.vector_load_idx %arg8[%add3A_1175, %add3A_1266] : memref<256x128xf32, #tpu.memory_space<vmem>>[vector<16xi32>, vector<16xi32>], vector<16xf32>,
      %broadcast_in_dim3A_1268 = arith.constant 14 : i32
      %broadcast_in_dim3A_1269 = vector.broadcast %broadcast_in_dim3A_1268 : i32 to vector<16xi32>
      tpu.vector_store_idx %arg10[%broadcast_in_dim3A_1269, %add3A_1175], %gather3A_1267 : memref<16x256xf32, #tpu.memory_space<vmem>>[vector<16xi32>, vector<16xi32>], vector<16xf32>,
      %add3A_1270 = arith.constant 15 : i32
      %add3A_1271 = vector.broadcast %add3A_1270 : i32 to vector<16xi32>
      %add3A_1272 = arith.addi %get3A_1181, %add3A_1271 : vector<16xi32>
      %gather3A_1273 = tpu.vector_load_idx %arg8[%add3A_1175, %add3A_1272] : memref<256x128xf32, #tpu.memory_space<vmem>>[vector<16xi32>, vector<16xi32>], vector<16xf32>,
      %broadcast_in_dim3A_1274 = arith.constant 15 : i32
      %broadcast_in_dim3A_1275 = vector.broadcast %broadcast_in_dim3A_1274 : i32 to vector<16xi32>
      tpu.vector_store_idx %arg10[%broadcast_in_dim3A_1275, %add3A_1175], %gather3A_1273 : memref<16x256xf32, #tpu.memory_space<vmem>>[vector<16xi32>, vector<16xi32>], vector<16xf32>,
      %scan3A_1276 = arith.constant 0 : i32
      scf.yield %scan3A_1276 : i32
    }
    %scan3A_1134 = arith.constant 16 : i32
    %add3A_1135 = arith.constant 512 : i32
    %add3A_1136 = arith.addi %mul3A_36, %add3A_1135 : i32
    %dma_start3A_1137 = tpu.memref_slice %arg4[%mul3A_20, %add3A_1136] : memref<32x16384xf32, #tpu.memory_space<hbm>> -> memref<16x256xf32, #tpu.memory_space<hbm>>
    %dma_start3A_1138 = tpu.memref_slice %arg4[%mul3A_20, %add3A_1136] : memref<32x16384xf32, #tpu.memory_space<hbm>> -> memref<16x256xf32, #tpu.memory_space<hbm>>
    tpu.enqueue_dma source(%arg10 : memref<16x256xf32, #tpu.memory_space<vmem>>) target(%dma_start3A_1138 : memref<16x256xf32, #tpu.memory_space<hbm>>) target_semaphore(%arg13 : memref<!tpu.dma_semaphore, #tpu.memory_space<semaphore_mem>>)
    %dma_wait3A_1139 = arith.constant 0 : i32
    %dma_wait3A_1140 = arith.constant 0 : i32
    %dma_wait3A_1141 = tpu.memref_slice %arg9[%dma_wait3A_1139, %dma_wait3A_1140] : memref<256x128xf32, #tpu.memory_space<vmem>> -> memref<128x128xf32, #tpu.memory_space<vmem>>
    %dma_wait3A_1142 = arith.constant 768 : i32
    %dma_wait3A_1143 = tpu.memref_slice %arg6[%dma_wait3A_1142] : memref<1024xi32, #tpu.memory_space<vmem>> -> memref<128xi32, #tpu.memory_space<vmem>>
    %dma_wait3A_1144 = arith.constant 0 : i32
    %dma_wait3A_1145 = arith.constant 0 : i32
    %dma_wait3A_1146 = tpu.memref_slice %arg3[%dma_wait3A_1144, %dma_wait3A_1145] : memref<131072x128xf32, #tpu.memory_space<hbm>> -> memref<131072x128xf32, #tpu.memory_space<hbm>>
    tpu.wait_indirect_dma semaphore(%arg12 : memref<!tpu.dma_semaphore, #tpu.memory_space<semaphore_mem>>) src(%dma_wait3A_1146 : memref<131072x128xf32, #tpu.memory_space<hbm>>) dst(%dma_wait3A_1141 : memref<128x128xf32, #tpu.memory_space<vmem>>)
    %dma_wait3A_1147 = arith.constant 128 : i32
    %dma_wait3A_1148 = arith.constant 0 : i32
    %dma_wait3A_1149 = tpu.memref_slice %arg9[%dma_wait3A_1147, %dma_wait3A_1148] : memref<256x128xf32, #tpu.memory_space<vmem>> -> memref<128x128xf32, #tpu.memory_space<vmem>>
    %dma_wait3A_1150 = arith.constant 896 : i32
    %dma_wait3A_1151 = tpu.memref_slice %arg6[%dma_wait3A_1150] : memref<1024xi32, #tpu.memory_space<vmem>> -> memref<128xi32, #tpu.memory_space<vmem>>
    %dma_wait3A_1152 = arith.constant 0 : i32
    %dma_wait3A_1153 = arith.constant 0 : i32
    %dma_wait3A_1154 = tpu.memref_slice %arg3[%dma_wait3A_1152, %dma_wait3A_1153] : memref<131072x128xf32, #tpu.memory_space<hbm>> -> memref<131072x128xf32, #tpu.memory_space<hbm>>
    tpu.wait_indirect_dma semaphore(%arg12 : memref<!tpu.dma_semaphore, #tpu.memory_space<semaphore_mem>>) src(%dma_wait3A_1154 : memref<131072x128xf32, #tpu.memory_space<hbm>>) dst(%dma_wait3A_1149 : memref<128x128xf32, #tpu.memory_space<vmem>>)
    %scan3A_1155 = arith.constant 0 : i32
    %scan3A_1156 = arith.constant 0 : i32
    %scan3A_1157 = arith.constant 16 : i32
    %scan3A_1158 = arith.addi %scan3A_1156, %scan3A_1157 : i32
    %scan3A_1159 = arith.constant 1 : i32
    %scan3A_1160 = scf.for %scan3A_1170 = %scan3A_1156 to %scan3A_1158 step %scan3A_1159 iter_args(%scan3A_1171 = %scan3A_1155) -> (i32)  : i32 {
      %mul3A_1172 = arith.constant 16 : i32
      %mul3A_1173 = arith.muli %scan3A_1170, %mul3A_1172 : i32
      %add3A_1174 = vector.broadcast %mul3A_1173 : i32 to vector<16xi32>
      %add3A_1175 = arith.addi %iota3A, %add3A_1174 : vector<16xi32>
      %mul3A_1176 = arith.constant 16 : i32
      %mul3A_1177 = arith.muli %scan3A_1170, %mul3A_1176 : i32
      %add3A_1178 = arith.constant 768 : i32
      %add3A_1179 = arith.addi %add3A_1178, %mul3A_1177 : i32
      %get3A_1180 = arith.index_cast %add3A_1179 : i32 to index
      %get3A_1181 = tpu.vector_load %arg7[%get3A_1180] {strides = array<i32>} : memref<1024xi32, #tpu.memory_space<vmem>>, vector<16xi32>,
      %add3A_1182 = arith.constant 0 : i32
      %add3A_1183 = vector.broadcast %add3A_1182 : i32 to vector<16xi32>
      %add3A_1184 = arith.addi %get3A_1181, %add3A_1183 : vector<16xi32>
      %gather3A = tpu.vector_load_idx %arg9[%add3A_1175, %add3A_1184] : memref<256x128xf32, #tpu.memory_space<vmem>>[vector<16xi32>, vector<16xi32>], vector<16xf32>,
      %broadcast_in_dim3A = arith.constant 0 : i32
      %broadcast_in_dim3A_1185 = vector.broadcast %broadcast_in_dim3A : i32 to vector<16xi32>
      tpu.vector_store_idx %arg11[%broadcast_in_dim3A_1185, %add3A_1175], %gather3A : memref<16x256xf32, #tpu.memory_space<vmem>>[vector<16xi32>, vector<16xi32>], vector<16xf32>,
      %add3A_1186 = arith.constant 1 : i32
      %add3A_1187 = vector.broadcast %add3A_1186 : i32 to vector<16xi32>
      %add3A_1188 = arith.addi %get3A_1181, %add3A_1187 : vector<16xi32>
      %gather3A_1189 = tpu.vector_load_idx %arg9[%add3A_1175, %add3A_1188] : memref<256x128xf32, #tpu.memory_space<vmem>>[vector<16xi32>, vector<16xi32>], vector<16xf32>,
      %broadcast_in_dim3A_1190 = arith.constant 1 : i32
      %broadcast_in_dim3A_1191 = vector.broadcast %broadcast_in_dim3A_1190 : i32 to vector<16xi32>
      tpu.vector_store_idx %arg11[%broadcast_in_dim3A_1191, %add3A_1175], %gather3A_1189 : memref<16x256xf32, #tpu.memory_space<vmem>>[vector<16xi32>, vector<16xi32>], vector<16xf32>,
      %add3A_1192 = arith.constant 2 : i32
      %add3A_1193 = vector.broadcast %add3A_1192 : i32 to vector<16xi32>
      %add3A_1194 = arith.addi %get3A_1181, %add3A_1193 : vector<16xi32>
      %gather3A_1195 = tpu.vector_load_idx %arg9[%add3A_1175, %add3A_1194] : memref<256x128xf32, #tpu.memory_space<vmem>>[vector<16xi32>, vector<16xi32>], vector<16xf32>,
      %broadcast_in_dim3A_1196 = arith.constant 2 : i32
      %broadcast_in_dim3A_1197 = vector.broadcast %broadcast_in_dim3A_1196 : i32 to vector<16xi32>
      tpu.vector_store_idx %arg11[%broadcast_in_dim3A_1197, %add3A_1175], %gather3A_1195 : memref<16x256xf32, #tpu.memory_space<vmem>>[vector<16xi32>, vector<16xi32>], vector<16xf32>,
      %add3A_1198 = arith.constant 3 : i32
      %add3A_1199 = vector.broadcast %add3A_1198 : i32 to vector<16xi32>
      %add3A_1200 = arith.addi %get3A_1181, %add3A_1199 : vector<16xi32>
      %gather3A_1201 = tpu.vector_load_idx %arg9[%add3A_1175, %add3A_1200] : memref<256x128xf32, #tpu.memory_space<vmem>>[vector<16xi32>, vector<16xi32>], vector<16xf32>,
      %broadcast_in_dim3A_1202 = arith.constant 3 : i32
      %broadcast_in_dim3A_1203 = vector.broadcast %broadcast_in_dim3A_1202 : i32 to vector<16xi32>
      tpu.vector_store_idx %arg11[%broadcast_in_dim3A_1203, %add3A_1175], %gather3A_1201 : memref<16x256xf32, #tpu.memory_space<vmem>>[vector<16xi32>, vector<16xi32>], vector<16xf32>,
      %add3A_1204 = arith.constant 4 : i32
      %add3A_1205 = vector.broadcast %add3A_1204 : i32 to vector<16xi32>
      %add3A_1206 = arith.addi %get3A_1181, %add3A_1205 : vector<16xi32>
      %gather3A_1207 = tpu.vector_load_idx %arg9[%add3A_1175, %add3A_1206] : memref<256x128xf32, #tpu.memory_space<vmem>>[vector<16xi32>, vector<16xi32>], vector<16xf32>,
      %broadcast_in_dim3A_1208 = arith.constant 4 : i32
      %broadcast_in_dim3A_1209 = vector.broadcast %broadcast_in_dim3A_1208 : i32 to vector<16xi32>
      tpu.vector_store_idx %arg11[%broadcast_in_dim3A_1209, %add3A_1175], %gather3A_1207 : memref<16x256xf32, #tpu.memory_space<vmem>>[vector<16xi32>, vector<16xi32>], vector<16xf32>,
      %add3A_1210 = arith.constant 5 : i32
      %add3A_1211 = vector.broadcast %add3A_1210 : i32 to vector<16xi32>
      %add3A_1212 = arith.addi %get3A_1181, %add3A_1211 : vector<16xi32>
      %gather3A_1213 = tpu.vector_load_idx %arg9[%add3A_1175, %add3A_1212] : memref<256x128xf32, #tpu.memory_space<vmem>>[vector<16xi32>, vector<16xi32>], vector<16xf32>,
      %broadcast_in_dim3A_1214 = arith.constant 5 : i32
      %broadcast_in_dim3A_1215 = vector.broadcast %broadcast_in_dim3A_1214 : i32 to vector<16xi32>
      tpu.vector_store_idx %arg11[%broadcast_in_dim3A_1215, %add3A_1175], %gather3A_1213 : memref<16x256xf32, #tpu.memory_space<vmem>>[vector<16xi32>, vector<16xi32>], vector<16xf32>,
      %add3A_1216 = arith.constant 6 : i32
      %add3A_1217 = vector.broadcast %add3A_1216 : i32 to vector<16xi32>
      %add3A_1218 = arith.addi %get3A_1181, %add3A_1217 : vector<16xi32>
      %gather3A_1219 = tpu.vector_load_idx %arg9[%add3A_1175, %add3A_1218] : memref<256x128xf32, #tpu.memory_space<vmem>>[vector<16xi32>, vector<16xi32>], vector<16xf32>,
      %broadcast_in_dim3A_1220 = arith.constant 6 : i32
      %broadcast_in_dim3A_1221 = vector.broadcast %broadcast_in_dim3A_1220 : i32 to vector<16xi32>
      tpu.vector_store_idx %arg11[%broadcast_in_dim3A_1221, %add3A_1175], %gather3A_1219 : memref<16x256xf32, #tpu.memory_space<vmem>>[vector<16xi32>, vector<16xi32>], vector<16xf32>,
      %add3A_1222 = arith.constant 7 : i32
      %add3A_1223 = vector.broadcast %add3A_1222 : i32 to vector<16xi32>
      %add3A_1224 = arith.addi %get3A_1181, %add3A_1223 : vector<16xi32>
      %gather3A_1225 = tpu.vector_load_idx %arg9[%add3A_1175, %add3A_1224] : memref<256x128xf32, #tpu.memory_space<vmem>>[vector<16xi32>, vector<16xi32>], vector<16xf32>,
      %broadcast_in_dim3A_1226 = arith.constant 7 : i32
      %broadcast_in_dim3A_1227 = vector.broadcast %broadcast_in_dim3A_1226 : i32 to vector<16xi32>
      tpu.vector_store_idx %arg11[%broadcast_in_dim3A_1227, %add3A_1175], %gather3A_1225 : memref<16x256xf32, #tpu.memory_space<vmem>>[vector<16xi32>, vector<16xi32>], vector<16xf32>,
      %add3A_1228 = arith.constant 8 : i32
      %add3A_1229 = vector.broadcast %add3A_1228 : i32 to vector<16xi32>
      %add3A_1230 = arith.addi %get3A_1181, %add3A_1229 : vector<16xi32>
      %gather3A_1231 = tpu.vector_load_idx %arg9[%add3A_1175, %add3A_1230] : memref<256x128xf32, #tpu.memory_space<vmem>>[vector<16xi32>, vector<16xi32>], vector<16xf32>,
      %broadcast_in_dim3A_1232 = arith.constant 8 : i32
      %broadcast_in_dim3A_1233 = vector.broadcast %broadcast_in_dim3A_1232 : i32 to vector<16xi32>
      tpu.vector_store_idx %arg11[%broadcast_in_dim3A_1233, %add3A_1175], %gather3A_1231 : memref<16x256xf32, #tpu.memory_space<vmem>>[vector<16xi32>, vector<16xi32>], vector<16xf32>,
      %add3A_1234 = arith.constant 9 : i32
      %add3A_1235 = vector.broadcast %add3A_1234 : i32 to vector<16xi32>
      %add3A_1236 = arith.addi %get3A_1181, %add3A_1235 : vector<16xi32>
      %gather3A_1237 = tpu.vector_load_idx %arg9[%add3A_1175, %add3A_1236] : memref<256x128xf32, #tpu.memory_space<vmem>>[vector<16xi32>, vector<16xi32>], vector<16xf32>,
      %broadcast_in_dim3A_1238 = arith.constant 9 : i32
      %broadcast_in_dim3A_1239 = vector.broadcast %broadcast_in_dim3A_1238 : i32 to vector<16xi32>
      tpu.vector_store_idx %arg11[%broadcast_in_dim3A_1239, %add3A_1175], %gather3A_1237 : memref<16x256xf32, #tpu.memory_space<vmem>>[vector<16xi32>, vector<16xi32>], vector<16xf32>,
      %add3A_1240 = arith.constant 10 : i32
      %add3A_1241 = vector.broadcast %add3A_1240 : i32 to vector<16xi32>
      %add3A_1242 = arith.addi %get3A_1181, %add3A_1241 : vector<16xi32>
      %gather3A_1243 = tpu.vector_load_idx %arg9[%add3A_1175, %add3A_1242] : memref<256x128xf32, #tpu.memory_space<vmem>>[vector<16xi32>, vector<16xi32>], vector<16xf32>,
      %broadcast_in_dim3A_1244 = arith.constant 10 : i32
      %broadcast_in_dim3A_1245 = vector.broadcast %broadcast_in_dim3A_1244 : i32 to vector<16xi32>
      tpu.vector_store_idx %arg11[%broadcast_in_dim3A_1245, %add3A_1175], %gather3A_1243 : memref<16x256xf32, #tpu.memory_space<vmem>>[vector<16xi32>, vector<16xi32>], vector<16xf32>,
      %add3A_1246 = arith.constant 11 : i32
      %add3A_1247 = vector.broadcast %add3A_1246 : i32 to vector<16xi32>
      %add3A_1248 = arith.addi %get3A_1181, %add3A_1247 : vector<16xi32>
      %gather3A_1249 = tpu.vector_load_idx %arg9[%add3A_1175, %add3A_1248] : memref<256x128xf32, #tpu.memory_space<vmem>>[vector<16xi32>, vector<16xi32>], vector<16xf32>,
      %broadcast_in_dim3A_1250 = arith.constant 11 : i32
      %broadcast_in_dim3A_1251 = vector.broadcast %broadcast_in_dim3A_1250 : i32 to vector<16xi32>
      tpu.vector_store_idx %arg11[%broadcast_in_dim3A_1251, %add3A_1175], %gather3A_1249 : memref<16x256xf32, #tpu.memory_space<vmem>>[vector<16xi32>, vector<16xi32>], vector<16xf32>,
      %add3A_1252 = arith.constant 12 : i32
      %add3A_1253 = vector.broadcast %add3A_1252 : i32 to vector<16xi32>
      %add3A_1254 = arith.addi %get3A_1181, %add3A_1253 : vector<16xi32>
      %gather3A_1255 = tpu.vector_load_idx %arg9[%add3A_1175, %add3A_1254] : memref<256x128xf32, #tpu.memory_space<vmem>>[vector<16xi32>, vector<16xi32>], vector<16xf32>,
      %broadcast_in_dim3A_1256 = arith.constant 12 : i32
      %broadcast_in_dim3A_1257 = vector.broadcast %broadcast_in_dim3A_1256 : i32 to vector<16xi32>
      tpu.vector_store_idx %arg11[%broadcast_in_dim3A_1257, %add3A_1175], %gather3A_1255 : memref<16x256xf32, #tpu.memory_space<vmem>>[vector<16xi32>, vector<16xi32>], vector<16xf32>,
      %add3A_1258 = arith.constant 13 : i32
      %add3A_1259 = vector.broadcast %add3A_1258 : i32 to vector<16xi32>
      %add3A_1260 = arith.addi %get3A_1181, %add3A_1259 : vector<16xi32>
      %gather3A_1261 = tpu.vector_load_idx %arg9[%add3A_1175, %add3A_1260] : memref<256x128xf32, #tpu.memory_space<vmem>>[vector<16xi32>, vector<16xi32>], vector<16xf32>,
      %broadcast_in_dim3A_1262 = arith.constant 13 : i32
      %broadcast_in_dim3A_1263 = vector.broadcast %broadcast_in_dim3A_1262 : i32 to vector<16xi32>
      tpu.vector_store_idx %arg11[%broadcast_in_dim3A_1263, %add3A_1175], %gather3A_1261 : memref<16x256xf32, #tpu.memory_space<vmem>>[vector<16xi32>, vector<16xi32>], vector<16xf32>,
      %add3A_1264 = arith.constant 14 : i32
      %add3A_1265 = vector.broadcast %add3A_1264 : i32 to vector<16xi32>
      %add3A_1266 = arith.addi %get3A_1181, %add3A_1265 : vector<16xi32>
      %gather3A_1267 = tpu.vector_load_idx %arg9[%add3A_1175, %add3A_1266] : memref<256x128xf32, #tpu.memory_space<vmem>>[vector<16xi32>, vector<16xi32>], vector<16xf32>,
      %broadcast_in_dim3A_1268 = arith.constant 14 : i32
      %broadcast_in_dim3A_1269 = vector.broadcast %broadcast_in_dim3A_1268 : i32 to vector<16xi32>
      tpu.vector_store_idx %arg11[%broadcast_in_dim3A_1269, %add3A_1175], %gather3A_1267 : memref<16x256xf32, #tpu.memory_space<vmem>>[vector<16xi32>, vector<16xi32>], vector<16xf32>,
      %add3A_1270 = arith.constant 15 : i32
      %add3A_1271 = vector.broadcast %add3A_1270 : i32 to vector<16xi32>
      %add3A_1272 = arith.addi %get3A_1181, %add3A_1271 : vector<16xi32>
      %gather3A_1273 = tpu.vector_load_idx %arg9[%add3A_1175, %add3A_1272] : memref<256x128xf32, #tpu.memory_space<vmem>>[vector<16xi32>, vector<16xi32>], vector<16xf32>,
      %broadcast_in_dim3A_1274 = arith.constant 15 : i32
      %broadcast_in_dim3A_1275 = vector.broadcast %broadcast_in_dim3A_1274 : i32 to vector<16xi32>
      tpu.vector_store_idx %arg11[%broadcast_in_dim3A_1275, %add3A_1175], %gather3A_1273 : memref<16x256xf32, #tpu.memory_space<vmem>>[vector<16xi32>, vector<16xi32>], vector<16xf32>,
      %scan3A_1276 = arith.constant 0 : i32
      scf.yield %scan3A_1276 : i32
    }
    %scan3A_1161 = arith.constant 16 : i32
    %add3A_1162 = arith.constant 768 : i32
    %add3A_1163 = arith.addi %mul3A_36, %add3A_1162 : i32
    %dma_start3A_1164 = tpu.memref_slice %arg4[%mul3A_20, %add3A_1163] : memref<32x16384xf32, #tpu.memory_space<hbm>> -> memref<16x256xf32, #tpu.memory_space<hbm>>
    %dma_start3A_1165 = tpu.memref_slice %arg4[%mul3A_20, %add3A_1163] : memref<32x16384xf32, #tpu.memory_space<hbm>> -> memref<16x256xf32, #tpu.memory_space<hbm>>
    tpu.enqueue_dma source(%arg11 : memref<16x256xf32, #tpu.memory_space<vmem>>) target(%dma_start3A_1165 : memref<16x256xf32, #tpu.memory_space<hbm>>) target_semaphore(%arg13 : memref<!tpu.dma_semaphore, #tpu.memory_space<semaphore_mem>>)
    %dma_wait3A_1166 = tpu.memref_slice %arg4[%mul3A_20, %add3A_1136] : memref<32x16384xf32, #tpu.memory_space<hbm>> -> memref<16x256xf32, #tpu.memory_space<hbm>>
    %dma_wait3A_1167 = tpu.memref_slice %arg4[%mul3A_20, %add3A_1136] : memref<32x16384xf32, #tpu.memory_space<hbm>> -> memref<16x256xf32, #tpu.memory_space<hbm>>
    tpu.wait_dma2 semaphore(%arg13 : memref<!tpu.dma_semaphore, #tpu.memory_space<semaphore_mem>>) src(%arg10 : memref<16x256xf32, #tpu.memory_space<vmem>>) dst(%dma_wait3A_1167 : memref<16x256xf32, #tpu.memory_space<hbm>>)
    %dma_wait3A_1168 = tpu.memref_slice %arg4[%mul3A_20, %add3A_1163] : memref<32x16384xf32, #tpu.memory_space<hbm>> -> memref<16x256xf32, #tpu.memory_space<hbm>>
    %dma_wait3A_1169 = tpu.memref_slice %arg4[%mul3A_20, %add3A_1163] : memref<32x16384xf32, #tpu.memory_space<hbm>> -> memref<16x256xf32, #tpu.memory_space<hbm>>
    tpu.wait_dma2 semaphore(%arg13 : memref<!tpu.dma_semaphore, #tpu.memory_space<semaphore_mem>>) src(%arg11 : memref<16x256xf32, #tpu.memory_space<vmem>>) dst(%dma_wait3A_1169 : memref<16x256xf32, #tpu.memory_space<hbm>>)
    return
  }
}

module attributes {stable_mosaic.version = 14 : i64} {
  func.func @_transpose_body(%arg0: i32, %arg1: memref<16x65536xf32, #tpu.memory_space<vmem>>, %arg2: memref<128x128xf32, #tpu.memory_space<vmem>>, %arg3: memref<8192x128xf32, #tpu.memory_space<vmem>>) attributes {dimension_semantics = [#tpu.dimension_semantics<arbitrary>], iteration_bounds = array<i64: 16>, scalar_prefetch = 0 : i64, scratch_operands = 0 : i64, tpu.core_type = #tpu.core_type<tc>, window_params = [{transform_indices = @transform_0, window_bounds = array<i64: 16, 65536>}, {pipeline_mode = #tpu.pipeline_mode<synchronous>, transform_indices = @transform_1, window_bounds = array<i64: 128, 128>}, {transform_indices = @transform_2, window_bounds = array<i64: 8192, 128>}]} {
    %get3A = arith.constant 0 : index
    %get3A_0 = arith.constant 0 : index
    %get3A_1 = vector.load %arg1[%get3A, %get3A_0] : memref<16x65536xf32, #tpu.memory_space<vmem>>, vector<16x65536xf32>
    %slice3A = vector.extract_strided_slice %get3A_1 {offsets = [0, 0], sizes = [16, 8192], strides = [1, 1]} : vector<16x65536xf32> to vector<16x8192xf32>
    %slice3A_2 = vector.extract_strided_slice %get3A_1 {offsets = [0, 8192], sizes = [16, 8192], strides = [1, 1]} : vector<16x65536xf32> to vector<16x8192xf32>
    %slice3A_3 = vector.extract_strided_slice %get3A_1 {offsets = [0, 16384], sizes = [16, 8192], strides = [1, 1]} : vector<16x65536xf32> to vector<16x8192xf32>
    %slice3A_4 = vector.extract_strided_slice %get3A_1 {offsets = [0, 24576], sizes = [16, 8192], strides = [1, 1]} : vector<16x65536xf32> to vector<16x8192xf32>
    %slice3A_5 = vector.extract_strided_slice %get3A_1 {offsets = [0, 32768], sizes = [16, 8192], strides = [1, 1]} : vector<16x65536xf32> to vector<16x8192xf32>
    %slice3A_6 = vector.extract_strided_slice %get3A_1 {offsets = [0, 40960], sizes = [16, 8192], strides = [1, 1]} : vector<16x65536xf32> to vector<16x8192xf32>
    %slice3A_7 = vector.extract_strided_slice %get3A_1 {offsets = [0, 49152], sizes = [16, 8192], strides = [1, 1]} : vector<16x65536xf32> to vector<16x8192xf32>
    %slice3A_8 = vector.extract_strided_slice %get3A_1 {offsets = [0, 57344], sizes = [16, 8192], strides = [1, 1]} : vector<16x65536xf32> to vector<16x8192xf32>
    %concatenate3A = tpu.concatenate %slice3A, %slice3A_2, %slice3A_3, %slice3A_4, %slice3A_5, %slice3A_6, %slice3A_7, %slice3A_8 in 0 : vector<16x8192xf32>, vector<16x8192xf32>, vector<16x8192xf32>, vector<16x8192xf32>, vector<16x8192xf32>, vector<16x8192xf32>, vector<16x8192xf32>, vector<16x8192xf32> -> vector<128x8192xf32>
    %get3A_9 = arith.constant 0 : index
    %get3A_10 = arith.constant 0 : index
    %get3A_11 = vector.load %arg2[%get3A_9, %get3A_10] : memref<128x128xf32, #tpu.memory_space<vmem>>, vector<128x128xf32>
    %dot_general3A = arith.constant dense<0.000000e+00> : vector<8192x128xf32>
    %dot_general3A_12 = tpu.matmul %concatenate3A, %get3A_11, %dot_general3A {dimension_numbers = #tpu.dot_dimension_numbers<[0], [0], [1], [1], [0, 1, 1, 1], [], []>, transpose_lhs_hint = false} : vector<128x8192xf32>, vector<128x128xf32>, vector<8192x128xf32> -> vector<8192x128xf32>
    %swap3A = arith.constant 0 : index
    %swap3A_13 = arith.constant 0 : index
    %swap3A_14 = vector.load %arg3[%swap3A, %swap3A_13] : memref<8192x128xf32, #tpu.memory_space<vmem>>, vector<8192x128xf32>
    tpu.vector_store %arg3[%swap3A, %swap3A_13], %dot_general3A_12 {strides = array<i32>} : memref<8192x128xf32, #tpu.memory_space<vmem>>, vector<8192x128xf32>,
    return
  }
  func.func @transform_0(%arg0: i32) -> (i32, i32) {
    %c0_i32 = arith.constant 0 : i32
    %c0_i32_0 = arith.constant 0 : i32
    return %c0_i32, %arg0 : i32, i32
  }
  func.func @transform_1(%arg0: i32) -> (i32, i32) {
    %c0_i32 = arith.constant 0 : i32
    %c0_i32_0 = arith.constant 0 : i32
    %c0_i32_1 = arith.constant 0 : i32
    return %c0_i32, %c0_i32_0 : i32, i32
  }
  func.func @transform_2(%arg0: i32) -> (i32, i32) {
    %c0_i32 = arith.constant 0 : i32
    %c0_i32_0 = arith.constant 0 : i32
    return %arg0, %c0_i32 : i32, i32
  }
}

module attributes {stable_mosaic.version = 14 : i64} {
  func.func @_mlp_body(%arg0: i32, %arg1: memref<32x4096xf32, #tpu.memory_space<vmem>>, %arg2: memref<32x64xf32, #tpu.memory_space<vmem>>, %arg3: memref<64x1xf32, #tpu.memory_space<vmem>>, %arg4: memref<64x64xf32, #tpu.memory_space<vmem>>, %arg5: memref<64x1xf32, #tpu.memory_space<vmem>>, %arg6: memref<64x4096xf32, #tpu.memory_space<vmem>>) attributes {dimension_semantics = [#tpu.dimension_semantics<arbitrary>], iteration_bounds = array<i64: 4>, scalar_prefetch = 0 : i64, scratch_operands = 0 : i64, tpu.core_type = #tpu.core_type<tc>, window_params = [{transform_indices = @transform_0, window_bounds = array<i64: 32, 4096>}, {pipeline_mode = #tpu.pipeline_mode<synchronous>, transform_indices = @transform_1, window_bounds = array<i64: 32, 64>}, {pipeline_mode = #tpu.pipeline_mode<synchronous>, transform_indices = @transform_2, window_bounds = array<i64: 64, 1>}, {pipeline_mode = #tpu.pipeline_mode<synchronous>, transform_indices = @transform_3, window_bounds = array<i64: 64, 64>}, {pipeline_mode = #tpu.pipeline_mode<synchronous>, transform_indices = @transform_4, window_bounds = array<i64: 64, 1>}, {transform_indices = @transform_5, window_bounds = array<i64: 64, 4096>}]} {
    %get3A = arith.constant 0 : index
    %get3A_0 = arith.constant 0 : index
    %get3A_1 = vector.load %arg2[%get3A, %get3A_0] : memref<32x64xf32, #tpu.memory_space<vmem>>, vector<32x64xf32>
    %get3A_2 = arith.constant 0 : index
    %get3A_3 = arith.constant 0 : index
    %get3A_4 = vector.load %arg1[%get3A_2, %get3A_3] : memref<32x4096xf32, #tpu.memory_space<vmem>>, vector<32x4096xf32>
    %dot_general3A = arith.constant dense<0.000000e+00> : vector<64x4096xf32>
    %dot_general3A_5 = tpu.matmul %get3A_1, %get3A_4, %dot_general3A {dimension_numbers = #tpu.dot_dimension_numbers<[0], [0], [1], [1], [0, 1, 1, 1], [], []>, transpose_lhs_hint = false} : vector<32x64xf32>, vector<32x4096xf32>, vector<64x4096xf32> -> vector<64x4096xf32>
    %get3A_6 = arith.constant 0 : index
    %get3A_7 = arith.constant 0 : index
    %get3A_8 = vector.load %arg3[%get3A_6, %get3A_7] : memref<64x1xf32, #tpu.memory_space<vmem>>, vector<64x1xf32>
    %add3A = vector.broadcast %get3A_8 : vector<64x1xf32> to vector<64x4096xf32>
    %add3A_9 = arith.addf %dot_general3A_5, %add3A : vector<64x4096xf32>
    %max3A = arith.constant 0.000000e+00 : f32
    %max3A_10 = vector.broadcast %max3A : f32 to vector<64x4096xf32>
    %max3A_11 = arith.maximumf %add3A_9, %max3A_10 : vector<64x4096xf32>
    %get3A_12 = arith.constant 0 : index
    %get3A_13 = arith.constant 0 : index
    %get3A_14 = vector.load %arg4[%get3A_12, %get3A_13] : memref<64x64xf32, #tpu.memory_space<vmem>>, vector<64x64xf32>
    %dot_general3A_15 = arith.constant dense<0.000000e+00> : vector<64x4096xf32>
    %dot_general3A_16 = tpu.matmul %get3A_14, %max3A_11, %dot_general3A_15 {dimension_numbers = #tpu.dot_dimension_numbers<[0], [0], [1], [1], [0, 1, 1, 1], [], []>, transpose_lhs_hint = false} : vector<64x64xf32>, vector<64x4096xf32>, vector<64x4096xf32> -> vector<64x4096xf32>
    %get3A_17 = arith.constant 0 : index
    %get3A_18 = arith.constant 0 : index
    %get3A_19 = vector.load %arg5[%get3A_17, %get3A_18] : memref<64x1xf32, #tpu.memory_space<vmem>>, vector<64x1xf32>
    %add3A_20 = vector.broadcast %get3A_19 : vector<64x1xf32> to vector<64x4096xf32>
    %add3A_21 = arith.addf %dot_general3A_16, %add3A_20 : vector<64x4096xf32>
    %swap3A = arith.constant 0 : index
    %swap3A_22 = arith.constant 0 : index
    %swap3A_23 = vector.load %arg6[%swap3A, %swap3A_22] : memref<64x4096xf32, #tpu.memory_space<vmem>>, vector<64x4096xf32>
    tpu.vector_store %arg6[%swap3A, %swap3A_22], %add3A_21 {strides = array<i32>} : memref<64x4096xf32, #tpu.memory_space<vmem>>, vector<64x4096xf32>,
    return
  }
  func.func @transform_0(%arg0: i32) -> (i32, i32) {
    %c0_i32 = arith.constant 0 : i32
    %c0_i32_0 = arith.constant 0 : i32
    return %c0_i32, %arg0 : i32, i32
  }
  func.func @transform_1(%arg0: i32) -> (i32, i32) {
    %c0_i32 = arith.constant 0 : i32
    %c0_i32_0 = arith.constant 0 : i32
    %c0_i32_1 = arith.constant 0 : i32
    return %c0_i32, %c0_i32_0 : i32, i32
  }
  func.func @transform_2(%arg0: i32) -> (i32, i32) {
    %c0_i32 = arith.constant 0 : i32
    %c0_i32_0 = arith.constant 0 : i32
    %c0_i32_1 = arith.constant 0 : i32
    return %c0_i32, %c0_i32_0 : i32, i32
  }
  func.func @transform_3(%arg0: i32) -> (i32, i32) {
    %c0_i32 = arith.constant 0 : i32
    %c0_i32_0 = arith.constant 0 : i32
    %c0_i32_1 = arith.constant 0 : i32
    return %c0_i32, %c0_i32_0 : i32, i32
  }
  func.func @transform_4(%arg0: i32) -> (i32, i32) {
    %c0_i32 = arith.constant 0 : i32
    %c0_i32_0 = arith.constant 0 : i32
    %c0_i32_1 = arith.constant 0 : i32
    return %c0_i32, %c0_i32_0 : i32, i32
  }
  func.func @transform_5(%arg0: i32) -> (i32, i32) {
    %c0_i32 = arith.constant 0 : i32
    %c0_i32_0 = arith.constant 0 : i32
    return %c0_i32, %arg0 : i32, i32
  }
}

</mosaic_0001>

<sc_bundles>
// kernel: kernel.5.cloned.1.call-start
scs
__scs_entry_jumppad:
0x0: {  	(pc) =	sbr.rel $0x88, $3  }
0x1: {  	(tag) =	ssettag $0x0;
	lr =	simm.s32 $0x1  }
0x2: {  	[smem:$0x3F9B] =	sst lr;
	_ =	strace $0xD0000000  }
0x3: {  	_ = 	snop  }
0x4: {  	_ = 	snop  }
0x5: {  	_ = 	snop  }
0x6: {  	_ = 	snop  }
0x7: {  	_ = 	snop  }
__scs_overlays_trampoline_lowered:
0x8: {  	[smem:$0x3FAA] =	sst s0  }
0x9: {  	[smem:$0x3FAB] =	sst s1  }
0xa: {  	[smem:$0x3FAC] =	sst s2  }
0xb: {  	[smem:$0x3FAD] =	sst s3  }
0xc: {  	[smem:$0x3FAE] =	sst s4  }
0xd: {  	[smem:$0x3FAF] =	sst s5  }
0xe: {  	[smem:$0x3FB0] =	sst s6  }
0xf: {  	[smem:$0x3FB1] =	sst s7  }
0x10: {  	[smem:$0x3FB2] =	sst s8  }
0x11: {  	[smem:$0x3FB3] =	sst s9;
	s0 =	simm.s32 @!p0 $0x0  }
0x12: {  	s1 =	sld [smem:$0x3F99];
	s0 =	simm.s32 @p0 $0x1  }
0x13: {  	[smem:$0x3FB4] =	sst s0;
	s0 =	simm.s32 @!p1 $0x0  }
0x14: {  	s2 =	sld [smem:$0x3F98];
	s0 =	simm.s32 @p1 $0x1  }
0x15: {  	[smem:$0x3FB5] =	sst s0;
	s0 =	simm.s32 @!p2 $0x0  }
0x16: {  	s3 =	sld [smem:$0x3FDB];
	s0 =	simm.s32 @p2 $0x1  }
0x17: {  	s4 =	simm.s32 $0x1BF5;
	[smem:$0x3FB7] =	sst s0  }
0x18: {  	s0 =	sld [smem:$0x3F9A];
	_ =	swait.ge [sflag:s4], $0x0  }
0x19: {  	s7 =	sld [smem:$0x3F9B]  }
0x1a: {  	s8 =	sadd.s32 $0xFFFFE003, lr  }
0x1b: {  	s9 =	sadd.s32 $0xFFFFFEF7, lr;
	s5 =	simm.s32 $0xFFFFFFFF;
	p2 =	slt.u32 s8, $0xFFFFF086  }
0x1c: {  	p1 =	slt.u32 s9, $0xF7A;
	s5 =	simm.s32 @!p2 $0x0  }
0x1d: {  	s5 =	simm.s32 @p1 $0x1;
	p0 =	seq.s32 s7, s2  }
0x1e: {  	s7 =	smul.u32 @!p0 $0xF7A, s2;
	p2 =	seq.s32 @!p0 s5, $0x0  }
0x1f: {  	s9 =	smul.u32 $0xF7A, s1;
	s8 =	simm.s32 @!p0 $0x1BF5;
	p2 =	por !p2, p0  }
0x20: {  	[sflag:s8] =	ssyncset.s32 @!p0 $0xFFFFF086;
	s6 =	sadd.s32 @!p0 s3, s7;
	s7 =	simm.s32 @!p0 $0x108  }
0x21: {  	s3 =	sadd.s32 s3, s9;
	s6 =	sadd.s32 @!p0 $0x88, s6;
	s7 =	simm.s32 @p2 $0x1082  }
0x22: {  	[simem:s7], [sflag:s8] =	dma.local @!p0 [hbm:s6], $0xF7A  }
0x23: {  	s9 =	sor.u32 $0xD0000000, s2;
	s6 =	simm.s32 $0x108;
	_ =	swait.ge @!p0 [sflag:s8], $0x0  }
0x24: {  	s3 =	sadd.s32 $0x88, s3;
	s6 =	simm.s32 @!p1 $0x1082;
	[sflag:s4] =	ssyncset.s32 $0xFFFFF086  }
0x25: {  	[simem:s6], [sflag:s4] =	dma.local [hbm:s3], $0xF7A  }
0x26: {  	[smem:$0x3F9B] =	sst s1;
	(tag) =	ssettag s2;
	_ =	strace s9  }
0x27: {  	s1 =	sld [smem:$0x3FAB]  }
0x28: {  	s2 =	sld [smem:$0x3FAC]  }
0x29: {  	s4 =	sld [smem:$0x3FAE]  }
0x2a: {  	p0 =	seq.s32 s5, $0x0;
	s5 =	sld [smem:$0x3FAF]  }
0x2b: {  	s6 =	sld [smem:$0x3FB0]  }
0x2c: {  	s7 =	sld [smem:$0x3FB1]  }
0x2d: {  	s3 =	simm.s32 $0x108;
	s8 =	sld [smem:$0x3FB2]  }
0x2e: {  	s3 =	simm.s32 @!p0 $0x1082;
	s9 =	sld [smem:$0x3FB3]  }
0x2f: {  	lr =	sadd.s32 s0, s3;
	s0 =	sld [smem:$0x3FAA]  }
0x30: {  	s3 =	sld [smem:$0x3FAD]  }
0x31: {  	[smem:$0x3FB6] =	sst s10  }
0x32: {  	s10 =	sld [smem:$0x3FB4];
	_ =	sdelay $0x3  }
0x33: {  	p0 =	seq.s32 s10, $0x1;
	s10 =	sld [smem:$0x3FB6];
	_ =	sdelay $0x3  }
0x34: {  	[smem:$0x3FB6] =	sst s10  }
0x35: {  	s10 =	sld [smem:$0x3FB5];
	_ =	sdelay $0x3  }
0x36: {  	p1 =	seq.s32 s10, $0x1;
	s10 =	sld [smem:$0x3FB6];
	_ =	sdelay $0x3  }
0x37: {  	[smem:$0x3FB6] =	sst s10  }
0x38: {  	s10 =	sld [smem:$0x3FB7]  }
0x39: {  	_ = 	snop;
	(pc) =	sbr.ind lr, $3  }
0x3a: {  	_ = 	snop  }
0x3b: {  	_ = 	snop  }
0x3c: {  	p2 =	seq.s32 s10, $0x1;
	s10 =	sld [smem:$0x3FB6]  }
0x3d: {  	_ =	shalt  }
0x3e: {  	_ =	shalt  }
0x3f: {  	_ =	shalt  }
0x40: {  	_ =	shalt  }
0x41: {  	_ =	shalt  }
0x42: {  	_ =	shalt  }
0x43: {  	_ =	shalt  }
0x44: {  	_ =	shalt  }
0x45: {  	_ =	shalt  }
0x46: {  	_ =	shalt  }
0x47: {  	_ =	shalt  }
0x48: {  	_ =	shalt  }
0x49: {  	_ =	shalt  }
0x4a: {  	_ =	shalt  }
0x4b: {  	_ =	shalt  }
0x4c: {  	_ =	shalt  }
0x4d: {  	_ =	shalt  }
0x4e: {  	_ =	shalt  }
0x4f: {  	_ =	shalt  }
0x50: {  	_ =	shalt  }
0x51: {  	_ =	shalt  }
0x52: {  	_ =	shalt  }
0x53: {  	_ =	shalt  }
0x54: {  	_ =	shalt  }
0x55: {  	_ =	shalt  }
0x56: {  	_ =	shalt  }
0x57: {  	_ =	shalt  }
0x58: {  	_ =	shalt  }
0x59: {  	_ =	shalt  }
0x5a: {  	_ =	shalt  }
0x5b: {  	_ =	shalt  }
0x5c: {  	_ =	shalt  }
0x5d: {  	_ =	shalt  }
0x5e: {  	_ =	shalt  }
0x5f: {  	_ =	shalt  }
0x60: {  	_ =	shalt  }
0x61: {  	_ =	shalt  }
0x62: {  	_ =	shalt  }
0x63: {  	_ =	shalt  }
0x64: {  	_ =	shalt  }
0x65: {  	_ =	shalt  }
0x66: {  	_ =	shalt  }
0x67: {  	_ =	shalt  }
0x68: {  	_ =	shalt  }
0x69: {  	_ =	shalt  }
0x6a: {  	_ =	shalt  }
0x6b: {  	_ =	shalt  }
0x6c: {  	_ =	shalt  }
0x6d: {  	_ =	shalt  }
0x6e: {  	_ =	shalt  }
0x6f: {  	_ =	shalt  }
0x70: {  	_ =	shalt  }
0x71: {  	_ =	shalt  }
0x72: {  	_ =	shalt  }
0x73: {  	_ =	shalt  }
0x74: {  	_ =	shalt  }
0x75: {  	_ =	shalt  }
0x76: {  	_ =	shalt  }
0x77: {  	_ =	shalt  }
0x78: {  	_ =	shalt  }
0x79: {  	_ =	shalt  }
0x7a: {  	_ =	shalt  }
0x7b: {  	_ =	shalt  }
0x7c: {  	_ =	shalt  }
0x7d: {  	_ =	shalt  }
0x7e: {  	_ =	shalt  }
0x7f: {  	_ =	shalt  }
0x80: {  	_ =	shalt  }
0x81: {  	_ =	shalt  }
0x82: {  	_ =	shalt  }
0x83: {  	_ =	shalt  }
0x84: {  	_ =	shalt  }
0x85: {  	_ =	shalt  }
0x86: {  	_ =	shalt  }
0x87: {  	_ =	shalt  }
.Lfunc_end0:
.L_simem_size_0:
called_computation_lowered:
.L_overlay_start_0:
0x88: {  	s2 =	sld [smem:$0x3FD9]  }
0x89: {  	s3 =	sld [smem:$0x3FFE];
	_ =	sdelay $0x1  }
0x8a: {  	s1 =	srdreg.scid  }
0x8b: {  	s0 =	sand.u32 $0x1, s1  }
0x8c: {  	s17 =	sshll.u32 s0, $0xA;
	s2 =	sadd.s32 s3, s2  }
0x8d: {  	s2 =	sadd.s32 s2, s17  }
0x8e: {  	[smem:$0x3FC2] =	sst s2  }
0x8f: {  	_ = 	snop  }
0x90: {  	s2 =	sld [smem:$0x3FD0];
	(tm) =	ssettm $0x1  }
0x91: {  	s18 =	sld [smem:$0x3FFB];
	_ =	sdelay $0x3  }
0x92: {  	_ =	strace s18  }
0x93: {  	s3 =	sld [smem:$0x3FFC];
	_ =	sdelay $0x3  }
0x94: {  	_ =	strace s3  }
0x95: {  	s3 =	sld [smem:$0x3FFD];
	_ =	sdelay $0x3  }
0x96: {  	_ =	strace s3  }
0x97: {  	_ =	strace $0x8FFFFFFF  }
0x98: {  	s19 =	sld [smem:$0x3FDB];
	_ =	sdelay $0x1  }
0x99: {  	s4 =	simm.s32 $_scs_section_size  }
0x9a: {  	s5 =	simm.s32 $_size__tile_overlayer_lowered;
	s6 =	simm.s32 $_tile_overlayer_lowered  }
0x9b: {  	s22 =	simm.s32 $0x1BFF;
	s21 =	sshll.u32 s6, $0x1;
	s3 =	sadd.s32 s4, s19  }
0x9c: {  	s7 =	simm.s32 $0x0;
	s20 =	sshll.u32 s5, $0x1;
	s5 =	sadd.s32 s21, s3  }
0x9d: {  	[timem:s7], [sflag:s22] =	dma.local [hbm:s5], s20  }
0x9e: {  	_ =	swait.ge [sflag:s22], s20  }
0x9f: {  	s4 =	ssub.s32 $0x0, s20;
	[sflag:s22] =	ssyncset.done $0x0  }
0xa0: {  	[sflag:s22] =	ssyncadd.s32 s4;
	_ =	sdelay $0x1  }
0xa1: {  	s23 =	simm.s32 $0x1B8B  }
0xa2: {  	_ =	swait.ge [sflag:s23], $0x1  }
0xa3: {  	[sflag:s23] =	ssyncset.done $0x0  }
0xa4: {  	s25 =	simm.s32 $0x1B8E;
	s24 =	sld [smem:$0x3FFE];
	[sflag:s23] =	ssyncadd.s32 $0xFFFFFFFF  }
0xa5: {  	s26 =	simm.s32 $execute0_lowered;
	[smem:$0x3FD2] =	sst s25  }
0xa6: {  	s5 =	sshll.u32 s26, $0x1;
	_ =	strace $0x80000046;
	[dreg:$0x1] =	wrdreg $0xFFFFFFFF  }
0xa7: {  	s28 =	simm.s32 $_size_execute0_lowered;
	s3 =	sadd.s32 s3, s5;
	[dreg:$0x0] =	wrdreg $0x0  }
0xa8: {  	s5 =	sshll.u32 s28, $0x1;
	[dreg:$0x2] =	wrdreg s3  }
0xa9: {  	[dreg:$0x3] =	wrdreg s5  }
0xaa: {  	[dreg:$0x4] =	wrdreg $0xC0  }
0xab: {  	_ =	task [dreg:s7], $0x5FFFF  }
0xac: {  	[dreg:$0x1] =	wrdreg $0xFFFFFFFF  }
0xad: {  	[dreg:$0x0] =	wrdreg $0x60  }
0xae: {  	[dreg:$0x2] =	wrdreg s24  }
0xaf: {  	[dreg:$0x3] =	wrdreg s2  }
0xb0: {  	[dreg:$0x4] =	wrdreg $0x9  }
0xb1: {  	_ =	task.clear_ibuf [dreg:s7], $0x5FFFF;
	_ =	strace $0x90000046  }
0xb2: {  	s29 =	simm.s32 $0x9;
	_ =	strace $0x80000048  }
0xb3: {  	_ =	swait.ge [sflag:s29], $0x1  }
0xb4: {  	[sflag:s29] =	ssyncadd.s32 $0xFFFFFFFF  }
0xb5: {  	_ =	strace $0x90000048  }
0xb6: {  	_ =	sfence  }
0xb7: {  	s30 =	sld [smem:$0x0];
	_ =	sdelay $0x2  }
0xb8: {  	s31 =	sshll.u32 s1, $0xD;
	s1 =	sshrl.u32 s1, $0x2  }
0xb9: {  	s3 =	sand.u32 $0x4000, s31;
	s1 =	sadd.s32 s1, s30  }
0xba: {  	s0 =	sor.u32 s3, s0;
	s1 =	sshll.u32 s1, $0x11  }
0xbb: {  	s0 =	sor.u32 s1, s0  }
0xbc: {  	s0 =	sadd.s32 $0x8F2B, s0  }
0xbd: {  	[sflag:s0] =	ssyncadd.remote.s32 $0x1  }
0xbe: {  	_ =	sfence.sel $0xFFFF  }
0xbf: {  	[dreg:$0x0] =	wrdreg $0xFFFFFFFF;
	(pc) =	sbr.abs _section_cstart, $3  }
0xc0: {  	[dreg:$0x1] =	wrdreg $0xFFFFFFFF  }
0xc1: {  	_ =	task.clear_ibuf [dreg:s7], $0x2FFFF;
	_ =	strace $0x9FFFFFFF  }
0xc2: {  	(tm) =	ssettm $0x7FFFFFFF  }
0xc3: {  	_ =	shalt  }
tec
execute0_lowered:
.L_overlay_start_1:
0x0: {  	(tag) =	ssettag $0x1  }
0x1: {  	s0 =	rddreg [dreg:$0x0]  }
0x2: {  	s1 =	rddreg [dreg:$0x1];
	s3 =	srdreg.scid  }
0x3: {  	s6 =	stileid.u32;
	s2 =	simm.s32 $0x0;
	s10 =	simm.s32 $0x3  }
0x4: {  	s11 =	simm.s32 $0x80;
	s13 =	simm.s32 $0xC00;
	s15 =	simm.s32 $0x4C00  }
0x5: {  	s16 =	simm.s32 $0x500;
	s17 =	simm.s32 $0x8C00;
	s18 =	simm.s32 $0x580  }
0x6: {  	s19 =	simm.s32 $0xCC00;
	s20 =	simm.s32 $0x1;
	s21 =	simm.s32 $0x10C00  }
0x7: {  	s22 =	simm.s32 $0x800;
	s23 =	simm.s32 $0x20000;
	s28 =	simm.s32 $0x11C00  }
0x8: {  	s29 =	simm.s32 $0x700;
	s30 =	simm.s32 $0x780;
	s31 =	simm.s32 $0x0  }
0x9: {  	s3 =	sand.u32 $0x1, s3;
	s4 =	sshll.u32 s6, $0x1;
	[smem:$0x7FF] =	sst s2  }
0xa: {  	s6 =	sshll.u32 s6, $0xF;
	s4 =	sor.u32 s3, s4;
	_ =	strace $0x80000047  }
0xb: {  	s7 =	ssub.s32 $0x2, s3;
	s6 =	sand.u32 $0x40000, s6;
	s3 =	sadd.s32 $0x2000, s0  }
0xc: {  	s5 =	sshll.u32 s4, $0x7;
	s4 =	sand.u32 $0xF, s4;
	s24 =	sshrl.u32 s7, $0x1  }
0xd: {  	s5 =	sadd.s32 s5, s0;
	s8 =	sshll.u32 s4, $0xD;
	s0 =	ssub.s32 s7, s24  }
0xe: {  	s26 =	sshll.u32 s4, $0xA;
	s24 =	simm.s32 $0x2;
	s8 =	sor.u32 s8, s6  }
0xf: {  	s6 =	sshrl.u32 s6, $0x3;
	s4 =	sadd.s32 $0x1000, s5;
	s25 =	sshrl.u32 s8, $0x3  }
0x10: {  	s9 =	smax.u32 s0, $0x1;
	s6 =	sadd.s32 s1, s6;
	s1 =	sadd.s32 s25, s1  }
0x11: {  	s5 =	sadd.s32 s26, s6;
	s25 =	simm.s32 $0x600;
	s26 =	simm.s32 $0x680  }
0x12: {  	v0 =	vlaneseq.u32;
	s6 =	sadd.s32 $0x100, s1;
	s7 =	sadd.s32 $0x200, s1;
	s8 =	sadd.s32 $0x300, s1  }
.LBB2_1:
0x13: {  	[tilespmem:s2], [sflag:$0x3] =	stream.linear.gather [hbm4b:s4+s2], $0x400, $0x38;
	[tilespmem:$0x12C00] =	vst v63  }
0x14: {  	_ =	swait.ge [sflag:s10], $0x400  }
0x15: {  	[sflag:s10] =	ssyncset.done $0x0  }
0x16: {  	[sflag:s10] =	ssyncadd.s32 $0xFFFFFC00  }
0x17: {  	v1 =	vld [tilespmem:$0x0];
	_ =	sdelay $0x1  }
0x18: {  	v2 =	vld [tilespmem:$0x10];
	_ =	sdelay $0x1  }
0x19: {  	v3 =	vld [tilespmem:$0x20]  }
0x1a: {  	v4 =	vand.u32 $0x1FFFF, v1;
	v1 =	vshra.s32 v1, $0xD  }
0x1b: {  	v56 =	vld [tilespmem:$0x30];
	[tilespmem:$0x400] =	vst v4;
	v1 =	vand.u32 $0xFFFFFFF0, v1  }
0x1c: {  	[tilespmem:$0x800] =	vst v1;
	v1 =	vand.u32 $0x1FFFF, v2;
	v2 =	vshra.s32 v2, $0xD  }
0x1d: {  	[tilespmem:$0x410] =	vst v1;
	v1 =	vand.u32 $0xFFFFFFF0, v2;
	v2 =	vld [tilespmem:$0x40]  }
0x1e: {  	[tilespmem:$0x810] =	vst v1;
	v1 =	vand.u32 $0x1FFFF, v3;
	v3 =	vshra.s32 v3, $0xD  }
0x1f: {  	[tilespmem:$0x420] =	vst v1;
	v1 =	vand.u32 $0xFFFFFFF0, v3;
	v3 =	vld [tilespmem:$0x50]  }
0x20: {  	v4 =	vshra.s32 v56, $0xD;
	[tilespmem:$0x820] =	vst v1;
	v1 =	vand.u32 $0x1FFFF, v56  }
0x21: {  	v57 =	vld [tilespmem:$0x60];
	[tilespmem:$0x430] =	vst v1;
	v1 =	vand.u32 $0xFFFFFFF0, v4  }
0x22: {  	[tilespmem:$0x830] =	vst v1;
	v1 =	vand.u32 $0x1FFFF, v2;
	v2 =	vshra.s32 v2, $0xD  }
0x23: {  	[tilespmem:$0x440] =	vst v1;
	v1 =	vand.u32 $0xFFFFFFF0, v2;
	v2 =	vld [tilespmem:$0x70]  }
0x24: {  	[tilespmem:$0x840] =	vst v1;
	v1 =	vand.u32 $0x1FFFF, v3;
	v3 =	vshra.s32 v3, $0xD  }
0x25: {  	[tilespmem:$0x450] =	vst v1;
	v1 =	vand.u32 $0xFFFFFFF0, v3;
	v3 =	vld [tilespmem:$0x80]  }
0x26: {  	v4 =	vshra.s32 v57, $0xD;
	[tilespmem:$0x850] =	vst v1;
	v1 =	vand.u32 $0x1FFFF, v57  }
0x27: {  	v58 =	vld [tilespmem:$0x90];
	[tilespmem:$0x460] =	vst v1;
	v1 =	vand.u32 $0xFFFFFFF0, v4  }
0x28: {  	[tilespmem:$0x860] =	vst v1;
	v1 =	vand.u32 $0x1FFFF, v2;
	v2 =	vshra.s32 v2, $0xD  }
0x29: {  	[tilespmem:$0x470] =	vst v1;
	v1 =	vand.u32 $0xFFFFFFF0, v2;
	v2 =	vld [tilespmem:$0xA0]  }
0x2a: {  	[tilespmem:$0x870] =	vst v1;
	v1 =	vand.u32 $0x1FFFF, v3;
	v3 =	vshra.s32 v3, $0xD  }
0x2b: {  	[tilespmem:$0x480] =	vst v1;
	v1 =	vand.u32 $0xFFFFFFF0, v3;
	v3 =	vld [tilespmem:$0xB0]  }
0x2c: {  	v4 =	vshra.s32 v58, $0xD;
	[tilespmem:$0x880] =	vst v1;
	v1 =	vand.u32 $0x1FFFF, v58  }
0x2d: {  	v59 =	vld [tilespmem:$0xC0];
	[tilespmem:$0x490] =	vst v1;
	v1 =	vand.u32 $0xFFFFFFF0, v4  }
0x2e: {  	[tilespmem:$0x890] =	vst v1;
	v1 =	vand.u32 $0x1FFFF, v2;
	v2 =	vshra.s32 v2, $0xD  }
0x2f: {  	[tilespmem:$0x4A0] =	vst v1;
	v1 =	vand.u32 $0xFFFFFFF0, v2;
	v2 =	vld [tilespmem:$0xD0]  }
0x30: {  	[tilespmem:$0x8A0] =	vst v1;
	v1 =	vand.u32 $0x1FFFF, v3;
	v3 =	vshra.s32 v3, $0xD  }
0x31: {  	[tilespmem:$0x4B0] =	vst v1;
	v1 =	vand.u32 $0xFFFFFFF0, v3;
	v3 =	vld [tilespmem:$0xE0]  }
0x32: {  	v4 =	vshra.s32 v59, $0xD;
	[tilespmem:$0x8B0] =	vst v1;
	v1 =	vand.u32 $0x1FFFF, v59  }
0x33: {  	v60 =	vld [tilespmem:$0xF0];
	[tilespmem:$0x4C0] =	vst v1;
	v1 =	vand.u32 $0xFFFFFFF0, v4  }
0x34: {  	[tilespmem:$0x8C0] =	vst v1;
	v1 =	vand.u32 $0x1FFFF, v2;
	v2 =	vshra.s32 v2, $0xD  }
0x35: {  	[tilespmem:$0x4D0] =	vst v1;
	v1 =	vand.u32 $0xFFFFFFF0, v2;
	v2 =	vld [tilespmem:$0x100]  }
0x36: {  	[tilespmem:$0x8D0] =	vst v1;
	v1 =	vand.u32 $0x1FFFF, v3;
	v3 =	vshra.s32 v3, $0xD  }
0x37: {  	[tilespmem:$0x4E0] =	vst v1;
	v1 =	vand.u32 $0xFFFFFFF0, v3;
	v3 =	vld [tilespmem:$0x110]  }
0x38: {  	v4 =	vshra.s32 v60, $0xD;
	[tilespmem:$0x8E0] =	vst v1;
	v1 =	vand.u32 $0x1FFFF, v60  }
0x39: {  	v61 =	vld [tilespmem:$0x120];
	[tilespmem:$0x4F0] =	vst v1;
	v1 =	vand.u32 $0xFFFFFFF0, v4  }
0x3a: {  	[tilespmem:$0x8F0] =	vst v1;
	v1 =	vand.u32 $0x1FFFF, v2;
	v2 =	vshra.s32 v2, $0xD  }
0x3b: {  	[tilespmem:$0x500] =	vst v1;
	v1 =	vand.u32 $0xFFFFFFF0, v2;
	v2 =	vld [tilespmem:$0x130]  }
0x3c: {  	[tilespmem:$0x900] =	vst v1;
	v1 =	vand.u32 $0x1FFFF, v3;
	v3 =	vshra.s32 v3, $0xD  }
0x3d: {  	[tilespmem:$0x510] =	vst v1;
	v1 =	vand.u32 $0xFFFFFFF0, v3;
	v3 =	vld [tilespmem:$0x140]  }
0x3e: {  	v4 =	vshra.s32 v61, $0xD;
	[tilespmem:$0x910] =	vst v1;
	v1 =	vand.u32 $0x1FFFF, v61  }
0x3f: {  	v62 =	vld [tilespmem:$0x150];
	[tilespmem:$0x520] =	vst v1;
	v1 =	vand.u32 $0xFFFFFFF0, v4  }
0x40: {  	[tilespmem:$0x920] =	vst v1;
	v1 =	vand.u32 $0x1FFFF, v2;
	v2 =	vshra.s32 v2, $0xD  }
0x41: {  	[tilespmem:$0x530] =	vst v1;
	v1 =	vand.u32 $0xFFFFFFF0, v2;
	v2 =	vld [tilespmem:$0x160]  }
0x42: {  	[tilespmem:$0x930] =	vst v1;
	v1 =	vand.u32 $0x1FFFF, v3;
	v3 =	vshra.s32 v3, $0xD  }
0x43: {  	[tilespmem:$0x540] =	vst v1;
	v1 =	vand.u32 $0xFFFFFFF0, v3;
	v3 =	vld [tilespmem:$0x170]  }
0x44: {  	v4 =	vshra.s32 v62, $0xD;
	[tilespmem:$0x940] =	vst v1;
	v1 =	vand.u32 $0x1FFFF, v62  }
0x45: {  	v63 =	vld [tilespmem:$0x180];
	[tilespmem:$0x550] =	vst v1;
	v1 =	vand.u32 $0xFFFFFFF0, v4  }
0x46: {  	[tilespmem:$0x950] =	vst v1;
	v1 =	vand.u32 $0x1FFFF, v2;
	v2 =	vshra.s32 v2, $0xD  }
0x47: {  	[tilespmem:$0x560] =	vst v1;
	v1 =	vand.u32 $0xFFFFFFF0, v2;
	v2 =	vld [tilespmem:$0x190]  }
0x48: {  	[tilespmem:$0x960] =	vst v1;
	v1 =	vand.u32 $0x1FFFF, v3;
	v3 =	vshra.s32 v3, $0xD  }
0x49: {  	[tilespmem:$0x570] =	vst v1;
	v1 =	vand.u32 $0xFFFFFFF0, v3;
	v3 =	vld [tilespmem:$0x1A0]  }
0x4a: {  	v4 =	vshra.s32 v63, $0xD;
	[tilespmem:$0x970] =	vst v1;
	v1 =	vand.u32 $0x1FFFF, v63  }
0x4b: {  	v8 =	vld [tilespmem:$0x1B0];
	[tilespmem:$0x580] =	vst v1;
	v1 =	vand.u32 $0xFFFFFFF0, v4  }
0x4c: {  	[tilespmem:$0x980] =	vst v1;
	v1 =	vand.u32 $0x1FFFF, v2;
	v2 =	vshra.s32 v2, $0xD  }
0x4d: {  	[tilespmem:$0x590] =	vst v1;
	v1 =	vand.u32 $0xFFFFFFF0, v2;
	v2 =	vld [tilespmem:$0x1C0]  }
0x4e: {  	[tilespmem:$0x990] =	vst v1;
	v1 =	vand.u32 $0x1FFFF, v3;
	v3 =	vshra.s32 v3, $0xD  }
0x4f: {  	[tilespmem:$0x5A0] =	vst v1;
	v1 =	vand.u32 $0xFFFFFFF0, v3;
	v3 =	vld [tilespmem:$0x1D0]  }
0x50: {  	v4 =	vshra.s32 v8, $0xD;
	[tilespmem:$0x9A0] =	vst v1;
	v1 =	vand.u32 $0x1FFFF, v8  }
0x51: {  	v9 =	vld [tilespmem:$0x1E0];
	[tilespmem:$0x5B0] =	vst v1;
	v1 =	vand.u32 $0xFFFFFFF0, v4  }
0x52: {  	[tilespmem:$0x9B0] =	vst v1;
	v1 =	vand.u32 $0x1FFFF, v2;
	v2 =	vshra.s32 v2, $0xD  }
0x53: {  	[tilespmem:$0x5C0] =	vst v1;
	v1 =	vand.u32 $0xFFFFFFF0, v2;
	v2 =	vld [tilespmem:$0x1F0]  }
0x54: {  	[tilespmem:$0x9C0] =	vst v1;
	v1 =	vand.u32 $0x1FFFF, v3;
	v3 =	vshra.s32 v3, $0xD  }
0x55: {  	[tilespmem:$0x5D0] =	vst v1;
	v1 =	vand.u32 $0xFFFFFFF0, v3;
	v3 =	vld [tilespmem:$0x200]  }
0x56: {  	v4 =	vshra.s32 v9, $0xD;
	[tilespmem:$0x9D0] =	vst v1;
	v1 =	vand.u32 $0x1FFFF, v9  }
0x57: {  	v10 =	vld [tilespmem:$0x210];
	[tilespmem:$0x5E0] =	vst v1;
	v1 =	vand.u32 $0xFFFFFFF0, v4  }
0x58: {  	[tilespmem:$0x9E0] =	vst v1;
	v1 =	vand.u32 $0x1FFFF, v2;
	v2 =	vshra.s32 v2, $0xD  }
0x59: {  	[tilespmem:$0x5F0] =	vst v1;
	v1 =	vand.u32 $0xFFFFFFF0, v2;
	v2 =	vld [tilespmem:$0x220]  }
0x5a: {  	[tilespmem:$0x9F0] =	vst v1;
	v1 =	vand.u32 $0x1FFFF, v3;
	v3 =	vshra.s32 v3, $0xD  }
0x5b: {  	[tilespmem:$0x600] =	vst v1;
	v1 =	vand.u32 $0xFFFFFFF0, v3;
	v3 =	vld [tilespmem:$0x230]  }
0x5c: {  	v4 =	vshra.s32 v10, $0xD;
	[tilespmem:$0xA00] =	vst v1;
	v1 =	vand.u32 $0x1FFFF, v10  }
0x5d: {  	v11 =	vld [tilespmem:$0x240];
	[tilespmem:$0x610] =	vst v1;
	v1 =	vand.u32 $0xFFFFFFF0, v4  }
0x5e: {  	[tilespmem:$0xA10] =	vst v1;
	v1 =	vand.u32 $0x1FFFF, v2;
	v2 =	vshra.s32 v2, $0xD  }
0x5f: {  	[tilespmem:$0x620] =	vst v1;
	v1 =	vand.u32 $0xFFFFFFF0, v2;
	v2 =	vld [tilespmem:$0x250]  }
0x60: {  	[tilespmem:$0xA20] =	vst v1;
	v1 =	vand.u32 $0x1FFFF, v3;
	v3 =	vshra.s32 v3, $0xD  }
0x61: {  	[tilespmem:$0x630] =	vst v1;
	v1 =	vand.u32 $0xFFFFFFF0, v3;
	v3 =	vld [tilespmem:$0x260]  }
0x62: {  	v4 =	vshra.s32 v11, $0xD;
	[tilespmem:$0xA30] =	vst v1;
	v1 =	vand.u32 $0x1FFFF, v11  }
0x63: {  	v12 =	vld [tilespmem:$0x270];
	[tilespmem:$0x640] =	vst v1;
	v1 =	vand.u32 $0xFFFFFFF0, v4  }
0x64: {  	[tilespmem:$0xA40] =	vst v1;
	v1 =	vand.u32 $0x1FFFF, v2;
	v2 =	vshra.s32 v2, $0xD  }
0x65: {  	[tilespmem:$0x650] =	vst v1;
	v1 =	vand.u32 $0xFFFFFFF0, v2;
	v2 =	vld [tilespmem:$0x280]  }
0x66: {  	[tilespmem:$0xA50] =	vst v1;
	v1 =	vand.u32 $0x1FFFF, v3;
	v3 =	vshra.s32 v3, $0xD  }
0x67: {  	[tilespmem:$0x660] =	vst v1;
	v1 =	vand.u32 $0xFFFFFFF0, v3;
	v3 =	vld [tilespmem:$0x290]  }
0x68: {  	v4 =	vshra.s32 v12, $0xD;
	[tilespmem:$0xA60] =	vst v1;
	v1 =	vand.u32 $0x1FFFF, v12  }
0x69: {  	v13 =	vld [tilespmem:$0x2A0];
	[tilespmem:$0x670] =	vst v1;
	v1 =	vand.u32 $0xFFFFFFF0, v4  }
0x6a: {  	[tilespmem:$0xA70] =	vst v1;
	v1 =	vand.u32 $0x1FFFF, v2;
	v2 =	vshra.s32 v2, $0xD  }
0x6b: {  	[tilespmem:$0x680] =	vst v1;
	v1 =	vand.u32 $0xFFFFFFF0, v2;
	v2 =	vld [tilespmem:$0x2B0]  }
0x6c: {  	[tilespmem:$0xA80] =	vst v1;
	v1 =	vand.u32 $0x1FFFF, v3;
	v3 =	vshra.s32 v3, $0xD  }
0x6d: {  	[tilespmem:$0x690] =	vst v1;
	v1 =	vand.u32 $0xFFFFFFF0, v3;
	v3 =	vld [tilespmem:$0x2C0]  }
0x6e: {  	v4 =	vshra.s32 v13, $0xD;
	[tilespmem:$0xA90] =	vst v1;
	v1 =	vand.u32 $0x1FFFF, v13  }
0x6f: {  	v14 =	vld [tilespmem:$0x2D0];
	[tilespmem:$0x6A0] =	vst v1;
	v1 =	vand.u32 $0xFFFFFFF0, v4  }
0x70: {  	[tilespmem:$0xAA0] =	vst v1;
	v1 =	vand.u32 $0x1FFFF, v2;
	v2 =	vshra.s32 v2, $0xD  }
0x71: {  	[tilespmem:$0x6B0] =	vst v1;
	v1 =	vand.u32 $0xFFFFFFF0, v2;
	v2 =	vld [tilespmem:$0x2E0]  }
0x72: {  	[tilespmem:$0xAB0] =	vst v1;
	v1 =	vand.u32 $0x1FFFF, v3;
	v3 =	vshra.s32 v3, $0xD  }
0x73: {  	[tilespmem:$0x6C0] =	vst v1;
	v1 =	vand.u32 $0xFFFFFFF0, v3;
	v3 =	vld [tilespmem:$0x2F0]  }
0x74: {  	v4 =	vshra.s32 v14, $0xD;
	[tilespmem:$0xAC0] =	vst v1;
	v1 =	vand.u32 $0x1FFFF, v14  }
0x75: {  	v15 =	vld [tilespmem:$0x300];
	[tilespmem:$0x6D0] =	vst v1;
	v1 =	vand.u32 $0xFFFFFFF0, v4  }
0x76: {  	[tilespmem:$0xAD0] =	vst v1;
	v1 =	vand.u32 $0x1FFFF, v2;
	v2 =	vshra.s32 v2, $0xD  }
0x77: {  	[tilespmem:$0x6E0] =	vst v1;
	v1 =	vand.u32 $0xFFFFFFF0, v2;
	v2 =	vld [tilespmem:$0x310]  }
0x78: {  	[tilespmem:$0xAE0] =	vst v1;
	v1 =	vand.u32 $0x1FFFF, v3;
	v3 =	vshra.s32 v3, $0xD  }
0x79: {  	[tilespmem:$0x6F0] =	vst v1;
	v1 =	vand.u32 $0xFFFFFFF0, v3;
	v3 =	vld [tilespmem:$0x320]  }
0x7a: {  	v4 =	vshra.s32 v15, $0xD;
	[tilespmem:$0xAF0] =	vst v1;
	v1 =	vand.u32 $0x1FFFF, v15  }
0x7b: {  	v16 =	vld [tilespmem:$0x330];
	[tilespmem:$0x700] =	vst v1;
	v1 =	vand.u32 $0xFFFFFFF0, v4  }
0x7c: {  	[tilespmem:$0xB00] =	vst v1;
	v1 =	vand.u32 $0x1FFFF, v2;
	v2 =	vshra.s32 v2, $0xD  }
0x7d: {  	[tilespmem:$0x710] =	vst v1;
	v1 =	vand.u32 $0xFFFFFFF0, v2;
	v2 =	vld [tilespmem:$0x340]  }
0x7e: {  	[tilespmem:$0xB10] =	vst v1;
	v1 =	vand.u32 $0x1FFFF, v3;
	v3 =	vshra.s32 v3, $0xD  }
0x7f: {  	[tilespmem:$0x720] =	vst v1;
	v1 =	vand.u32 $0xFFFFFFF0, v3;
	v3 =	vld [tilespmem:$0x350]  }
0x80: {  	v4 =	vshra.s32 v16, $0xD;
	[tilespmem:$0xB20] =	vst v1;
	v1 =	vand.u32 $0x1FFFF, v16  }
0x81: {  	v17 =	vld [tilespmem:$0x360];
	[tilespmem:$0x730] =	vst v1;
	v1 =	vand.u32 $0xFFFFFFF0, v4  }
0x82: {  	[tilespmem:$0xB30] =	vst v1;
	v1 =	vand.u32 $0x1FFFF, v2;
	v2 =	vshra.s32 v2, $0xD  }
0x83: {  	[tilespmem:$0x740] =	vst v1;
	v1 =	vand.u32 $0xFFFFFFF0, v2;
	v2 =	vld [tilespmem:$0x370]  }
0x84: {  	[tilespmem:$0xB40] =	vst v1;
	v1 =	vand.u32 $0x1FFFF, v3;
	v3 =	vshra.s32 v3, $0xD  }
0x85: {  	[tilespmem:$0x750] =	vst v1;
	v1 =	vand.u32 $0xFFFFFFF0, v3;
	v3 =	vld [tilespmem:$0x380]  }
0x86: {  	v4 =	vshra.s32 v17, $0xD;
	[tilespmem:$0xB50] =	vst v1;
	v1 =	vand.u32 $0x1FFFF, v17  }
0x87: {  	v18 =	vld [tilespmem:$0x390];
	[tilespmem:$0x760] =	vst v1;
	v1 =	vand.u32 $0xFFFFFFF0, v4  }
0x88: {  	[tilespmem:$0xB60] =	vst v1;
	v1 =	vand.u32 $0x1FFFF, v2;
	v2 =	vshra.s32 v2, $0xD  }
0x89: {  	[tilespmem:$0x770] =	vst v1;
	v1 =	vand.u32 $0xFFFFFFF0, v2;
	v2 =	vld [tilespmem:$0x3A0]  }
0x8a: {  	[tilespmem:$0xB70] =	vst v1;
	v1 =	vand.u32 $0x1FFFF, v3;
	v3 =	vshra.s32 v3, $0xD  }
0x8b: {  	[tilespmem:$0x780] =	vst v1;
	v1 =	vand.u32 $0xFFFFFFF0, v3;
	v3 =	vld [tilespmem:$0x3B0]  }
0x8c: {  	v4 =	vshra.s32 v18, $0xD;
	[tilespmem:$0xB80] =	vst v1;
	v1 =	vand.u32 $0x1FFFF, v18  }
0x8d: {  	v19 =	vld [tilespmem:$0x3C0];
	[tilespmem:$0x790] =	vst v1;
	v1 =	vand.u32 $0xFFFFFFF0, v4  }
0x8e: {  	[tilespmem:$0xB90] =	vst v1;
	v1 =	vand.u32 $0x1FFFF, v2;
	v2 =	vshra.s32 v2, $0xD  }
0x8f: {  	[tilespmem:$0x7A0] =	vst v1;
	v1 =	vand.u32 $0xFFFFFFF0, v2;
	v2 =	vld [tilespmem:$0x3D0]  }
0x90: {  	[tilespmem:$0xBA0] =	vst v1;
	v1 =	vand.u32 $0x1FFFF, v3;
	v3 =	vshra.s32 v3, $0xD  }
0x91: {  	[tilespmem:$0x7B0] =	vst v1;
	v1 =	vand.u32 $0xFFFFFFF0, v3;
	v3 =	vld [tilespmem:$0x3E0]  }
0x92: {  	v4 =	vshra.s32 v19, $0xD;
	[tilespmem:$0xBB0] =	vst v1;
	v1 =	vand.u32 $0x1FFFF, v19  }
0x93: {  	v20 =	vld [tilespmem:$0x3F0];
	[tilespmem:$0x7C0] =	vst v1;
	v1 =	vand.u32 $0xFFFFFFF0, v4  }
0x94: {  	[tilespmem:$0xBC0] =	vst v1;
	v1 =	vand.u32 $0x1FFFF, v2;
	v2 =	vshra.s32 v2, $0xD  }
0x95: {  	[tilespmem:$0x7D0] =	vst v1;
	v1 =	vand.u32 $0xFFFFFFF0, v2  }
0x96: {  	[tilespmem:$0xBD0] =	vst v1;
	v1 =	vand.u32 $0x1FFFF, v3;
	v2 =	vshra.s32 v3, $0xD  }
0x97: {  	[tilespmem:$0x7E0] =	vst v1;
	v1 =	vand.u32 $0xFFFFFFF0, v2  }
0x98: {  	v2 =	vshra.s32 v20, $0xD;
	[tilespmem:$0xBE0] =	vst v1;
	v1 =	vand.u32 $0x1FFFF, v20  }
0x99: {  	[tilespmem:$0x7F0] =	vst v1;
	v1 =	vand.u32 $0xFFFFFFF0, v2  }
0x9a: {  	s0 =	simm.s32 $0x400;
	[tilespmem:$0xBF0] =	vst v1  }
0x9b: {  	[tilespmem:s13], [sflag:$0x1] =	stream.indirect.gather [hbm4b:s3+s11], $0x80, s0, s11, $0xb8;
	[tilespmem:$0x12C00] =	vst v63  }
0x9c: {  	s14 =	simm.s32 $0x480  }
0x9d: {  	[tilespmem:s15], [sflag:$0x1] =	stream.indirect.gather [hbm4b:s3+s11], $0x80, s14, s11, $0xb8;
	[tilespmem:$0x12C00] =	vst v63  }
0x9e: {  	_ = 	snop  }
0x9f: {  	[tilespmem:s17], [sflag:$0x1] =	stream.indirect.gather [hbm4b:s3+s11], $0x80, s16, s11, $0xb8;
	[tilespmem:$0x12C00] =	vst v63  }
0xa0: {  	_ = 	snop  }
0xa1: {  	[tilespmem:s19], [sflag:$0x1] =	stream.indirect.gather [hbm4b:s3+s11], $0x80, s18, s11, $0xb8;
	[tilespmem:$0x12C00] =	vst v63  }
0xa2: {  	_ =	swait.ge [sflag:s20], $0x4000  }
0xa3: {  	[sflag:s20] =	ssyncset.done $0x0  }
0xa4: {  	[sflag:s20] =	ssyncadd.s32 $0xFFFFC000  }
0xa5: {  	_ =	swait.ge [sflag:s20], $0x4000  }
0xa6: {  	[sflag:s20] =	ssyncset.done $0x0  }
0xa7: {  	[sflag:s20] =	ssyncadd.s32 $0xFFFFC000  }
0xa8: {  	v1 =	vld [tilespmem:s22+$0x0];
	_ =	sdelay $0x3  }
0xa9: {  	v2 =	vor.u32 s2, v0  }
0xaa: {  	v21 =	vshll.u32 v2, $0x7;
	v3 =	vand.u32 $0xFFFFFF80, v1  }
0xab: {  	v5 =	vand.u32 $0x7F, v1;
	v3 =	vadd.s32 v21, v3  }
0xac: {  	v3 =	vor.u32 v5, v3;
	_ =	sdelay $0x1  }
0xad: {  	v22 =	vmov s2  }
0xae: {  	v6 =	vadd.s32 $0x1, v1;
	v5 =	vshll.u32 v22, $0x3  }
0xaf: {  	v2 =	vand.u32 $0x7F, v2;
	v7 =	vand.u32 $0xFFFFFF80, v6;
	v8 =	vand.u32 $0x400, v5  }
0xb0: {  	v6 =	vand.u32 $0x7F, v6;
	v7 =	vadd.s32 v21, v7;
	v8 =	vor.u32 v2, v8;
	v3 =	vld.idx.msk [tilespmem:v3+s13+$0x0], $0xffff  }
0xb1: {  	v6 =	vor.u32 v6, v7;
	_ =	sdelay $0x2  }
0xb2: {  	v23 =	vadd.s32 $0x2, v1  }
0xb3: {  	v9 =	vand.u32 $0xFFFFFF80, v23;
	[tilespmem:v8+s21+$0x0] =	vst.idx.msk $0xffff, v3  }
0xb4: {  	v7 =	vand.u32 $0x7F, v23;
	v24 =	vor.u32 $0x80, v8;
	v3 =	vadd.s32 v21, v9;
	v6 =	vld.idx.msk [tilespmem:v6+s13+$0x0], $0xffff  }
0xb5: {  	v3 =	vor.u32 v7, v3;
	_ =	sdelay $0x2  }
0xb6: {  	v25 =	vadd.s32 $0x3, v1  }
0xb7: {  	v10 =	vand.u32 $0xFFFFFF80, v25;
	[tilespmem:v24+s21+$0x0] =	vst.idx.msk $0xffff, v6  }
0xb8: {  	v26 =	vadd.s32 v21, v10;
	v27 =	vor.u32 $0x100, v8;
	v7 =	vand.u32 $0x7F, v25;
	v3 =	vld.idx.msk [tilespmem:v3+s13+$0x0], $0xffff  }
0xb9: {  	v6 =	vor.u32 v7, v26;
	_ =	sdelay $0x2  }
0xba: {  	v28 =	vadd.s32 $0x4, v1  }
0xbb: {  	v29 =	vand.u32 $0xFFFFFF80, v28;
	[tilespmem:v27+s21+$0x0] =	vst.idx.msk $0xffff, v3  }
0xbc: {  	v30 =	vor.u32 $0x180, v8;
	v7 =	vand.u32 $0x7F, v28;
	v3 =	vadd.s32 v21, v29;
	v6 =	vld.idx.msk [tilespmem:v6+s13+$0x0], $0xffff  }
0xbd: {  	v3 =	vor.u32 v7, v3;
	_ =	sdelay $0x2  }
0xbe: {  	v31 =	vadd.s32 $0x5, v1  }
0xbf: {  	v32 =	vand.u32 $0xFFFFFF80, v31;
	[tilespmem:v30+s21+$0x0] =	vst.idx.msk $0xffff, v6  }
0xc0: {  	v33 =	vadd.s32 v21, v32;
	v34 =	vor.u32 $0x200, v8;
	v7 =	vand.u32 $0x7F, v31;
	v3 =	vld.idx.msk [tilespmem:v3+s13+$0x0], $0xffff  }
0xc1: {  	v6 =	vor.u32 v7, v33;
	_ =	sdelay $0x2  }
0xc2: {  	v35 =	vadd.s32 $0x6, v1  }
0xc3: {  	v36 =	vand.u32 $0xFFFFFF80, v35;
	[tilespmem:v34+s21+$0x0] =	vst.idx.msk $0xffff, v3  }
0xc4: {  	v37 =	vor.u32 $0x280, v8;
	v7 =	vand.u32 $0x7F, v35;
	v3 =	vadd.s32 v21, v36;
	v6 =	vld.idx.msk [tilespmem:v6+s13+$0x0], $0xffff  }
0xc5: {  	v3 =	vor.u32 v7, v3;
	_ =	sdelay $0x2  }
0xc6: {  	v38 =	vadd.s32 $0x7, v1  }
0xc7: {  	v39 =	vand.u32 $0xFFFFFF80, v38;
	[tilespmem:v37+s21+$0x0] =	vst.idx.msk $0xffff, v6  }
0xc8: {  	v40 =	vadd.s32 v21, v39;
	v41 =	vor.u32 $0x300, v8;
	v7 =	vand.u32 $0x7F, v38;
	v3 =	vld.idx.msk [tilespmem:v3+s13+$0x0], $0xffff  }
0xc9: {  	v6 =	vor.u32 v7, v40;
	_ =	sdelay $0x2  }
0xca: {  	v42 =	vadd.s32 $0x8, v1  }
0xcb: {  	v5 =	vor.u32 v5, v2;
	v2 =	vand.u32 $0xFFFFFF80, v42;
	[tilespmem:v41+s21+$0x0] =	vst.idx.msk $0xffff, v3  }
0xcc: {  	v43 =	vor.u32 $0x380, v5;
	v2 =	vadd.s32 v21, v2;
	v7 =	vand.u32 $0x7F, v42;
	v3 =	vld.idx.msk [tilespmem:v6+s13+$0x0], $0xffff  }
0xcd: {  	v2 =	vor.u32 v7, v2;
	_ =	sdelay $0x2  }
0xce: {  	v44 =	vadd.s32 $0x9, v1  }
0xcf: {  	v45 =	vand.u32 $0xFFFFFF80, v44;
	[tilespmem:v43+s21+$0x0] =	vst.idx.msk $0xffff, v3  }
0xd0: {  	v46 =	vor.u32 $0x800, v8;
	v7 =	vand.u32 $0x7F, v44;
	v3 =	vadd.s32 v21, v45;
	v2 =	vld.idx.msk [tilespmem:v2+s13+$0x0], $0xffff  }
0xd1: {  	v3 =	vor.u32 v7, v3;
	_ =	sdelay $0x2  }
0xd2: {  	v47 =	vadd.s32 $0xA, v1  }
0xd3: {  	v48 =	vand.u32 $0xFFFFFF80, v47;
	[tilespmem:v46+s21+$0x0] =	vst.idx.msk $0xffff, v2  }
0xd4: {  	v49 =	vor.u32 $0x880, v8;
	v7 =	vand.u32 $0x7F, v47;
	v2 =	vadd.s32 v21, v48;
	v3 =	vld.idx.msk [tilespmem:v3+s13+$0x0], $0xffff  }
0xd5: {  	v2 =	vor.u32 v7, v2;
	_ =	sdelay $0x2  }
0xd6: {  	v50 =	vadd.s32 $0xB, v1  }
0xd7: {  	v51 =	vand.u32 $0xFFFFFF80, v50;
	[tilespmem:v49+s21+$0x0] =	vst.idx.msk $0xffff, v3  }
0xd8: {  	v52 =	vor.u32 $0x900, v8;
	v7 =	vand.u32 $0x7F, v50;
	v3 =	vadd.s32 v21, v51;
	v2 =	vld.idx.msk [tilespmem:v2+s13+$0x0], $0xffff  }
0xd9: {  	v3 =	vor.u32 v7, v3;
	_ =	sdelay $0x2  }
0xda: {  	v53 =	vadd.s32 $0xC, v1  }
0xdb: {  	v54 =	vand.u32 $0xFFFFFF80, v53;
	[tilespmem:v52+s21+$0x0] =	vst.idx.msk $0xffff, v2  }
0xdc: {  	v55 =	vor.u32 $0x980, v8;
	v7 =	vand.u32 $0x7F, v53;
	v2 =	vadd.s32 v21, v54;
	v3 =	vld.idx.msk [tilespmem:v3+s13+$0x0], $0xffff  }
0xdd: {  	v2 =	vor.u32 v7, v2;
	_ =	sdelay $0x2  }
0xde: {  	v56 =	vadd.s32 $0xD, v1  }
0xdf: {  	v57 =	vand.u32 $0xFFFFFF80, v56;
	[tilespmem:v55+s21+$0x0] =	vst.idx.msk $0xffff, v3  }
0xe0: {  	v58 =	vor.u32 $0xA00, v8;
	v7 =	vand.u32 $0x7F, v56;
	v3 =	vadd.s32 v21, v57;
	v2 =	vld.idx.msk [tilespmem:v2+s13+$0x0], $0xffff  }
0xe1: {  	v3 =	vor.u32 v7, v3;
	_ =	sdelay $0x2  }
0xe2: {  	v59 =	vadd.s32 $0xE, v1  }
0xe3: {  	v60 =	vand.u32 $0xFFFFFF80, v59;
	[tilespmem:v58+s21+$0x0] =	vst.idx.msk $0xffff, v2  }
0xe4: {  	v61 =	vor.u32 $0xA80, v8;
	v7 =	vand.u32 $0x7F, v59;
	v2 =	vadd.s32 v21, v60;
	v3 =	vld.idx.msk [tilespmem:v3+s13+$0x0], $0xffff  }
0xe5: {  	v2 =	vor.u32 v7, v2;
	_ =	sdelay $0x2  }
0xe6: {  	v1 =	vadd.s32 $0xF, v1  }
0xe7: {  	v62 =	vand.u32 $0xFFFFFF80, v1;
	[tilespmem:v61+s21+$0x0] =	vst.idx.msk $0xffff, v3  }
0xe8: {  	v1 =	vand.u32 $0x7F, v1;
	v63 =	vor.u32 $0xB00, v8;
	v3 =	vadd.s32 v21, v62;
	v2 =	vld.idx.msk [tilespmem:v2+s13+$0x0], $0xffff  }
0xe9: {  	v1 =	vor.u32 v1, v3;
	_ =	sdelay $0x3  }
0xea: {  	[tilespmem:v63+s21+$0x0] =	vst.idx.msk $0xffff, v2  }
0xeb: {  	s1 =	simm.s32 $0x800;
	s0 =	simm.s32 $0x10;
	v2 =	vld.idx.msk [tilespmem:v1+s13+$0x0], $0xffff;
	v1 =	vor.u32 $0xB80, v5  }
.LBB2_2:
0xec: {  	_ =	sdelay $0x2  }
0xed: {  	p0 =	sne.s32 s0, $0xF0  }
0xee: {  	s1 =	sadd.s32 $0x10, s1;
	s12 =	smov.u32 s0;
	s0 =	sadd.s32 $0x10, s0;
	[tilespmem:v1+s21+$0x0] =	vst.idx.msk $0xffff, v2  }
0xef: {  	v3 =	vld [tilespmem:s1+$0x0];
	_ =	sdelay $0x3  }
0xf0: {  	v1 =	vor.u32 s12, v0  }
0xf1: {  	v4 =	vshll.u32 v1, $0x7;
	v2 =	vand.u32 $0xFFFFFF80, v3;
	v5 =	vadd.s32 $0x1, v3  }
0xf2: {  	v6 =	vand.u32 $0x7F, v3;
	v2 =	vadd.s32 v4, v2;
	v7 =	vand.u32 $0xFFFFFF80, v5  }
0xf3: {  	v2 =	vor.u32 v6, v2;
	v6 =	vadd.s32 v4, v7;
	v7 =	vadd.s32 $0x2, v3  }
0xf4: {  	v10 =	vadd.s32 $0x3, v3;
	v11 =	vadd.s32 $0x4, v3;
	v8 =	vand.u32 $0xFFFFFF80, v7  }
0xf5: {  	v12 =	vand.u32 $0xFFFFFF80, v11;
	v9 =	vadd.s32 v4, v8;
	v8 =	vand.u32 $0xFFFFFF80, v10  }
0xf6: {  	v13 =	vmov s12;
	v12 =	vadd.s32 v4, v12;
	v14 =	vadd.s32 v4, v8  }
0xf7: {  	v15 =	vadd.s32 $0x6, v3;
	v8 =	vshll.u32 v13, $0x3;
	v13 =	vadd.s32 $0x5, v3  }
0xf8: {  	v1 =	vand.u32 $0x7F, v1;
	v17 =	vand.u32 $0xFFFFFF80, v13;
	v16 =	vld.idx.msk [tilespmem:v2+s13+$0x0], $0xffff;
	v2 =	vand.u32 $0x400, v8  }
0xf9: {  	v5 =	vand.u32 $0x7F, v5;
	v17 =	vadd.s32 v4, v17;
	v2 =	vor.u32 v1, v2  }
0xfa: {  	v18 =	vadd.s32 $0x7, v3;
	v5 =	vor.u32 v5, v6;
	v6 =	vand.u32 $0xFFFFFF80, v15  }
0xfb: {  	v19 =	vadd.s32 v4, v6;
	v6 =	vand.u32 $0xFFFFFF80, v18;
	v1 =	vor.u32 v8, v1  }
0xfc: {  	v21 =	vadd.s32 $0x8, v3;
	v22 =	vadd.s32 $0x9, v3;
	v20 =	vadd.s32 v4, v6  }
0xfd: {  	v23 =	vadd.s32 $0xA, v3;
	v6 =	vand.u32 $0xFFFFFF80, v21;
	v8 =	vand.u32 $0xFFFFFF80, v22  }
0xfe: {  	v24 =	vadd.s32 v4, v8;
	[tilespmem:v2+s21+$0x0] =	vst.idx.msk $0xffff, v16;
	v16 =	vadd.s32 v4, v6;
	v6 =	vand.u32 $0xFFFFFF80, v23  }
0xff: {  	v27 =	vadd.s32 $0xB, v3;
	v8 =	vadd.s32 $0xC, v3;
	v25 =	vld.idx.msk [tilespmem:v5+s13+$0x0], $0xffff;
	v26 =	vadd.s32 v4, v6  }
0x100: {  	v28 =	vor.u32 $0x80, v2;
	v5 =	vand.u32 $0x7F, v7;
	v6 =	vand.u32 $0xFFFFFF80, v27  }
0x101: {  	v29 =	vor.u32 v5, v9;
	v30 =	vadd.s32 v4, v6;
	v5 =	vand.u32 $0xFFFFFF80, v8  }
0x102: {  	v7 =	vadd.s32 $0xD, v3;
	v31 =	vadd.s32 v4, v5;
	v5 =	vadd.s32 $0xE, v3  }
0x103: {  	v6 =	vand.u32 $0xFFFFFF80, v7;
	v3 =	vadd.s32 $0xF, v3;
	v32 =	vand.u32 $0xFFFFFF80, v5  }
0x104: {  	v9 =	vadd.s32 v4, v6;
	v6 =	vadd.s32 v4, v32;
	v32 =	vand.u32 $0xFFFFFF80, v3  }
0x105: {  	v4 =	vadd.s32 v4, v32;
	[tilespmem:v28+s21+$0x0] =	vst.idx.msk $0xffff, v25  }
0x106: {  	v25 =	vld.idx.msk [tilespmem:v29+s13+$0x0], $0xffff  }
0x107: {  	v10 =	vand.u32 $0x7F, v10;
	v28 =	vor.u32 $0x100, v2  }
0x108: {  	v10 =	vor.u32 v10, v14;
	_ =	sdelay $0x3  }
0x109: {  	[tilespmem:v28+s21+$0x0] =	vst.idx.msk $0xffff, v25  }
0x10a: {  	v10 =	vld.idx.msk [tilespmem:v10+s13+$0x0], $0xffff  }
0x10b: {  	v11 =	vand.u32 $0x7F, v11;
	v14 =	vor.u32 $0x180, v2  }
0x10c: {  	v11 =	vor.u32 v11, v12;
	_ =	sdelay $0x3  }
0x10d: {  	[tilespmem:v14+s21+$0x0] =	vst.idx.msk $0xffff, v10  }
0x10e: {  	v10 =	vld.idx.msk [tilespmem:v11+s13+$0x0], $0xffff  }
0x10f: {  	v12 =	vand.u32 $0x7F, v13;
	v11 =	vor.u32 $0x200, v2  }
0x110: {  	v12 =	vor.u32 v12, v17;
	_ =	sdelay $0x3  }
0x111: {  	[tilespmem:v11+s21+$0x0] =	vst.idx.msk $0xffff, v10  }
0x112: {  	v10 =	vld.idx.msk [tilespmem:v12+s13+$0x0], $0xffff  }
0x113: {  	v11 =	vor.u32 $0x280, v2;
	v12 =	vand.u32 $0x7F, v15  }
0x114: {  	v12 =	vor.u32 v12, v19;
	_ =	sdelay $0x3  }
0x115: {  	[tilespmem:v11+s21+$0x0] =	vst.idx.msk $0xffff, v10  }
0x116: {  	v10 =	vld.idx.msk [tilespmem:v12+s13+$0x0], $0xffff  }
0x117: {  	v11 =	vor.u32 $0x300, v2;
	v12 =	vand.u32 $0x7F, v18  }
0x118: {  	v12 =	vor.u32 v12, v20;
	_ =	sdelay $0x3  }
0x119: {  	[tilespmem:v11+s21+$0x0] =	vst.idx.msk $0xffff, v10  }
0x11a: {  	v10 =	vld.idx.msk [tilespmem:v12+s13+$0x0], $0xffff  }
0x11b: {  	v11 =	vor.u32 $0x380, v1;
	v12 =	vand.u32 $0x7F, v21  }
0x11c: {  	v12 =	vor.u32 v12, v16;
	_ =	sdelay $0x3  }
0x11d: {  	[tilespmem:v11+s21+$0x0] =	vst.idx.msk $0xffff, v10  }
0x11e: {  	v10 =	vld.idx.msk [tilespmem:v12+s13+$0x0], $0xffff  }
0x11f: {  	v11 =	vor.u32 $0x800, v2;
	v12 =	vand.u32 $0x7F, v22  }
0x120: {  	v12 =	vor.u32 v12, v24;
	_ =	sdelay $0x3  }
0x121: {  	[tilespmem:v11+s21+$0x0] =	vst.idx.msk $0xffff, v10  }
0x122: {  	v10 =	vld.idx.msk [tilespmem:v12+s13+$0x0], $0xffff  }
0x123: {  	v11 =	vor.u32 $0x880, v2;
	v12 =	vand.u32 $0x7F, v23  }
0x124: {  	v12 =	vor.u32 v12, v26;
	_ =	sdelay $0x3  }
0x125: {  	[tilespmem:v11+s21+$0x0] =	vst.idx.msk $0xffff, v10  }
0x126: {  	v10 =	vld.idx.msk [tilespmem:v12+s13+$0x0], $0xffff  }
0x127: {  	v11 =	vor.u32 $0x900, v2;
	v12 =	vand.u32 $0x7F, v27  }
0x128: {  	v12 =	vor.u32 v12, v30;
	_ =	sdelay $0x3  }
0x129: {  	[tilespmem:v11+s21+$0x0] =	vst.idx.msk $0xffff, v10  }
0x12a: {  	v10 =	vld.idx.msk [tilespmem:v12+s13+$0x0], $0xffff  }
0x12b: {  	v8 =	vand.u32 $0x7F, v8;
	v11 =	vor.u32 $0x980, v2  }
0x12c: {  	v8 =	vor.u32 v8, v31;
	_ =	sdelay $0x3  }
0x12d: {  	[tilespmem:v11+s21+$0x0] =	vst.idx.msk $0xffff, v10  }
0x12e: {  	v8 =	vld.idx.msk [tilespmem:v8+s13+$0x0], $0xffff  }
0x12f: {  	v7 =	vand.u32 $0x7F, v7;
	v10 =	vor.u32 $0xA00, v2  }
0x130: {  	v7 =	vor.u32 v7, v9;
	_ =	sdelay $0x3  }
0x131: {  	[tilespmem:v10+s21+$0x0] =	vst.idx.msk $0xffff, v8  }
0x132: {  	v7 =	vld.idx.msk [tilespmem:v7+s13+$0x0], $0xffff  }
0x133: {  	v5 =	vand.u32 $0x7F, v5;
	v8 =	vor.u32 $0xA80, v2  }
0x134: {  	v5 =	vor.u32 v5, v6;
	_ =	sdelay $0x3  }
0x135: {  	[tilespmem:v8+s21+$0x0] =	vst.idx.msk $0xffff, v7  }
0x136: {  	v5 =	vld.idx.msk [tilespmem:v5+s13+$0x0], $0xffff  }
0x137: {  	v3 =	vand.u32 $0x7F, v3;
	v2 =	vor.u32 $0xB00, v2  }
0x138: {  	v3 =	vor.u32 v3, v4;
	_ =	sdelay $0x1  }
.Ltmp0:
0x139: {  	(pc) =	sbr.rel @p0 .LBB2_2-.Ltmp0, $4  }
0x13a: {  	_ = 	snop  }
0x13b: {  	[tilespmem:v2+s21+$0x0] =	vst.idx.msk $0xffff, v5  }
0x13c: {  	v2 =	vld.idx.msk [tilespmem:v3+s13+$0x0], $0xffff  }
0x13d: {  	v1 =	vor.u32 $0xB80, v1  }
0x13e: {  	_ =	sdelay $0x3  }
0x13f: {  	[tilespmem:v1+s21+$0x0] =	vst.idx.msk $0xffff, v2  }
0x140: {  	[hbm4b:s5+s22] =	stream.strided.scatter [tilespmem:s21], [sflag:$0x2], $0x1000, s23, s22, $0x38;
	[tilespmem:$0x12C00] =	vst v63  }
0x141: {  	_ =	swait.ge [sflag:s24], $0x1000  }
0x142: {  	[sflag:s24] =	ssyncset.done $0x0  }
0x143: {  	[sflag:s24] =	ssyncadd.s32 $0xFFFFF000  }
0x144: {  	[tilespmem:s13], [sflag:$0x1] =	stream.indirect.gather [hbm4b:s3+s11], $0x80, s25, s11, $0xb8;
	[tilespmem:$0x12C00] =	vst v63  }
0x145: {  	_ = 	snop  }
0x146: {  	[tilespmem:s15], [sflag:$0x1] =	stream.indirect.gather [hbm4b:s3+s11], $0x80, s26, s11, $0xb8;
	[tilespmem:$0x12C00] =	vst v63  }
0x147: {  	_ =	swait.ge [sflag:s20], $0x4000  }
0x148: {  	[sflag:s20] =	ssyncset.done $0x0  }
0x149: {  	[sflag:s20] =	ssyncadd.s32 $0xFFFFC000  }
0x14a: {  	_ =	swait.ge [sflag:s20], $0x4000  }
0x14b: {  	s0 =	simm.s32 $0x0;
	[sflag:s20] =	ssyncset.done $0x0  }
0x14c: {  	s1 =	sand.u32 $0xF0, s0;
	[sflag:s20] =	ssyncadd.s32 $0xFFFFC000  }
0x14d: {  	v1 =	vld [tilespmem:s1+$0x900];
	_ =	sdelay $0x3  }
0x14e: {  	v2 =	vor.u32 s0, v0  }
0x14f: {  	v3 =	vshll.u32 v2, $0x7;
	v4 =	vand.u32 $0xFFFFFF80, v1  }
0x150: {  	v5 =	vand.u32 $0x7F, v1;
	v4 =	vadd.s32 v3, v4  }
0x151: {  	v4 =	vor.u32 v5, v4;
	_ =	sdelay $0x1  }
0x152: {  	v62 =	vmov s0  }
0x153: {  	v6 =	vadd.s32 $0x1, v1;
	v5 =	vshll.u32 v62, $0x3  }
0x154: {  	v2 =	vand.u32 $0x7F, v2;
	v7 =	vand.u32 $0xFFFFFF80, v6;
	v8 =	vand.u32 $0x400, v5  }
0x155: {  	v6 =	vand.u32 $0x7F, v6;
	v7 =	vadd.s32 v3, v7;
	v8 =	vor.u32 v2, v8;
	v4 =	vld.idx.msk [tilespmem:v4+s17+$0x0], $0xffff  }
0x156: {  	v6 =	vor.u32 v6, v7;
	_ =	sdelay $0x2  }
0x157: {  	v63 =	vadd.s32 $0x2, v1  }
0x158: {  	v9 =	vand.u32 $0xFFFFFF80, v63;
	[tilespmem:v8+s28+$0x0] =	vst.idx.msk $0xffff, v4  }
0x159: {  	v12 =	vadd.s32 v3, v9;
	v7 =	vand.u32 $0x7F, v63;
	v13 =	vor.u32 $0x80, v8;
	v6 =	vld.idx.msk [tilespmem:v6+s17+$0x0], $0xffff  }
0x15a: {  	v4 =	vor.u32 v7, v12;
	_ =	sdelay $0x2  }
0x15b: {  	v14 =	vadd.s32 $0x3, v1  }
0x15c: {  	v10 =	vand.u32 $0xFFFFFF80, v14;
	[tilespmem:v13+s28+$0x0] =	vst.idx.msk $0xffff, v6  }
0x15d: {  	v15 =	vadd.s32 v3, v10;
	v16 =	vor.u32 $0x100, v8;
	v7 =	vand.u32 $0x7F, v14;
	v4 =	vld.idx.msk [tilespmem:v4+s17+$0x0], $0xffff  }
0x15e: {  	v6 =	vor.u32 v7, v15;
	_ =	sdelay $0x2  }
0x15f: {  	v17 =	vadd.s32 $0x4, v1  }
0x160: {  	v18 =	vand.u32 $0xFFFFFF80, v17;
	[tilespmem:v16+s28+$0x0] =	vst.idx.msk $0xffff, v4  }
0x161: {  	v19 =	vadd.s32 v3, v18;
	v20 =	vor.u32 $0x180, v8;
	v7 =	vand.u32 $0x7F, v17;
	v6 =	vld.idx.msk [tilespmem:v6+s17+$0x0], $0xffff  }
0x162: {  	v4 =	vor.u32 v7, v19;
	_ =	sdelay $0x2  }
0x163: {  	v21 =	vadd.s32 $0x5, v1  }
0x164: {  	v22 =	vand.u32 $0xFFFFFF80, v21;
	[tilespmem:v20+s28+$0x0] =	vst.idx.msk $0xffff, v6  }
0x165: {  	v23 =	vadd.s32 v3, v22;
	v24 =	vor.u32 $0x200, v8;
	v7 =	vand.u32 $0x7F, v21;
	v4 =	vld.idx.msk [tilespmem:v4+s17+$0x0], $0xffff  }
0x166: {  	v6 =	vor.u32 v7, v23;
	_ =	sdelay $0x2  }
0x167: {  	v25 =	vadd.s32 $0x6, v1  }
0x168: {  	v26 =	vand.u32 $0xFFFFFF80, v25;
	[tilespmem:v24+s28+$0x0] =	vst.idx.msk $0xffff, v4  }
0x169: {  	v27 =	vadd.s32 v3, v26;
	v28 =	vor.u32 $0x280, v8;
	v7 =	vand.u32 $0x7F, v25;
	v6 =	vld.idx.msk [tilespmem:v6+s17+$0x0], $0xffff  }
0x16a: {  	v4 =	vor.u32 v7, v27;
	_ =	sdelay $0x2  }
0x16b: {  	v29 =	vadd.s32 $0x7, v1  }
0x16c: {  	v30 =	vand.u32 $0xFFFFFF80, v29;
	[tilespmem:v28+s28+$0x0] =	vst.idx.msk $0xffff, v6  }
0x16d: {  	v31 =	vadd.s32 v3, v30;
	v32 =	vor.u32 $0x300, v8;
	v7 =	vand.u32 $0x7F, v29;
	v4 =	vld.idx.msk [tilespmem:v4+s17+$0x0], $0xffff  }
0x16e: {  	v6 =	vor.u32 v7, v31;
	_ =	sdelay $0x2  }
0x16f: {  	v33 =	vadd.s32 $0x8, v1  }
0x170: {  	v34 =	vand.u32 $0xFFFFFF80, v33;
	v2 =	vor.u32 v5, v2;
	[tilespmem:v32+s28+$0x0] =	vst.idx.msk $0xffff, v4  }
0x171: {  	v35 =	vadd.s32 v3, v34;
	v37 =	vor.u32 $0x380, v2;
	v7 =	vand.u32 $0x7F, v33;
	v36 =	vld.idx.msk [tilespmem:v6+s17+$0x0], $0xffff  }
0x172: {  	v4 =	vor.u32 v7, v35;
	_ =	sdelay $0x2  }
0x173: {  	v38 =	vadd.s32 $0x9, v1  }
0x174: {  	v39 =	vand.u32 $0xFFFFFF80, v38;
	[tilespmem:v37+s28+$0x0] =	vst.idx.msk $0xffff, v36  }
0x175: {  	v40 =	vadd.s32 v3, v39;
	v41 =	vor.u32 $0x800, v8;
	v7 =	vand.u32 $0x7F, v38;
	v4 =	vld.idx.msk [tilespmem:v4+s17+$0x0], $0xffff  }
0x176: {  	v5 =	vor.u32 v7, v40;
	_ =	sdelay $0x2  }
0x177: {  	v42 =	vadd.s32 $0xA, v1  }
0x178: {  	v43 =	vand.u32 $0xFFFFFF80, v42;
	[tilespmem:v41+s28+$0x0] =	vst.idx.msk $0xffff, v4  }
0x179: {  	v44 =	vadd.s32 v3, v43;
	v45 =	vor.u32 $0x880, v8;
	v7 =	vand.u32 $0x7F, v42;
	v5 =	vld.idx.msk [tilespmem:v5+s17+$0x0], $0xffff  }
0x17a: {  	v4 =	vor.u32 v7, v44;
	_ =	sdelay $0x2  }
0x17b: {  	v46 =	vadd.s32 $0xB, v1  }
0x17c: {  	v47 =	vand.u32 $0xFFFFFF80, v46;
	[tilespmem:v45+s28+$0x0] =	vst.idx.msk $0xffff, v5  }
0x17d: {  	v48 =	vadd.s32 v3, v47;
	v49 =	vor.u32 $0x900, v8;
	v7 =	vand.u32 $0x7F, v46;
	v4 =	vld.idx.msk [tilespmem:v4+s17+$0x0], $0xffff  }
0x17e: {  	v5 =	vor.u32 v7, v48;
	_ =	sdelay $0x2  }
0x17f: {  	v50 =	vadd.s32 $0xC, v1  }
0x180: {  	v51 =	vand.u32 $0xFFFFFF80, v50;
	[tilespmem:v49+s28+$0x0] =	vst.idx.msk $0xffff, v4  }
0x181: {  	v52 =	vadd.s32 v3, v51;
	v53 =	vor.u32 $0x980, v8;
	v7 =	vand.u32 $0x7F, v50;
	v5 =	vld.idx.msk [tilespmem:v5+s17+$0x0], $0xffff  }
0x182: {  	v4 =	vor.u32 v7, v52;
	_ =	sdelay $0x2  }
0x183: {  	v54 =	vadd.s32 $0xD, v1  }
0x184: {  	v55 =	vand.u32 $0xFFFFFF80, v54;
	[tilespmem:v53+s28+$0x0] =	vst.idx.msk $0xffff, v5  }
0x185: {  	v56 =	vadd.s32 v3, v55;
	v57 =	vor.u32 $0xA00, v8;
	v7 =	vand.u32 $0x7F, v54;
	v4 =	vld.idx.msk [tilespmem:v4+s17+$0x0], $0xffff  }
0x186: {  	v5 =	vor.u32 v7, v56;
	_ =	sdelay $0x2  }
0x187: {  	v58 =	vadd.s32 $0xE, v1  }
0x188: {  	v59 =	vand.u32 $0xFFFFFF80, v58;
	[tilespmem:v57+s28+$0x0] =	vst.idx.msk $0xffff, v4  }
0x189: {  	v60 =	vadd.s32 v3, v59;
	v61 =	vor.u32 $0xA80, v8;
	v7 =	vand.u32 $0x7F, v58;
	v5 =	vld.idx.msk [tilespmem:v5+s17+$0x0], $0xffff  }
0x18a: {  	v4 =	vor.u32 v7, v60;
	_ =	sdelay $0x2  }
0x18b: {  	v1 =	vadd.s32 $0xF, v1  }
0x18c: {  	v62 =	vand.u32 $0xFFFFFF80, v1;
	[tilespmem:v61+s28+$0x0] =	vst.idx.msk $0xffff, v5  }
0x18d: {  	v1 =	vand.u32 $0x7F, v1;
	v3 =	vadd.s32 v3, v62;
	v63 =	vor.u32 $0xB00, v8;
	v4 =	vld.idx.msk [tilespmem:v4+s17+$0x0], $0xffff  }
0x18e: {  	v1 =	vor.u32 v1, v3;
	_ =	sdelay $0x3  }
0x18f: {  	[tilespmem:v63+s28+$0x0] =	vst.idx.msk $0xffff, v4  }
0x190: {  	s0 =	simm.s32 $0x10;
	s1 =	simm.s32 $0x20;
	v2 =	vor.u32 $0xB80, v2;
	v1 =	vld.idx.msk [tilespmem:v1+s17+$0x0], $0xffff  }
.LBB2_4:
0x191: {  	_ = 	snop  }
0x192: {  	p0 =	sne.s32 s1, $0xF0  }
0x193: {  	s12 =	sand.u32 $0xF0, s0;
	s14 =	smov.u32 s1;
	s1 =	sadd.s32 $0x10, s1  }
0x194: {  	_ = 	snop  }
0x195: {  	[tilespmem:v2+s28+$0x0] =	vst.idx.msk $0xffff, v1  }
0x196: {  	v4 =	vld [tilespmem:s12+$0x900];
	_ =	sdelay $0x1  }
0x197: {  	v1 =	vor.u32 s0, v0  }
0x198: {  	v2 =	vmov s0;
	s0 =	smov.u32 s14;
	v3 =	vand.u32 $0x7F, v1  }
0x199: {  	v8 =	vshll.u32 v1, $0x7  }
0x19a: {  	v1 =	vand.u32 $0xFFFFFF80, v4;
	v5 =	vadd.s32 $0x1, v4;
	v11 =	vadd.s32 $0x5, v4  }
0x19b: {  	v6 =	vand.u32 $0x7F, v4;
	v1 =	vadd.s32 v8, v1;
	v7 =	vand.u32 $0xFFFFFF80, v5  }
0x19c: {  	v12 =	vadd.s32 $0x3, v4;
	v1 =	vor.u32 v6, v1;
	v6 =	vadd.s32 $0x2, v4  }
0x19d: {  	v13 =	vadd.s32 $0x4, v4;
	v7 =	vadd.s32 v8, v7;
	v9 =	vand.u32 $0xFFFFFF80, v6  }
0x19e: {  	v14 =	vand.u32 $0xFFFFFF80, v13;
	v10 =	vadd.s32 v8, v9;
	v9 =	vand.u32 $0xFFFFFF80, v12  }
0x19f: {  	v2 =	vshll.u32 v2, $0x3;
	v15 =	vadd.s32 $0x6, v4;
	v16 =	vadd.s32 $0x7, v4  }
0x1a0: {  	v17 =	vand.u32 $0x400, v2;
	v18 =	vand.u32 $0xFFFFFF80, v11;
	v14 =	vadd.s32 v8, v14  }
0x1a1: {  	v5 =	vand.u32 $0x7F, v5;
	v19 =	vld.idx.msk [tilespmem:v1+s17+$0x0], $0xffff;
	v1 =	vor.u32 v3, v17;
	v17 =	vadd.s32 v8, v18  }
0x1a2: {  	v5 =	vor.u32 v5, v7;
	v7 =	vand.u32 $0xFFFFFF80, v15;
	v18 =	vadd.s32 $0x8, v4  }
0x1a3: {  	v21 =	vadd.s32 $0x9, v4;
	v20 =	vadd.s32 v8, v7;
	v7 =	vand.u32 $0xFFFFFF80, v18  }
0x1a4: {  	v24 =	vadd.s32 $0xA, v4;
	v22 =	vand.u32 $0xFFFFFF80, v16;
	v23 =	vadd.s32 v8, v7  }
0x1a5: {  	v22 =	vadd.s32 v8, v22;
	v25 =	vadd.s32 v8, v9;
	v9 =	vadd.s32 $0xB, v4  }
0x1a6: {  	v2 =	vor.u32 v2, v3;
	v3 =	vand.u32 $0xFFFFFF80, v21;
	v7 =	vadd.s32 $0xC, v4  }
0x1a7: {  	v26 =	vadd.s32 v8, v3;
	v3 =	vand.u32 $0xFFFFFF80, v24;
	[tilespmem:v1+s28+$0x0] =	vst.idx.msk $0xffff, v19;
	v19 =	vor.u32 $0x80, v1  }
0x1a8: {  	v28 =	vadd.s32 v8, v3;
	v27 =	vld.idx.msk [tilespmem:v5+s17+$0x0], $0xffff;
	v5 =	vand.u32 $0x7F, v6;
	v6 =	vadd.s32 $0xD, v4  }
0x1a9: {  	v3 =	vand.u32 $0xFFFFFF80, v9;
	v29 =	vor.u32 v5, v10;
	v5 =	vand.u32 $0xFFFFFF80, v7  }
0x1aa: {  	v30 =	vadd.s32 v8, v3;
	v3 =	vadd.s32 $0xF, v4;
	v31 =	vadd.s32 v8, v5  }
0x1ab: {  	v10 =	vand.u32 $0xFFFFFF80, v6;
	v5 =	vadd.s32 $0xE, v4;
	v4 =	vand.u32 $0xFFFFFF80, v3  }
0x1ac: {  	v10 =	vadd.s32 v8, v10;
	v32 =	vand.u32 $0xFFFFFF80, v5;
	v4 =	vadd.s32 v8, v4  }
0x1ad: {  	v8 =	vadd.s32 v8, v32  }
0x1ae: {  	[tilespmem:v19+s28+$0x0] =	vst.idx.msk $0xffff, v27  }
0x1af: {  	v12 =	vand.u32 $0x7F, v12;
	v27 =	vor.u32 $0x100, v1;
	v19 =	vld.idx.msk [tilespmem:v29+s17+$0x0], $0xffff  }
0x1b0: {  	v12 =	vor.u32 v12, v25;
	_ =	sdelay $0x4  }
0x1b1: {  	[tilespmem:v27+s28+$0x0] =	vst.idx.msk $0xffff, v19  }
0x1b2: {  	v13 =	vand.u32 $0x7F, v13;
	v19 =	vor.u32 $0x180, v1;
	v12 =	vld.idx.msk [tilespmem:v12+s17+$0x0], $0xffff  }
0x1b3: {  	v13 =	vor.u32 v13, v14;
	_ =	sdelay $0x4  }
0x1b4: {  	[tilespmem:v19+s28+$0x0] =	vst.idx.msk $0xffff, v12  }
0x1b5: {  	v11 =	vand.u32 $0x7F, v11;
	v12 =	vld.idx.msk [tilespmem:v13+s17+$0x0], $0xffff;
	v13 =	vor.u32 $0x200, v1  }
0x1b6: {  	v11 =	vor.u32 v11, v17;
	_ =	sdelay $0x4  }
0x1b7: {  	[tilespmem:v13+s28+$0x0] =	vst.idx.msk $0xffff, v12  }
0x1b8: {  	v12 =	vor.u32 $0x280, v1;
	v13 =	vand.u32 $0x7F, v15;
	v11 =	vld.idx.msk [tilespmem:v11+s17+$0x0], $0xffff  }
0x1b9: {  	v13 =	vor.u32 v13, v20;
	_ =	sdelay $0x4  }
0x1ba: {  	[tilespmem:v12+s28+$0x0] =	vst.idx.msk $0xffff, v11  }
0x1bb: {  	v12 =	vor.u32 $0x300, v1;
	v11 =	vld.idx.msk [tilespmem:v13+s17+$0x0], $0xffff;
	v13 =	vand.u32 $0x7F, v16  }
0x1bc: {  	v13 =	vor.u32 v13, v22;
	_ =	sdelay $0x4  }
0x1bd: {  	[tilespmem:v12+s28+$0x0] =	vst.idx.msk $0xffff, v11  }
0x1be: {  	v12 =	vor.u32 $0x380, v2;
	v11 =	vld.idx.msk [tilespmem:v13+s17+$0x0], $0xffff;
	v13 =	vand.u32 $0x7F, v18  }
0x1bf: {  	v13 =	vor.u32 v13, v23;
	_ =	sdelay $0x4  }
0x1c0: {  	[tilespmem:v12+s28+$0x0] =	vst.idx.msk $0xffff, v11  }
0x1c1: {  	v12 =	vor.u32 $0x800, v1;
	v11 =	vld.idx.msk [tilespmem:v13+s17+$0x0], $0xffff;
	v13 =	vand.u32 $0x7F, v21  }
0x1c2: {  	v13 =	vor.u32 v13, v26;
	_ =	sdelay $0x4  }
0x1c3: {  	[tilespmem:v12+s28+$0x0] =	vst.idx.msk $0xffff, v11  }
0x1c4: {  	v12 =	vor.u32 $0x880, v1;
	v11 =	vld.idx.msk [tilespmem:v13+s17+$0x0], $0xffff;
	v13 =	vand.u32 $0x7F, v24  }
0x1c5: {  	v13 =	vor.u32 v13, v28;
	_ =	sdelay $0x4  }
0x1c6: {  	[tilespmem:v12+s28+$0x0] =	vst.idx.msk $0xffff, v11  }
0x1c7: {  	v9 =	vand.u32 $0x7F, v9;
	v12 =	vor.u32 $0x900, v1;
	v11 =	vld.idx.msk [tilespmem:v13+s17+$0x0], $0xffff  }
0x1c8: {  	v9 =	vor.u32 v9, v30;
	_ =	sdelay $0x4  }
0x1c9: {  	[tilespmem:v12+s28+$0x0] =	vst.idx.msk $0xffff, v11  }
0x1ca: {  	v7 =	vand.u32 $0x7F, v7;
	v11 =	vor.u32 $0x980, v1;
	v9 =	vld.idx.msk [tilespmem:v9+s17+$0x0], $0xffff  }
0x1cb: {  	v7 =	vor.u32 v7, v31;
	_ =	sdelay $0x4  }
0x1cc: {  	[tilespmem:v11+s28+$0x0] =	vst.idx.msk $0xffff, v9  }
0x1cd: {  	v6 =	vand.u32 $0x7F, v6;
	v9 =	vor.u32 $0xA00, v1;
	v7 =	vld.idx.msk [tilespmem:v7+s17+$0x0], $0xffff  }
0x1ce: {  	v6 =	vor.u32 v6, v10;
	_ =	sdelay $0x4  }
0x1cf: {  	[tilespmem:v9+s28+$0x0] =	vst.idx.msk $0xffff, v7  }
0x1d0: {  	v5 =	vand.u32 $0x7F, v5;
	v7 =	vor.u32 $0xA80, v1;
	v6 =	vld.idx.msk [tilespmem:v6+s17+$0x0], $0xffff  }
0x1d1: {  	v5 =	vor.u32 v5, v8;
	_ =	sdelay $0x4  }
0x1d2: {  	[tilespmem:v7+s28+$0x0] =	vst.idx.msk $0xffff, v6  }
0x1d3: {  	v3 =	vand.u32 $0x7F, v3;
	v1 =	vor.u32 $0xB00, v1;
	v5 =	vld.idx.msk [tilespmem:v5+s17+$0x0], $0xffff  }
0x1d4: {  	v3 =	vor.u32 v3, v4;
	_ =	sdelay $0x1  }
.Ltmp1:
0x1d5: {  	(pc) =	sbr.rel @p0 .LBB2_4-.Ltmp1, $3  }
0x1d6: {  	_ =	sdelay $0x1  }
0x1d7: {  	[tilespmem:v1+s28+$0x0] =	vst.idx.msk $0xffff, v5  }
0x1d8: {  	v2 =	vor.u32 $0xB80, v2;
	v1 =	vld.idx.msk [tilespmem:v3+s17+$0x0], $0xffff  }
0x1d9: {  	_ =	sdelay $0x3  }
0x1da: {  	s1 =	sand.u32 $0xF0, s0;
	[tilespmem:v2+s28+$0x0] =	vst.idx.msk $0xffff, v1  }
0x1db: {  	v1 =	vld [tilespmem:s1+$0x900];
	_ =	sdelay $0x3  }
0x1dc: {  	v2 =	vor.u32 s0, v0  }
0x1dd: {  	v3 =	vshll.u32 v2, $0x7;
	v4 =	vand.u32 $0xFFFFFF80, v1  }
0x1de: {  	v5 =	vand.u32 $0x7F, v1;
	v4 =	vadd.s32 v3, v4  }
0x1df: {  	v4 =	vor.u32 v5, v4;
	_ =	sdelay $0x1  }
0x1e0: {  	v53 =	vmov s0  }
0x1e1: {  	v6 =	vadd.s32 $0x1, v1;
	v5 =	vshll.u32 v53, $0x3  }
0x1e2: {  	v2 =	vand.u32 $0x7F, v2;
	v7 =	vand.u32 $0xFFFFFF80, v6;
	v8 =	vand.u32 $0x400, v5  }
0x1e3: {  	v6 =	vand.u32 $0x7F, v6;
	v7 =	vadd.s32 v3, v7;
	v8 =	vor.u32 v2, v8;
	v4 =	vld.idx.msk [tilespmem:v4+s17+$0x0], $0xffff  }
0x1e4: {  	v6 =	vor.u32 v6, v7;
	_ =	sdelay $0x2  }
0x1e5: {  	v54 =	vadd.s32 $0x2, v1  }
0x1e6: {  	v9 =	vand.u32 $0xFFFFFF80, v54;
	[tilespmem:v8+s28+$0x0] =	vst.idx.msk $0xffff, v4  }
0x1e7: {  	v55 =	vadd.s32 v3, v9;
	v7 =	vand.u32 $0x7F, v54;
	v56 =	vor.u32 $0x80, v8;
	v6 =	vld.idx.msk [tilespmem:v6+s17+$0x0], $0xffff  }
0x1e8: {  	v4 =	vor.u32 v7, v55;
	_ =	sdelay $0x2  }
0x1e9: {  	v57 =	vadd.s32 $0x3, v1  }
0x1ea: {  	v10 =	vand.u32 $0xFFFFFF80, v57;
	[tilespmem:v56+s28+$0x0] =	vst.idx.msk $0xffff, v6  }
0x1eb: {  	v58 =	vadd.s32 v3, v10;
	v59 =	vor.u32 $0x100, v8;
	v7 =	vand.u32 $0x7F, v57;
	v4 =	vld.idx.msk [tilespmem:v4+s17+$0x0], $0xffff  }
0x1ec: {  	v6 =	vor.u32 v7, v58;
	_ =	sdelay $0x2  }
0x1ed: {  	v60 =	vadd.s32 $0x4, v1  }
0x1ee: {  	v61 =	vand.u32 $0xFFFFFF80, v60;
	[tilespmem:v59+s28+$0x0] =	vst.idx.msk $0xffff, v4  }
0x1ef: {  	v62 =	vadd.s32 v3, v61;
	v63 =	vor.u32 $0x180, v8;
	v7 =	vand.u32 $0x7F, v60;
	v6 =	vld.idx.msk [tilespmem:v6+s17+$0x0], $0xffff  }
0x1f0: {  	v4 =	vor.u32 v7, v62;
	_ =	sdelay $0x2  }
0x1f1: {  	v12 =	vadd.s32 $0x5, v1  }
0x1f2: {  	v13 =	vand.u32 $0xFFFFFF80, v12;
	[tilespmem:v63+s28+$0x0] =	vst.idx.msk $0xffff, v6  }
0x1f3: {  	v14 =	vadd.s32 v3, v13;
	v15 =	vor.u32 $0x200, v8;
	v7 =	vand.u32 $0x7F, v12;
	v4 =	vld.idx.msk [tilespmem:v4+s17+$0x0], $0xffff  }
0x1f4: {  	v6 =	vor.u32 v7, v14;
	_ =	sdelay $0x2  }
0x1f5: {  	v16 =	vadd.s32 $0x6, v1  }
0x1f6: {  	v17 =	vand.u32 $0xFFFFFF80, v16;
	[tilespmem:v15+s28+$0x0] =	vst.idx.msk $0xffff, v4  }
0x1f7: {  	v18 =	vadd.s32 v3, v17;
	v19 =	vor.u32 $0x280, v8;
	v7 =	vand.u32 $0x7F, v16;
	v6 =	vld.idx.msk [tilespmem:v6+s17+$0x0], $0xffff  }
0x1f8: {  	v4 =	vor.u32 v7, v18;
	_ =	sdelay $0x2  }
0x1f9: {  	v20 =	vadd.s32 $0x7, v1  }
0x1fa: {  	v21 =	vand.u32 $0xFFFFFF80, v20;
	[tilespmem:v19+s28+$0x0] =	vst.idx.msk $0xffff, v6  }
0x1fb: {  	v22 =	vadd.s32 v3, v21;
	v23 =	vor.u32 $0x300, v8;
	v7 =	vand.u32 $0x7F, v20;
	v4 =	vld.idx.msk [tilespmem:v4+s17+$0x0], $0xffff  }
0x1fc: {  	v6 =	vor.u32 v7, v22;
	_ =	sdelay $0x2  }
0x1fd: {  	v24 =	vadd.s32 $0x8, v1  }
0x1fe: {  	v25 =	vand.u32 $0xFFFFFF80, v24;
	v2 =	vor.u32 v5, v2;
	[tilespmem:v23+s28+$0x0] =	vst.idx.msk $0xffff, v4  }
0x1ff: {  	v26 =	vadd.s32 v3, v25;
	v28 =	vor.u32 $0x380, v2;
	v7 =	vand.u32 $0x7F, v24;
	v27 =	vld.idx.msk [tilespmem:v6+s17+$0x0], $0xffff  }
0x200: {  	v4 =	vor.u32 v7, v26;
	_ =	sdelay $0x2  }
0x201: {  	v29 =	vadd.s32 $0x9, v1  }
0x202: {  	v30 =	vand.u32 $0xFFFFFF80, v29;
	[tilespmem:v28+s28+$0x0] =	vst.idx.msk $0xffff, v27  }
0x203: {  	v31 =	vadd.s32 v3, v30;
	v32 =	vor.u32 $0x800, v8;
	v7 =	vand.u32 $0x7F, v29;
	v4 =	vld.idx.msk [tilespmem:v4+s17+$0x0], $0xffff  }
0x204: {  	v5 =	vor.u32 v7, v31;
	_ =	sdelay $0x2  }
0x205: {  	v33 =	vadd.s32 $0xA, v1  }
0x206: {  	v34 =	vand.u32 $0xFFFFFF80, v33;
	[tilespmem:v32+s28+$0x0] =	vst.idx.msk $0xffff, v4  }
0x207: {  	v35 =	vadd.s32 v3, v34;
	v36 =	vor.u32 $0x880, v8;
	v7 =	vand.u32 $0x7F, v33;
	v5 =	vld.idx.msk [tilespmem:v5+s17+$0x0], $0xffff  }
0x208: {  	v4 =	vor.u32 v7, v35;
	_ =	sdelay $0x2  }
0x209: {  	v37 =	vadd.s32 $0xB, v1  }
0x20a: {  	v38 =	vand.u32 $0xFFFFFF80, v37;
	[tilespmem:v36+s28+$0x0] =	vst.idx.msk $0xffff, v5  }
0x20b: {  	v39 =	vadd.s32 v3, v38;
	v40 =	vor.u32 $0x900, v8;
	v7 =	vand.u32 $0x7F, v37;
	v4 =	vld.idx.msk [tilespmem:v4+s17+$0x0], $0xffff  }
0x20c: {  	v5 =	vor.u32 v7, v39;
	_ =	sdelay $0x2  }
0x20d: {  	v41 =	vadd.s32 $0xC, v1  }
0x20e: {  	v42 =	vand.u32 $0xFFFFFF80, v41;
	[tilespmem:v40+s28+$0x0] =	vst.idx.msk $0xffff, v4  }
0x20f: {  	v43 =	vadd.s32 v3, v42;
	v44 =	vor.u32 $0x980, v8;
	v7 =	vand.u32 $0x7F, v41;
	v5 =	vld.idx.msk [tilespmem:v5+s17+$0x0], $0xffff  }
0x210: {  	v4 =	vor.u32 v7, v43;
	_ =	sdelay $0x2  }
0x211: {  	v45 =	vadd.s32 $0xD, v1  }
0x212: {  	v46 =	vand.u32 $0xFFFFFF80, v45;
	[tilespmem:v44+s28+$0x0] =	vst.idx.msk $0xffff, v5  }
0x213: {  	v47 =	vadd.s32 v3, v46;
	v48 =	vor.u32 $0xA00, v8;
	v7 =	vand.u32 $0x7F, v45;
	v4 =	vld.idx.msk [tilespmem:v4+s17+$0x0], $0xffff  }
0x214: {  	v5 =	vor.u32 v7, v47;
	_ =	sdelay $0x2  }
0x215: {  	v49 =	vadd.s32 $0xE, v1  }
0x216: {  	v50 =	vand.u32 $0xFFFFFF80, v49;
	[tilespmem:v48+s28+$0x0] =	vst.idx.msk $0xffff, v4  }
0x217: {  	v51 =	vadd.s32 v3, v50;
	v52 =	vor.u32 $0xA80, v8;
	v7 =	vand.u32 $0x7F, v49;
	v5 =	vld.idx.msk [tilespmem:v5+s17+$0x0], $0xffff  }
0x218: {  	v4 =	vor.u32 v7, v51;
	_ =	sdelay $0x2  }
0x219: {  	v1 =	vadd.s32 $0xF, v1  }
0x21a: {  	v53 =	vand.u32 $0xFFFFFF80, v1;
	[tilespmem:v52+s28+$0x0] =	vst.idx.msk $0xffff, v5  }
0x21b: {  	v1 =	vand.u32 $0x7F, v1;
	v3 =	vadd.s32 v3, v53;
	v54 =	vor.u32 $0xB00, v8;
	v4 =	vld.idx.msk [tilespmem:v4+s17+$0x0], $0xffff  }
0x21c: {  	v1 =	vor.u32 v1, v3;
	_ =	sdelay $0x3  }
0x21d: {  	[tilespmem:v54+s28+$0x0] =	vst.idx.msk $0xffff, v4  }
0x21e: {  	v2 =	vor.u32 $0xB80, v2;
	v1 =	vld.idx.msk [tilespmem:v1+s17+$0x0], $0xffff;
	_ =	sdelay $0x4  }
0x21f: {  	[tilespmem:v2+s28+$0x0] =	vst.idx.msk $0xffff, v1  }
0x220: {  	[hbm4b:s6+s22] =	stream.strided.scatter [tilespmem:s28], [sflag:$0x2], $0x1000, s23, s22, $0x38;
	[tilespmem:$0x12C00] =	vst v63  }
0x221: {  	_ =	swait.ge [sflag:s24], $0x1000  }
0x222: {  	[sflag:s24] =	ssyncset.done $0x0  }
0x223: {  	[sflag:s24] =	ssyncadd.s32 $0xFFFFF000  }
0x224: {  	[tilespmem:s17], [sflag:$0x1] =	stream.indirect.gather [hbm4b:s3+s11], $0x80, s29, s11, $0xb8;
	[tilespmem:$0x12C00] =	vst v63  }
0x225: {  	_ = 	snop  }
0x226: {  	[tilespmem:s19], [sflag:$0x1] =	stream.indirect.gather [hbm4b:s3+s11], $0x80, s30, s11, $0xb8;
	[tilespmem:$0x12C00] =	vst v63  }
0x227: {  	_ =	swait.ge [sflag:s20], $0x4000  }
0x228: {  	[sflag:s20] =	ssyncset.done $0x0  }
0x229: {  	[sflag:s20] =	ssyncadd.s32 $0xFFFFC000  }
0x22a: {  	_ =	swait.ge [sflag:s20], $0x4000  }
0x22b: {  	s12 =	simm.s32 $0x0;
	[sflag:s20] =	ssyncset.done $0x0  }
0x22c: {  	s14 =	sand.u32 $0xF0, s12;
	[sflag:s20] =	ssyncadd.s32 $0xFFFFC000  }
0x22d: {  	v1 =	vld [tilespmem:s14+$0xA00];
	_ =	sdelay $0x3  }
0x22e: {  	v2 =	vor.u32 s12, v0  }
0x22f: {  	v3 =	vshll.u32 v2, $0x7;
	v55 =	vand.u32 $0xFFFFFF80, v1  }
0x230: {  	v56 =	vand.u32 $0x7F, v1;
	v4 =	vadd.s32 v3, v55  }
0x231: {  	v4 =	vor.u32 v56, v4;
	_ =	sdelay $0x1  }
0x232: {  	v57 =	vmov s12  }
0x233: {  	v5 =	vshll.u32 v57, $0x3;
	v58 =	vadd.s32 $0x1, v1  }
0x234: {  	v60 =	vand.u32 $0x400, v5;
	v2 =	vand.u32 $0x7F, v2;
	v59 =	vand.u32 $0xFFFFFF80, v58  }
0x235: {  	v8 =	vor.u32 v2, v60;
	v6 =	vand.u32 $0x7F, v58;
	v7 =	vadd.s32 v3, v59;
	v4 =	vld.idx.msk [tilespmem:v4+s13+$0x0], $0xffff  }
0x236: {  	v6 =	vor.u32 v6, v7;
	_ =	sdelay $0x2  }
0x237: {  	v61 =	vadd.s32 $0x2, v1  }
0x238: {  	v62 =	vand.u32 $0xFFFFFF80, v61;
	[tilespmem:v8+s21+$0x0] =	vst.idx.msk $0xffff, v4  }
0x239: {  	v12 =	vor.u32 $0x80, v8;
	v63 =	vadd.s32 v3, v62;
	v7 =	vand.u32 $0x7F, v61;
	v6 =	vld.idx.msk [tilespmem:v6+s13+$0x0], $0xffff  }
0x23a: {  	v4 =	vor.u32 v7, v63;
	_ =	sdelay $0x2  }
0x23b: {  	v13 =	vadd.s32 $0x3, v1  }
0x23c: {  	v14 =	vand.u32 $0xFFFFFF80, v13;
	[tilespmem:v12+s21+$0x0] =	vst.idx.msk $0xffff, v6  }
0x23d: {  	v16 =	vor.u32 $0x100, v8;
	v15 =	vadd.s32 v3, v14;
	v7 =	vand.u32 $0x7F, v13;
	v4 =	vld.idx.msk [tilespmem:v4+s13+$0x0], $0xffff  }
0x23e: {  	v6 =	vor.u32 v7, v15;
	_ =	sdelay $0x2  }
0x23f: {  	v17 =	vadd.s32 $0x4, v1  }
0x240: {  	v18 =	vand.u32 $0xFFFFFF80, v17;
	[tilespmem:v16+s21+$0x0] =	vst.idx.msk $0xffff, v4  }
0x241: {  	v20 =	vor.u32 $0x180, v8;
	v19 =	vadd.s32 v3, v18;
	v7 =	vand.u32 $0x7F, v17;
	v6 =	vld.idx.msk [tilespmem:v6+s13+$0x0], $0xffff  }
0x242: {  	v4 =	vor.u32 v7, v19;
	_ =	sdelay $0x2  }
0x243: {  	v21 =	vadd.s32 $0x5, v1  }
0x244: {  	v22 =	vand.u32 $0xFFFFFF80, v21;
	[tilespmem:v20+s21+$0x0] =	vst.idx.msk $0xffff, v6  }
0x245: {  	v24 =	vor.u32 $0x200, v8;
	v23 =	vadd.s32 v3, v22;
	v7 =	vand.u32 $0x7F, v21;
	v4 =	vld.idx.msk [tilespmem:v4+s13+$0x0], $0xffff  }
0x246: {  	v6 =	vor.u32 v7, v23;
	_ =	sdelay $0x2  }
0x247: {  	v25 =	vadd.s32 $0x6, v1  }
0x248: {  	v26 =	vand.u32 $0xFFFFFF80, v25;
	[tilespmem:v24+s21+$0x0] =	vst.idx.msk $0xffff, v4  }
0x249: {  	v28 =	vor.u32 $0x280, v8;
	v27 =	vadd.s32 v3, v26;
	v7 =	vand.u32 $0x7F, v25;
	v6 =	vld.idx.msk [tilespmem:v6+s13+$0x0], $0xffff  }
0x24a: {  	v4 =	vor.u32 v7, v27;
	_ =	sdelay $0x2  }
0x24b: {  	v29 =	vadd.s32 $0x7, v1  }
0x24c: {  	v30 =	vand.u32 $0xFFFFFF80, v29;
	[tilespmem:v28+s21+$0x0] =	vst.idx.msk $0xffff, v6  }
0x24d: {  	v32 =	vor.u32 $0x300, v8;
	v31 =	vadd.s32 v3, v30;
	v7 =	vand.u32 $0x7F, v29;
	v4 =	vld.idx.msk [tilespmem:v4+s13+$0x0], $0xffff  }
0x24e: {  	v6 =	vor.u32 v7, v31;
	_ =	sdelay $0x2  }
0x24f: {  	v33 =	vadd.s32 $0x8, v1  }
0x250: {  	v2 =	vor.u32 v5, v2;
	v34 =	vand.u32 $0xFFFFFF80, v33;
	[tilespmem:v32+s21+$0x0] =	vst.idx.msk $0xffff, v4  }
0x251: {  	v37 =	vor.u32 $0x380, v2;
	v35 =	vadd.s32 v3, v34;
	v7 =	vand.u32 $0x7F, v33;
	v36 =	vld.idx.msk [tilespmem:v6+s13+$0x0], $0xffff  }
0x252: {  	v4 =	vor.u32 v7, v35;
	_ =	sdelay $0x2  }
0x253: {  	v38 =	vadd.s32 $0x9, v1  }
0x254: {  	v39 =	vand.u32 $0xFFFFFF80, v38;
	[tilespmem:v37+s21+$0x0] =	vst.idx.msk $0xffff, v36  }
0x255: {  	v41 =	vor.u32 $0x800, v8;
	v40 =	vadd.s32 v3, v39;
	v7 =	vand.u32 $0x7F, v38;
	v4 =	vld.idx.msk [tilespmem:v4+s13+$0x0], $0xffff  }
0x256: {  	v5 =	vor.u32 v7, v40;
	_ =	sdelay $0x2  }
0x257: {  	v42 =	vadd.s32 $0xA, v1  }
0x258: {  	v43 =	vand.u32 $0xFFFFFF80, v42;
	[tilespmem:v41+s21+$0x0] =	vst.idx.msk $0xffff, v4  }
0x259: {  	v45 =	vor.u32 $0x880, v8;
	v44 =	vadd.s32 v3, v43;
	v7 =	vand.u32 $0x7F, v42;
	v5 =	vld.idx.msk [tilespmem:v5+s13+$0x0], $0xffff  }
0x25a: {  	v4 =	vor.u32 v7, v44;
	_ =	sdelay $0x2  }
0x25b: {  	v46 =	vadd.s32 $0xB, v1  }
0x25c: {  	v47 =	vand.u32 $0xFFFFFF80, v46;
	[tilespmem:v45+s21+$0x0] =	vst.idx.msk $0xffff, v5  }
0x25d: {  	v49 =	vor.u32 $0x900, v8;
	v48 =	vadd.s32 v3, v47;
	v7 =	vand.u32 $0x7F, v46;
	v4 =	vld.idx.msk [tilespmem:v4+s13+$0x0], $0xffff  }
0x25e: {  	v5 =	vor.u32 v7, v48;
	_ =	sdelay $0x2  }
0x25f: {  	v50 =	vadd.s32 $0xC, v1  }
0x260: {  	v51 =	vand.u32 $0xFFFFFF80, v50;
	[tilespmem:v49+s21+$0x0] =	vst.idx.msk $0xffff, v4  }
0x261: {  	v53 =	vor.u32 $0x980, v8;
	v52 =	vadd.s32 v3, v51;
	v7 =	vand.u32 $0x7F, v50;
	v5 =	vld.idx.msk [tilespmem:v5+s13+$0x0], $0xffff  }
0x262: {  	v4 =	vor.u32 v7, v52;
	_ =	sdelay $0x2  }
0x263: {  	v54 =	vadd.s32 $0xD, v1  }
0x264: {  	v55 =	vand.u32 $0xFFFFFF80, v54;
	[tilespmem:v53+s21+$0x0] =	vst.idx.msk $0xffff, v5  }
0x265: {  	v57 =	vor.u32 $0xA00, v8;
	v56 =	vadd.s32 v3, v55;
	v7 =	vand.u32 $0x7F, v54;
	v4 =	vld.idx.msk [tilespmem:v4+s13+$0x0], $0xffff  }
0x266: {  	v5 =	vor.u32 v7, v56;
	_ =	sdelay $0x2  }
0x267: {  	v58 =	vadd.s32 $0xE, v1  }
0x268: {  	v59 =	vand.u32 $0xFFFFFF80, v58;
	[tilespmem:v57+s21+$0x0] =	vst.idx.msk $0xffff, v4  }
0x269: {  	v60 =	vadd.s32 v3, v59;
	v61 =	vor.u32 $0xA80, v8;
	v7 =	vand.u32 $0x7F, v58;
	v5 =	vld.idx.msk [tilespmem:v5+s13+$0x0], $0xffff  }
0x26a: {  	v4 =	vor.u32 v7, v60;
	_ =	sdelay $0x2  }
0x26b: {  	v1 =	vadd.s32 $0xF, v1  }
0x26c: {  	v62 =	vand.u32 $0xFFFFFF80, v1;
	[tilespmem:v61+s21+$0x0] =	vst.idx.msk $0xffff, v5  }
0x26d: {  	v1 =	vand.u32 $0x7F, v1;
	v3 =	vadd.s32 v3, v62;
	v63 =	vor.u32 $0xB00, v8;
	v4 =	vld.idx.msk [tilespmem:v4+s13+$0x0], $0xffff  }
0x26e: {  	v1 =	vor.u32 v1, v3;
	_ =	sdelay $0x3  }
0x26f: {  	[tilespmem:v63+s21+$0x0] =	vst.idx.msk $0xffff, v4  }
0x270: {  	s0 =	simm.s32 $0x10;
	s1 =	simm.s32 $0x20;
	v2 =	vor.u32 $0xB80, v2;
	v1 =	vld.idx.msk [tilespmem:v1+s13+$0x0], $0xffff  }
.LBB2_6:
0x271: {  	_ = 	snop  }
0x272: {  	p0 =	sne.s32 s1, $0xF0  }
0x273: {  	s12 =	sand.u32 $0xF0, s0;
	s14 =	smov.u32 s1;
	s1 =	sadd.s32 $0x10, s1  }
0x274: {  	_ = 	snop  }
0x275: {  	[tilespmem:v2+s21+$0x0] =	vst.idx.msk $0xffff, v1  }
0x276: {  	v4 =	vld [tilespmem:s12+$0xA00];
	_ =	sdelay $0x1  }
0x277: {  	v1 =	vor.u32 s0, v0  }
0x278: {  	v2 =	vmov s0;
	s0 =	smov.u32 s14;
	v3 =	vand.u32 $0x7F, v1  }
0x279: {  	v8 =	vshll.u32 v1, $0x7  }
0x27a: {  	v1 =	vand.u32 $0xFFFFFF80, v4;
	v5 =	vadd.s32 $0x1, v4;
	v11 =	vadd.s32 $0x5, v4  }
0x27b: {  	v6 =	vand.u32 $0x7F, v4;
	v1 =	vadd.s32 v8, v1;
	v7 =	vand.u32 $0xFFFFFF80, v5  }
0x27c: {  	v12 =	vadd.s32 $0x3, v4;
	v1 =	vor.u32 v6, v1;
	v6 =	vadd.s32 $0x2, v4  }
0x27d: {  	v13 =	vadd.s32 $0x4, v4;
	v7 =	vadd.s32 v8, v7;
	v9 =	vand.u32 $0xFFFFFF80, v6  }
0x27e: {  	v14 =	vand.u32 $0xFFFFFF80, v13;
	v10 =	vadd.s32 v8, v9;
	v9 =	vand.u32 $0xFFFFFF80, v12  }
0x27f: {  	v2 =	vshll.u32 v2, $0x3;
	v15 =	vadd.s32 $0x6, v4;
	v16 =	vadd.s32 $0x7, v4  }
0x280: {  	v17 =	vand.u32 $0x400, v2;
	v18 =	vand.u32 $0xFFFFFF80, v11;
	v14 =	vadd.s32 v8, v14  }
0x281: {  	v5 =	vand.u32 $0x7F, v5;
	v19 =	vld.idx.msk [tilespmem:v1+s13+$0x0], $0xffff;
	v1 =	vor.u32 v3, v17;
	v17 =	vadd.s32 v8, v18  }
0x282: {  	v5 =	vor.u32 v5, v7;
	v7 =	vand.u32 $0xFFFFFF80, v15;
	v18 =	vadd.s32 $0x8, v4  }
0x283: {  	v21 =	vadd.s32 $0x9, v4;
	v20 =	vadd.s32 v8, v7;
	v7 =	vand.u32 $0xFFFFFF80, v18  }
0x284: {  	v24 =	vadd.s32 $0xA, v4;
	v22 =	vand.u32 $0xFFFFFF80, v16;
	v23 =	vadd.s32 v8, v7  }
0x285: {  	v22 =	vadd.s32 v8, v22;
	v25 =	vadd.s32 v8, v9;
	v9 =	vadd.s32 $0xB, v4  }
0x286: {  	v2 =	vor.u32 v2, v3;
	v3 =	vand.u32 $0xFFFFFF80, v21;
	v7 =	vadd.s32 $0xC, v4  }
0x287: {  	v26 =	vadd.s32 v8, v3;
	v3 =	vand.u32 $0xFFFFFF80, v24;
	[tilespmem:v1+s21+$0x0] =	vst.idx.msk $0xffff, v19;
	v19 =	vor.u32 $0x80, v1  }
0x288: {  	v28 =	vadd.s32 v8, v3;
	v27 =	vld.idx.msk [tilespmem:v5+s13+$0x0], $0xffff;
	v5 =	vand.u32 $0x7F, v6;
	v6 =	vadd.s32 $0xD, v4  }
0x289: {  	v3 =	vand.u32 $0xFFFFFF80, v9;
	v29 =	vor.u32 v5, v10;
	v5 =	vand.u32 $0xFFFFFF80, v7  }
0x28a: {  	v30 =	vadd.s32 v8, v3;
	v3 =	vadd.s32 $0xF, v4;
	v31 =	vadd.s32 v8, v5  }
0x28b: {  	v10 =	vand.u32 $0xFFFFFF80, v6;
	v5 =	vadd.s32 $0xE, v4;
	v4 =	vand.u32 $0xFFFFFF80, v3  }
0x28c: {  	v10 =	vadd.s32 v8, v10;
	v32 =	vand.u32 $0xFFFFFF80, v5;
	v4 =	vadd.s32 v8, v4  }
0x28d: {  	v8 =	vadd.s32 v8, v32  }
0x28e: {  	[tilespmem:v19+s21+$0x0] =	vst.idx.msk $0xffff, v27  }
0x28f: {  	v12 =	vand.u32 $0x7F, v12;
	v27 =	vor.u32 $0x100, v1;
	v19 =	vld.idx.msk [tilespmem:v29+s13+$0x0], $0xffff  }
0x290: {  	v12 =	vor.u32 v12, v25;
	_ =	sdelay $0x4  }
0x291: {  	[tilespmem:v27+s21+$0x0] =	vst.idx.msk $0xffff, v19  }
0x292: {  	v13 =	vand.u32 $0x7F, v13;
	v19 =	vor.u32 $0x180, v1;
	v12 =	vld.idx.msk [tilespmem:v12+s13+$0x0], $0xffff  }
0x293: {  	v13 =	vor.u32 v13, v14;
	_ =	sdelay $0x4  }
0x294: {  	[tilespmem:v19+s21+$0x0] =	vst.idx.msk $0xffff, v12  }
0x295: {  	v11 =	vand.u32 $0x7F, v11;
	v12 =	vld.idx.msk [tilespmem:v13+s13+$0x0], $0xffff;
	v13 =	vor.u32 $0x200, v1  }
0x296: {  	v11 =	vor.u32 v11, v17;
	_ =	sdelay $0x4  }
0x297: {  	[tilespmem:v13+s21+$0x0] =	vst.idx.msk $0xffff, v12  }
0x298: {  	v12 =	vor.u32 $0x280, v1;
	v13 =	vand.u32 $0x7F, v15;
	v11 =	vld.idx.msk [tilespmem:v11+s13+$0x0], $0xffff  }
0x299: {  	v13 =	vor.u32 v13, v20;
	_ =	sdelay $0x4  }
0x29a: {  	[tilespmem:v12+s21+$0x0] =	vst.idx.msk $0xffff, v11  }
0x29b: {  	v12 =	vor.u32 $0x300, v1;
	v11 =	vld.idx.msk [tilespmem:v13+s13+$0x0], $0xffff;
	v13 =	vand.u32 $0x7F, v16  }
0x29c: {  	v13 =	vor.u32 v13, v22;
	_ =	sdelay $0x4  }
0x29d: {  	[tilespmem:v12+s21+$0x0] =	vst.idx.msk $0xffff, v11  }
0x29e: {  	v12 =	vor.u32 $0x380, v2;
	v11 =	vld.idx.msk [tilespmem:v13+s13+$0x0], $0xffff;
	v13 =	vand.u32 $0x7F, v18  }
0x29f: {  	v13 =	vor.u32 v13, v23;
	_ =	sdelay $0x4  }
0x2a0: {  	[tilespmem:v12+s21+$0x0] =	vst.idx.msk $0xffff, v11  }
0x2a1: {  	v12 =	vor.u32 $0x800, v1;
	v11 =	vld.idx.msk [tilespmem:v13+s13+$0x0], $0xffff;
	v13 =	vand.u32 $0x7F, v21  }
0x2a2: {  	v13 =	vor.u32 v13, v26;
	_ =	sdelay $0x4  }
0x2a3: {  	[tilespmem:v12+s21+$0x0] =	vst.idx.msk $0xffff, v11  }
0x2a4: {  	v12 =	vor.u32 $0x880, v1;
	v11 =	vld.idx.msk [tilespmem:v13+s13+$0x0], $0xffff;
	v13 =	vand.u32 $0x7F, v24  }
0x2a5: {  	v13 =	vor.u32 v13, v28;
	_ =	sdelay $0x4  }
0x2a6: {  	[tilespmem:v12+s21+$0x0] =	vst.idx.msk $0xffff, v11  }
0x2a7: {  	v9 =	vand.u32 $0x7F, v9;
	v12 =	vor.u32 $0x900, v1;
	v11 =	vld.idx.msk [tilespmem:v13+s13+$0x0], $0xffff  }
0x2a8: {  	v9 =	vor.u32 v9, v30;
	_ =	sdelay $0x4  }
0x2a9: {  	[tilespmem:v12+s21+$0x0] =	vst.idx.msk $0xffff, v11  }
0x2aa: {  	v7 =	vand.u32 $0x7F, v7;
	v11 =	vor.u32 $0x980, v1;
	v9 =	vld.idx.msk [tilespmem:v9+s13+$0x0], $0xffff  }
0x2ab: {  	v7 =	vor.u32 v7, v31;
	_ =	sdelay $0x4  }
0x2ac: {  	[tilespmem:v11+s21+$0x0] =	vst.idx.msk $0xffff, v9  }
0x2ad: {  	v6 =	vand.u32 $0x7F, v6;
	v9 =	vor.u32 $0xA00, v1;
	v7 =	vld.idx.msk [tilespmem:v7+s13+$0x0], $0xffff  }
0x2ae: {  	v6 =	vor.u32 v6, v10;
	_ =	sdelay $0x4  }
0x2af: {  	[tilespmem:v9+s21+$0x0] =	vst.idx.msk $0xffff, v7  }
0x2b0: {  	v5 =	vand.u32 $0x7F, v5;
	v7 =	vor.u32 $0xA80, v1;
	v6 =	vld.idx.msk [tilespmem:v6+s13+$0x0], $0xffff  }
0x2b1: {  	v5 =	vor.u32 v5, v8;
	_ =	sdelay $0x4  }
0x2b2: {  	[tilespmem:v7+s21+$0x0] =	vst.idx.msk $0xffff, v6  }
0x2b3: {  	v3 =	vand.u32 $0x7F, v3;
	v1 =	vor.u32 $0xB00, v1;
	v5 =	vld.idx.msk [tilespmem:v5+s13+$0x0], $0xffff  }
0x2b4: {  	v3 =	vor.u32 v3, v4;
	_ =	sdelay $0x1  }
.Ltmp2:
0x2b5: {  	(pc) =	sbr.rel @p0 .LBB2_6-.Ltmp2, $3  }
0x2b6: {  	_ =	sdelay $0x1  }
0x2b7: {  	[tilespmem:v1+s21+$0x0] =	vst.idx.msk $0xffff, v5  }
0x2b8: {  	v2 =	vor.u32 $0xB80, v2;
	v1 =	vld.idx.msk [tilespmem:v3+s13+$0x0], $0xffff  }
0x2b9: {  	_ =	sdelay $0x3  }
0x2ba: {  	s1 =	sand.u32 $0xF0, s0;
	[tilespmem:v2+s21+$0x0] =	vst.idx.msk $0xffff, v1  }
0x2bb: {  	v1 =	vld [tilespmem:s1+$0xA00];
	_ =	sdelay $0x3  }
0x2bc: {  	v2 =	vor.u32 s0, v0  }
0x2bd: {  	v3 =	vshll.u32 v2, $0x7;
	v4 =	vand.u32 $0xFFFFFF80, v1  }
0x2be: {  	v5 =	vand.u32 $0x7F, v1;
	v4 =	vadd.s32 v3, v4  }
0x2bf: {  	v4 =	vor.u32 v5, v4;
	_ =	sdelay $0x1  }
0x2c0: {  	v53 =	vmov s0  }
0x2c1: {  	v6 =	vadd.s32 $0x1, v1;
	v5 =	vshll.u32 v53, $0x3  }
0x2c2: {  	v2 =	vand.u32 $0x7F, v2;
	v7 =	vand.u32 $0xFFFFFF80, v6;
	v8 =	vand.u32 $0x400, v5  }
0x2c3: {  	v6 =	vand.u32 $0x7F, v6;
	v7 =	vadd.s32 v3, v7;
	v8 =	vor.u32 v2, v8;
	v4 =	vld.idx.msk [tilespmem:v4+s13+$0x0], $0xffff  }
0x2c4: {  	v6 =	vor.u32 v6, v7;
	_ =	sdelay $0x2  }
0x2c5: {  	v54 =	vadd.s32 $0x2, v1  }
0x2c6: {  	v9 =	vand.u32 $0xFFFFFF80, v54;
	[tilespmem:v8+s21+$0x0] =	vst.idx.msk $0xffff, v4  }
0x2c7: {  	v55 =	vadd.s32 v3, v9;
	v7 =	vand.u32 $0x7F, v54;
	v56 =	vor.u32 $0x80, v8;
	v6 =	vld.idx.msk [tilespmem:v6+s13+$0x0], $0xffff  }
0x2c8: {  	v4 =	vor.u32 v7, v55;
	_ =	sdelay $0x2  }
0x2c9: {  	v57 =	vadd.s32 $0x3, v1  }
0x2ca: {  	v10 =	vand.u32 $0xFFFFFF80, v57;
	[tilespmem:v56+s21+$0x0] =	vst.idx.msk $0xffff, v6  }
0x2cb: {  	v58 =	vadd.s32 v3, v10;
	v59 =	vor.u32 $0x100, v8;
	v7 =	vand.u32 $0x7F, v57;
	v4 =	vld.idx.msk [tilespmem:v4+s13+$0x0], $0xffff  }
0x2cc: {  	v6 =	vor.u32 v7, v58;
	_ =	sdelay $0x2  }
0x2cd: {  	v60 =	vadd.s32 $0x4, v1  }
0x2ce: {  	v61 =	vand.u32 $0xFFFFFF80, v60;
	[tilespmem:v59+s21+$0x0] =	vst.idx.msk $0xffff, v4  }
0x2cf: {  	v62 =	vadd.s32 v3, v61;
	v63 =	vor.u32 $0x180, v8;
	v7 =	vand.u32 $0x7F, v60;
	v6 =	vld.idx.msk [tilespmem:v6+s13+$0x0], $0xffff  }
0x2d0: {  	v4 =	vor.u32 v7, v62;
	_ =	sdelay $0x2  }
0x2d1: {  	v12 =	vadd.s32 $0x5, v1  }
0x2d2: {  	v13 =	vand.u32 $0xFFFFFF80, v12;
	[tilespmem:v63+s21+$0x0] =	vst.idx.msk $0xffff, v6  }
0x2d3: {  	v14 =	vadd.s32 v3, v13;
	v15 =	vor.u32 $0x200, v8;
	v7 =	vand.u32 $0x7F, v12;
	v4 =	vld.idx.msk [tilespmem:v4+s13+$0x0], $0xffff  }
0x2d4: {  	v6 =	vor.u32 v7, v14;
	_ =	sdelay $0x2  }
0x2d5: {  	v16 =	vadd.s32 $0x6, v1  }
0x2d6: {  	v17 =	vand.u32 $0xFFFFFF80, v16;
	[tilespmem:v15+s21+$0x0] =	vst.idx.msk $0xffff, v4  }
0x2d7: {  	v18 =	vadd.s32 v3, v17;
	v19 =	vor.u32 $0x280, v8;
	v7 =	vand.u32 $0x7F, v16;
	v6 =	vld.idx.msk [tilespmem:v6+s13+$0x0], $0xffff  }
0x2d8: {  	v4 =	vor.u32 v7, v18;
	_ =	sdelay $0x2  }
0x2d9: {  	v20 =	vadd.s32 $0x7, v1  }
0x2da: {  	v21 =	vand.u32 $0xFFFFFF80, v20;
	[tilespmem:v19+s21+$0x0] =	vst.idx.msk $0xffff, v6  }
0x2db: {  	v22 =	vadd.s32 v3, v21;
	v23 =	vor.u32 $0x300, v8;
	v7 =	vand.u32 $0x7F, v20;
	v4 =	vld.idx.msk [tilespmem:v4+s13+$0x0], $0xffff  }
0x2dc: {  	v6 =	vor.u32 v7, v22;
	_ =	sdelay $0x2  }
0x2dd: {  	v24 =	vadd.s32 $0x8, v1  }
0x2de: {  	v25 =	vand.u32 $0xFFFFFF80, v24;
	v2 =	vor.u32 v5, v2;
	[tilespmem:v23+s21+$0x0] =	vst.idx.msk $0xffff, v4  }
0x2df: {  	v26 =	vadd.s32 v3, v25;
	v28 =	vor.u32 $0x380, v2;
	v7 =	vand.u32 $0x7F, v24;
	v27 =	vld.idx.msk [tilespmem:v6+s13+$0x0], $0xffff  }
0x2e0: {  	v4 =	vor.u32 v7, v26;
	_ =	sdelay $0x2  }
0x2e1: {  	v29 =	vadd.s32 $0x9, v1  }
0x2e2: {  	v30 =	vand.u32 $0xFFFFFF80, v29;
	[tilespmem:v28+s21+$0x0] =	vst.idx.msk $0xffff, v27  }
0x2e3: {  	v31 =	vadd.s32 v3, v30;
	v32 =	vor.u32 $0x800, v8;
	v7 =	vand.u32 $0x7F, v29;
	v4 =	vld.idx.msk [tilespmem:v4+s13+$0x0], $0xffff  }
0x2e4: {  	v5 =	vor.u32 v7, v31;
	_ =	sdelay $0x2  }
0x2e5: {  	v33 =	vadd.s32 $0xA, v1  }
0x2e6: {  	v34 =	vand.u32 $0xFFFFFF80, v33;
	[tilespmem:v32+s21+$0x0] =	vst.idx.msk $0xffff, v4  }
0x2e7: {  	v35 =	vadd.s32 v3, v34;
	v36 =	vor.u32 $0x880, v8;
	v7 =	vand.u32 $0x7F, v33;
	v5 =	vld.idx.msk [tilespmem:v5+s13+$0x0], $0xffff  }
0x2e8: {  	v4 =	vor.u32 v7, v35;
	_ =	sdelay $0x2  }
0x2e9: {  	v37 =	vadd.s32 $0xB, v1  }
0x2ea: {  	v38 =	vand.u32 $0xFFFFFF80, v37;
	[tilespmem:v36+s21+$0x0] =	vst.idx.msk $0xffff, v5  }
0x2eb: {  	v39 =	vadd.s32 v3, v38;
	v40 =	vor.u32 $0x900, v8;
	v7 =	vand.u32 $0x7F, v37;
	v4 =	vld.idx.msk [tilespmem:v4+s13+$0x0], $0xffff  }
0x2ec: {  	v5 =	vor.u32 v7, v39;
	_ =	sdelay $0x2  }
0x2ed: {  	v41 =	vadd.s32 $0xC, v1  }
0x2ee: {  	v42 =	vand.u32 $0xFFFFFF80, v41;
	[tilespmem:v40+s21+$0x0] =	vst.idx.msk $0xffff, v4  }
0x2ef: {  	v43 =	vadd.s32 v3, v42;
	v44 =	vor.u32 $0x980, v8;
	v7 =	vand.u32 $0x7F, v41;
	v5 =	vld.idx.msk [tilespmem:v5+s13+$0x0], $0xffff  }
0x2f0: {  	v4 =	vor.u32 v7, v43;
	_ =	sdelay $0x2  }
0x2f1: {  	v45 =	vadd.s32 $0xD, v1  }
0x2f2: {  	v46 =	vand.u32 $0xFFFFFF80, v45;
	[tilespmem:v44+s21+$0x0] =	vst.idx.msk $0xffff, v5  }
0x2f3: {  	v47 =	vadd.s32 v3, v46;
	v48 =	vor.u32 $0xA00, v8;
	v7 =	vand.u32 $0x7F, v45;
	v4 =	vld.idx.msk [tilespmem:v4+s13+$0x0], $0xffff  }
0x2f4: {  	v5 =	vor.u32 v7, v47;
	_ =	sdelay $0x2  }
0x2f5: {  	v49 =	vadd.s32 $0xE, v1  }
0x2f6: {  	v50 =	vand.u32 $0xFFFFFF80, v49;
	[tilespmem:v48+s21+$0x0] =	vst.idx.msk $0xffff, v4  }
0x2f7: {  	v51 =	vadd.s32 v3, v50;
	v52 =	vor.u32 $0xA80, v8;
	v7 =	vand.u32 $0x7F, v49;
	v5 =	vld.idx.msk [tilespmem:v5+s13+$0x0], $0xffff  }
0x2f8: {  	v4 =	vor.u32 v7, v51;
	_ =	sdelay $0x2  }
0x2f9: {  	v1 =	vadd.s32 $0xF, v1  }
0x2fa: {  	v53 =	vand.u32 $0xFFFFFF80, v1;
	[tilespmem:v52+s21+$0x0] =	vst.idx.msk $0xffff, v5  }
0x2fb: {  	v1 =	vand.u32 $0x7F, v1;
	v3 =	vadd.s32 v3, v53;
	v54 =	vor.u32 $0xB00, v8;
	v4 =	vld.idx.msk [tilespmem:v4+s13+$0x0], $0xffff  }
0x2fc: {  	v1 =	vor.u32 v1, v3;
	_ =	sdelay $0x3  }
0x2fd: {  	[tilespmem:v54+s21+$0x0] =	vst.idx.msk $0xffff, v4  }
0x2fe: {  	v2 =	vor.u32 $0xB80, v2;
	v1 =	vld.idx.msk [tilespmem:v1+s13+$0x0], $0xffff;
	_ =	sdelay $0x4  }
0x2ff: {  	[tilespmem:v2+s21+$0x0] =	vst.idx.msk $0xffff, v1  }
0x300: {  	[hbm4b:s7+s22] =	stream.strided.scatter [tilespmem:s21], [sflag:$0x2], $0x1000, s23, s22, $0x38;
	[tilespmem:$0x12C00] =	vst v63  }
0x301: {  	_ =	swait.ge [sflag:s20], $0x4000  }
0x302: {  	[sflag:s20] =	ssyncset.done $0x0  }
0x303: {  	[sflag:s20] =	ssyncadd.s32 $0xFFFFC000  }
0x304: {  	_ =	swait.ge [sflag:s20], $0x4000  }
0x305: {  	s12 =	simm.s32 $0x0;
	[sflag:s20] =	ssyncset.done $0x0  }
0x306: {  	s14 =	sand.u32 $0xF0, s12;
	[sflag:s20] =	ssyncadd.s32 $0xFFFFC000  }
0x307: {  	v1 =	vld [tilespmem:s14+$0xB00];
	_ =	sdelay $0x3  }
0x308: {  	v2 =	vor.u32 s12, v0  }
0x309: {  	v3 =	vshll.u32 v2, $0x7;
	v55 =	vand.u32 $0xFFFFFF80, v1  }
0x30a: {  	v56 =	vand.u32 $0x7F, v1;
	v4 =	vadd.s32 v3, v55  }
0x30b: {  	v4 =	vor.u32 v56, v4;
	_ =	sdelay $0x1  }
0x30c: {  	v57 =	vmov s12  }
0x30d: {  	v5 =	vshll.u32 v57, $0x3;
	v58 =	vadd.s32 $0x1, v1  }
0x30e: {  	v60 =	vand.u32 $0x400, v5;
	v2 =	vand.u32 $0x7F, v2;
	v59 =	vand.u32 $0xFFFFFF80, v58  }
0x30f: {  	v8 =	vor.u32 v2, v60;
	v6 =	vand.u32 $0x7F, v58;
	v7 =	vadd.s32 v3, v59;
	v4 =	vld.idx.msk [tilespmem:v4+s17+$0x0], $0xffff  }
0x310: {  	v6 =	vor.u32 v6, v7;
	_ =	sdelay $0x2  }
0x311: {  	v61 =	vadd.s32 $0x2, v1  }
0x312: {  	v62 =	vand.u32 $0xFFFFFF80, v61;
	[tilespmem:v8+s28+$0x0] =	vst.idx.msk $0xffff, v4  }
0x313: {  	v12 =	vor.u32 $0x80, v8;
	v63 =	vadd.s32 v3, v62;
	v7 =	vand.u32 $0x7F, v61;
	v6 =	vld.idx.msk [tilespmem:v6+s17+$0x0], $0xffff  }
0x314: {  	v4 =	vor.u32 v7, v63;
	_ =	sdelay $0x2  }
0x315: {  	v13 =	vadd.s32 $0x3, v1  }
0x316: {  	v14 =	vand.u32 $0xFFFFFF80, v13;
	[tilespmem:v12+s28+$0x0] =	vst.idx.msk $0xffff, v6  }
0x317: {  	v16 =	vor.u32 $0x100, v8;
	v15 =	vadd.s32 v3, v14;
	v7 =	vand.u32 $0x7F, v13;
	v4 =	vld.idx.msk [tilespmem:v4+s17+$0x0], $0xffff  }
0x318: {  	v6 =	vor.u32 v7, v15;
	_ =	sdelay $0x2  }
0x319: {  	v17 =	vadd.s32 $0x4, v1  }
0x31a: {  	v18 =	vand.u32 $0xFFFFFF80, v17;
	[tilespmem:v16+s28+$0x0] =	vst.idx.msk $0xffff, v4  }
0x31b: {  	v20 =	vor.u32 $0x180, v8;
	v19 =	vadd.s32 v3, v18;
	v7 =	vand.u32 $0x7F, v17;
	v6 =	vld.idx.msk [tilespmem:v6+s17+$0x0], $0xffff  }
0x31c: {  	v4 =	vor.u32 v7, v19;
	_ =	sdelay $0x2  }
0x31d: {  	v21 =	vadd.s32 $0x5, v1  }
0x31e: {  	v22 =	vand.u32 $0xFFFFFF80, v21;
	[tilespmem:v20+s28+$0x0] =	vst.idx.msk $0xffff, v6  }
0x31f: {  	v24 =	vor.u32 $0x200, v8;
	v23 =	vadd.s32 v3, v22;
	v7 =	vand.u32 $0x7F, v21;
	v4 =	vld.idx.msk [tilespmem:v4+s17+$0x0], $0xffff  }
0x320: {  	v6 =	vor.u32 v7, v23;
	_ =	sdelay $0x2  }
0x321: {  	v25 =	vadd.s32 $0x6, v1  }
0x322: {  	v26 =	vand.u32 $0xFFFFFF80, v25;
	[tilespmem:v24+s28+$0x0] =	vst.idx.msk $0xffff, v4  }
0x323: {  	v28 =	vor.u32 $0x280, v8;
	v27 =	vadd.s32 v3, v26;
	v7 =	vand.u32 $0x7F, v25;
	v6 =	vld.idx.msk [tilespmem:v6+s17+$0x0], $0xffff  }
0x324: {  	v4 =	vor.u32 v7, v27;
	_ =	sdelay $0x2  }
0x325: {  	v29 =	vadd.s32 $0x7, v1  }
0x326: {  	v30 =	vand.u32 $0xFFFFFF80, v29;
	[tilespmem:v28+s28+$0x0] =	vst.idx.msk $0xffff, v6  }
0x327: {  	v32 =	vor.u32 $0x300, v8;
	v31 =	vadd.s32 v3, v30;
	v7 =	vand.u32 $0x7F, v29;
	v4 =	vld.idx.msk [tilespmem:v4+s17+$0x0], $0xffff  }
0x328: {  	v6 =	vor.u32 v7, v31;
	_ =	sdelay $0x2  }
0x329: {  	v33 =	vadd.s32 $0x8, v1  }
0x32a: {  	v2 =	vor.u32 v5, v2;
	v34 =	vand.u32 $0xFFFFFF80, v33;
	[tilespmem:v32+s28+$0x0] =	vst.idx.msk $0xffff, v4  }
0x32b: {  	v37 =	vor.u32 $0x380, v2;
	v35 =	vadd.s32 v3, v34;
	v7 =	vand.u32 $0x7F, v33;
	v36 =	vld.idx.msk [tilespmem:v6+s17+$0x0], $0xffff  }
0x32c: {  	v4 =	vor.u32 v7, v35;
	_ =	sdelay $0x2  }
0x32d: {  	v38 =	vadd.s32 $0x9, v1  }
0x32e: {  	v39 =	vand.u32 $0xFFFFFF80, v38;
	[tilespmem:v37+s28+$0x0] =	vst.idx.msk $0xffff, v36  }
0x32f: {  	v41 =	vor.u32 $0x800, v8;
	v40 =	vadd.s32 v3, v39;
	v7 =	vand.u32 $0x7F, v38;
	v4 =	vld.idx.msk [tilespmem:v4+s17+$0x0], $0xffff  }
0x330: {  	v5 =	vor.u32 v7, v40;
	_ =	sdelay $0x2  }
0x331: {  	v42 =	vadd.s32 $0xA, v1  }
0x332: {  	v43 =	vand.u32 $0xFFFFFF80, v42;
	[tilespmem:v41+s28+$0x0] =	vst.idx.msk $0xffff, v4  }
0x333: {  	v45 =	vor.u32 $0x880, v8;
	v44 =	vadd.s32 v3, v43;
	v7 =	vand.u32 $0x7F, v42;
	v5 =	vld.idx.msk [tilespmem:v5+s17+$0x0], $0xffff  }
0x334: {  	v4 =	vor.u32 v7, v44;
	_ =	sdelay $0x2  }
0x335: {  	v46 =	vadd.s32 $0xB, v1  }
0x336: {  	v47 =	vand.u32 $0xFFFFFF80, v46;
	[tilespmem:v45+s28+$0x0] =	vst.idx.msk $0xffff, v5  }
0x337: {  	v49 =	vor.u32 $0x900, v8;
	v48 =	vadd.s32 v3, v47;
	v7 =	vand.u32 $0x7F, v46;
	v4 =	vld.idx.msk [tilespmem:v4+s17+$0x0], $0xffff  }
0x338: {  	v5 =	vor.u32 v7, v48;
	_ =	sdelay $0x2  }
0x339: {  	v50 =	vadd.s32 $0xC, v1  }
0x33a: {  	v51 =	vand.u32 $0xFFFFFF80, v50;
	[tilespmem:v49+s28+$0x0] =	vst.idx.msk $0xffff, v4  }
0x33b: {  	v53 =	vor.u32 $0x980, v8;
	v52 =	vadd.s32 v3, v51;
	v7 =	vand.u32 $0x7F, v50;
	v5 =	vld.idx.msk [tilespmem:v5+s17+$0x0], $0xffff  }
0x33c: {  	v4 =	vor.u32 v7, v52;
	_ =	sdelay $0x2  }
0x33d: {  	v54 =	vadd.s32 $0xD, v1  }
0x33e: {  	v55 =	vand.u32 $0xFFFFFF80, v54;
	[tilespmem:v53+s28+$0x0] =	vst.idx.msk $0xffff, v5  }
0x33f: {  	v57 =	vor.u32 $0xA00, v8;
	v56 =	vadd.s32 v3, v55;
	v7 =	vand.u32 $0x7F, v54;
	v4 =	vld.idx.msk [tilespmem:v4+s17+$0x0], $0xffff  }
0x340: {  	v5 =	vor.u32 v7, v56;
	_ =	sdelay $0x2  }
0x341: {  	v58 =	vadd.s32 $0xE, v1  }
0x342: {  	v59 =	vand.u32 $0xFFFFFF80, v58;
	[tilespmem:v57+s28+$0x0] =	vst.idx.msk $0xffff, v4  }
0x343: {  	v60 =	vadd.s32 v3, v59;
	v61 =	vor.u32 $0xA80, v8;
	v7 =	vand.u32 $0x7F, v58;
	v5 =	vld.idx.msk [tilespmem:v5+s17+$0x0], $0xffff  }
0x344: {  	v4 =	vor.u32 v7, v60;
	_ =	sdelay $0x2  }
0x345: {  	v1 =	vadd.s32 $0xF, v1  }
0x346: {  	v62 =	vand.u32 $0xFFFFFF80, v1;
	[tilespmem:v61+s28+$0x0] =	vst.idx.msk $0xffff, v5  }
0x347: {  	v1 =	vand.u32 $0x7F, v1;
	v3 =	vadd.s32 v3, v62;
	v63 =	vor.u32 $0xB00, v8;
	v4 =	vld.idx.msk [tilespmem:v4+s17+$0x0], $0xffff  }
0x348: {  	v1 =	vor.u32 v1, v3;
	_ =	sdelay $0x3  }
0x349: {  	[tilespmem:v63+s28+$0x0] =	vst.idx.msk $0xffff, v4  }
0x34a: {  	s0 =	simm.s32 $0x10;
	s1 =	simm.s32 $0x20;
	v2 =	vor.u32 $0xB80, v2;
	v1 =	vld.idx.msk [tilespmem:v1+s17+$0x0], $0xffff  }
.LBB2_8:
0x34b: {  	_ = 	snop  }
0x34c: {  	p0 =	sne.s32 s1, $0xF0  }
0x34d: {  	s12 =	sand.u32 $0xF0, s0;
	s14 =	smov.u32 s1;
	s1 =	sadd.s32 $0x10, s1  }
0x34e: {  	_ = 	snop  }
0x34f: {  	[tilespmem:v2+s28+$0x0] =	vst.idx.msk $0xffff, v1  }
0x350: {  	v4 =	vld [tilespmem:s12+$0xB00];
	_ =	sdelay $0x1  }
0x351: {  	v1 =	vor.u32 s0, v0  }
0x352: {  	v2 =	vmov s0;
	s0 =	smov.u32 s14;
	v3 =	vand.u32 $0x7F, v1  }
0x353: {  	v8 =	vshll.u32 v1, $0x7  }
0x354: {  	v1 =	vand.u32 $0xFFFFFF80, v4;
	v5 =	vadd.s32 $0x1, v4;
	v11 =	vadd.s32 $0x5, v4  }
0x355: {  	v6 =	vand.u32 $0x7F, v4;
	v1 =	vadd.s32 v8, v1;
	v7 =	vand.u32 $0xFFFFFF80, v5  }
0x356: {  	v12 =	vadd.s32 $0x3, v4;
	v1 =	vor.u32 v6, v1;
	v6 =	vadd.s32 $0x2, v4  }
0x357: {  	v13 =	vadd.s32 $0x4, v4;
	v7 =	vadd.s32 v8, v7;
	v9 =	vand.u32 $0xFFFFFF80, v6  }
0x358: {  	v14 =	vand.u32 $0xFFFFFF80, v13;
	v10 =	vadd.s32 v8, v9;
	v9 =	vand.u32 $0xFFFFFF80, v12  }
0x359: {  	v2 =	vshll.u32 v2, $0x3;
	v15 =	vadd.s32 $0x6, v4;
	v16 =	vadd.s32 $0x7, v4  }
0x35a: {  	v17 =	vand.u32 $0x400, v2;
	v18 =	vand.u32 $0xFFFFFF80, v11;
	v14 =	vadd.s32 v8, v14  }
0x35b: {  	v5 =	vand.u32 $0x7F, v5;
	v19 =	vld.idx.msk [tilespmem:v1+s17+$0x0], $0xffff;
	v1 =	vor.u32 v3, v17;
	v17 =	vadd.s32 v8, v18  }
0x35c: {  	v5 =	vor.u32 v5, v7;
	v7 =	vand.u32 $0xFFFFFF80, v15;
	v18 =	vadd.s32 $0x8, v4  }
0x35d: {  	v21 =	vadd.s32 $0x9, v4;
	v20 =	vadd.s32 v8, v7;
	v7 =	vand.u32 $0xFFFFFF80, v18  }
0x35e: {  	v24 =	vadd.s32 $0xA, v4;
	v22 =	vand.u32 $0xFFFFFF80, v16;
	v23 =	vadd.s32 v8, v7  }
0x35f: {  	v22 =	vadd.s32 v8, v22;
	v25 =	vadd.s32 v8, v9;
	v9 =	vadd.s32 $0xB, v4  }
0x360: {  	v2 =	vor.u32 v2, v3;
	v3 =	vand.u32 $0xFFFFFF80, v21;
	v7 =	vadd.s32 $0xC, v4  }
0x361: {  	v26 =	vadd.s32 v8, v3;
	v3 =	vand.u32 $0xFFFFFF80, v24;
	[tilespmem:v1+s28+$0x0] =	vst.idx.msk $0xffff, v19;
	v19 =	vor.u32 $0x80, v1  }
0x362: {  	v28 =	vadd.s32 v8, v3;
	v27 =	vld.idx.msk [tilespmem:v5+s17+$0x0], $0xffff;
	v5 =	vand.u32 $0x7F, v6;
	v6 =	vadd.s32 $0xD, v4  }
0x363: {  	v3 =	vand.u32 $0xFFFFFF80, v9;
	v29 =	vor.u32 v5, v10;
	v5 =	vand.u32 $0xFFFFFF80, v7  }
0x364: {  	v30 =	vadd.s32 v8, v3;
	v3 =	vadd.s32 $0xF, v4;
	v31 =	vadd.s32 v8, v5  }
0x365: {  	v10 =	vand.u32 $0xFFFFFF80, v6;
	v5 =	vadd.s32 $0xE, v4;
	v4 =	vand.u32 $0xFFFFFF80, v3  }
0x366: {  	v10 =	vadd.s32 v8, v10;
	v32 =	vand.u32 $0xFFFFFF80, v5;
	v4 =	vadd.s32 v8, v4  }
0x367: {  	v8 =	vadd.s32 v8, v32  }
0x368: {  	[tilespmem:v19+s28+$0x0] =	vst.idx.msk $0xffff, v27  }
0x369: {  	v12 =	vand.u32 $0x7F, v12;
	v27 =	vor.u32 $0x100, v1;
	v19 =	vld.idx.msk [tilespmem:v29+s17+$0x0], $0xffff  }
0x36a: {  	v12 =	vor.u32 v12, v25;
	_ =	sdelay $0x4  }
0x36b: {  	[tilespmem:v27+s28+$0x0] =	vst.idx.msk $0xffff, v19  }
0x36c: {  	v13 =	vand.u32 $0x7F, v13;
	v19 =	vor.u32 $0x180, v1;
	v12 =	vld.idx.msk [tilespmem:v12+s17+$0x0], $0xffff  }
0x36d: {  	v13 =	vor.u32 v13, v14;
	_ =	sdelay $0x4  }
0x36e: {  	[tilespmem:v19+s28+$0x0] =	vst.idx.msk $0xffff, v12  }
0x36f: {  	v11 =	vand.u32 $0x7F, v11;
	v12 =	vld.idx.msk [tilespmem:v13+s17+$0x0], $0xffff;
	v13 =	vor.u32 $0x200, v1  }
0x370: {  	v11 =	vor.u32 v11, v17;
	_ =	sdelay $0x4  }
0x371: {  	[tilespmem:v13+s28+$0x0] =	vst.idx.msk $0xffff, v12  }
0x372: {  	v12 =	vor.u32 $0x280, v1;
	v13 =	vand.u32 $0x7F, v15;
	v11 =	vld.idx.msk [tilespmem:v11+s17+$0x0], $0xffff  }
0x373: {  	v13 =	vor.u32 v13, v20;
	_ =	sdelay $0x4  }
0x374: {  	[tilespmem:v12+s28+$0x0] =	vst.idx.msk $0xffff, v11  }
0x375: {  	v12 =	vor.u32 $0x300, v1;
	v11 =	vld.idx.msk [tilespmem:v13+s17+$0x0], $0xffff;
	v13 =	vand.u32 $0x7F, v16  }
0x376: {  	v13 =	vor.u32 v13, v22;
	_ =	sdelay $0x4  }
0x377: {  	[tilespmem:v12+s28+$0x0] =	vst.idx.msk $0xffff, v11  }
0x378: {  	v12 =	vor.u32 $0x380, v2;
	v11 =	vld.idx.msk [tilespmem:v13+s17+$0x0], $0xffff;
	v13 =	vand.u32 $0x7F, v18  }
0x379: {  	v13 =	vor.u32 v13, v23;
	_ =	sdelay $0x4  }
0x37a: {  	[tilespmem:v12+s28+$0x0] =	vst.idx.msk $0xffff, v11  }
0x37b: {  	v12 =	vor.u32 $0x800, v1;
	v11 =	vld.idx.msk [tilespmem:v13+s17+$0x0], $0xffff;
	v13 =	vand.u32 $0x7F, v21  }
0x37c: {  	v13 =	vor.u32 v13, v26;
	_ =	sdelay $0x4  }
0x37d: {  	[tilespmem:v12+s28+$0x0] =	vst.idx.msk $0xffff, v11  }
0x37e: {  	v12 =	vor.u32 $0x880, v1;
	v11 =	vld.idx.msk [tilespmem:v13+s17+$0x0], $0xffff;
	v13 =	vand.u32 $0x7F, v24  }
0x37f: {  	v13 =	vor.u32 v13, v28;
	_ =	sdelay $0x4  }
0x380: {  	[tilespmem:v12+s28+$0x0] =	vst.idx.msk $0xffff, v11  }
0x381: {  	v9 =	vand.u32 $0x7F, v9;
	v12 =	vor.u32 $0x900, v1;
	v11 =	vld.idx.msk [tilespmem:v13+s17+$0x0], $0xffff  }
0x382: {  	v9 =	vor.u32 v9, v30;
	_ =	sdelay $0x4  }
0x383: {  	[tilespmem:v12+s28+$0x0] =	vst.idx.msk $0xffff, v11  }
0x384: {  	v7 =	vand.u32 $0x7F, v7;
	v11 =	vor.u32 $0x980, v1;
	v9 =	vld.idx.msk [tilespmem:v9+s17+$0x0], $0xffff  }
0x385: {  	v7 =	vor.u32 v7, v31;
	_ =	sdelay $0x4  }
0x386: {  	[tilespmem:v11+s28+$0x0] =	vst.idx.msk $0xffff, v9  }
0x387: {  	v6 =	vand.u32 $0x7F, v6;
	v9 =	vor.u32 $0xA00, v1;
	v7 =	vld.idx.msk [tilespmem:v7+s17+$0x0], $0xffff  }
0x388: {  	v6 =	vor.u32 v6, v10;
	_ =	sdelay $0x4  }
0x389: {  	[tilespmem:v9+s28+$0x0] =	vst.idx.msk $0xffff, v7  }
0x38a: {  	v5 =	vand.u32 $0x7F, v5;
	v7 =	vor.u32 $0xA80, v1;
	v6 =	vld.idx.msk [tilespmem:v6+s17+$0x0], $0xffff  }
0x38b: {  	v5 =	vor.u32 v5, v8;
	_ =	sdelay $0x4  }
0x38c: {  	[tilespmem:v7+s28+$0x0] =	vst.idx.msk $0xffff, v6  }
0x38d: {  	v3 =	vand.u32 $0x7F, v3;
	v1 =	vor.u32 $0xB00, v1;
	v5 =	vld.idx.msk [tilespmem:v5+s17+$0x0], $0xffff  }
0x38e: {  	v3 =	vor.u32 v3, v4;
	_ =	sdelay $0x1  }
.Ltmp3:
0x38f: {  	(pc) =	sbr.rel @p0 .LBB2_8-.Ltmp3, $3  }
0x390: {  	_ =	sdelay $0x1  }
0x391: {  	[tilespmem:v1+s28+$0x0] =	vst.idx.msk $0xffff, v5  }
0x392: {  	v2 =	vor.u32 $0xB80, v2;
	v1 =	vld.idx.msk [tilespmem:v3+s17+$0x0], $0xffff  }
0x393: {  	_ =	sdelay $0x3  }
0x394: {  	s1 =	sand.u32 $0xF0, s0;
	[tilespmem:v2+s28+$0x0] =	vst.idx.msk $0xffff, v1  }
0x395: {  	v1 =	vld [tilespmem:s1+$0xB00];
	_ =	sdelay $0x3  }
0x396: {  	v2 =	vor.u32 s0, v0  }
0x397: {  	v3 =	vshll.u32 v2, $0x7;
	v4 =	vand.u32 $0xFFFFFF80, v1  }
0x398: {  	v5 =	vand.u32 $0x7F, v1;
	v4 =	vadd.s32 v3, v4  }
0x399: {  	v4 =	vor.u32 v5, v4;
	_ =	sdelay $0x1  }
0x39a: {  	v62 =	vmov s0  }
0x39b: {  	v6 =	vadd.s32 $0x1, v1;
	v5 =	vshll.u32 v62, $0x3  }
0x39c: {  	v2 =	vand.u32 $0x7F, v2;
	v7 =	vand.u32 $0xFFFFFF80, v6;
	v8 =	vand.u32 $0x400, v5  }
0x39d: {  	v6 =	vand.u32 $0x7F, v6;
	v7 =	vadd.s32 v3, v7;
	v8 =	vor.u32 v2, v8;
	v4 =	vld.idx.msk [tilespmem:v4+s17+$0x0], $0xffff  }
0x39e: {  	v6 =	vor.u32 v6, v7;
	_ =	sdelay $0x2  }
0x39f: {  	v63 =	vadd.s32 $0x2, v1  }
0x3a0: {  	v9 =	vand.u32 $0xFFFFFF80, v63;
	[tilespmem:v8+s28+$0x0] =	vst.idx.msk $0xffff, v4  }
0x3a1: {  	v12 =	vadd.s32 v3, v9;
	v7 =	vand.u32 $0x7F, v63;
	v13 =	vor.u32 $0x80, v8;
	v6 =	vld.idx.msk [tilespmem:v6+s17+$0x0], $0xffff  }
0x3a2: {  	v4 =	vor.u32 v7, v12;
	_ =	sdelay $0x2  }
0x3a3: {  	v14 =	vadd.s32 $0x3, v1  }
0x3a4: {  	v10 =	vand.u32 $0xFFFFFF80, v14;
	[tilespmem:v13+s28+$0x0] =	vst.idx.msk $0xffff, v6  }
0x3a5: {  	v15 =	vadd.s32 v3, v10;
	v16 =	vor.u32 $0x100, v8;
	v7 =	vand.u32 $0x7F, v14;
	v4 =	vld.idx.msk [tilespmem:v4+s17+$0x0], $0xffff  }
0x3a6: {  	v6 =	vor.u32 v7, v15;
	_ =	sdelay $0x2  }
0x3a7: {  	v17 =	vadd.s32 $0x4, v1  }
0x3a8: {  	v18 =	vand.u32 $0xFFFFFF80, v17;
	[tilespmem:v16+s28+$0x0] =	vst.idx.msk $0xffff, v4  }
0x3a9: {  	v19 =	vadd.s32 v3, v18;
	v20 =	vor.u32 $0x180, v8;
	v7 =	vand.u32 $0x7F, v17;
	v6 =	vld.idx.msk [tilespmem:v6+s17+$0x0], $0xffff  }
0x3aa: {  	v4 =	vor.u32 v7, v19;
	_ =	sdelay $0x2  }
0x3ab: {  	v21 =	vadd.s32 $0x5, v1  }
0x3ac: {  	v22 =	vand.u32 $0xFFFFFF80, v21;
	[tilespmem:v20+s28+$0x0] =	vst.idx.msk $0xffff, v6  }
0x3ad: {  	v23 =	vadd.s32 v3, v22;
	v24 =	vor.u32 $0x200, v8;
	v7 =	vand.u32 $0x7F, v21;
	v4 =	vld.idx.msk [tilespmem:v4+s17+$0x0], $0xffff  }
0x3ae: {  	v6 =	vor.u32 v7, v23;
	_ =	sdelay $0x2  }
0x3af: {  	v25 =	vadd.s32 $0x6, v1  }
0x3b0: {  	v26 =	vand.u32 $0xFFFFFF80, v25;
	[tilespmem:v24+s28+$0x0] =	vst.idx.msk $0xffff, v4  }
0x3b1: {  	v27 =	vadd.s32 v3, v26;
	v28 =	vor.u32 $0x280, v8;
	v7 =	vand.u32 $0x7F, v25;
	v6 =	vld.idx.msk [tilespmem:v6+s17+$0x0], $0xffff  }
0x3b2: {  	v4 =	vor.u32 v7, v27;
	_ =	sdelay $0x2  }
0x3b3: {  	v29 =	vadd.s32 $0x7, v1  }
0x3b4: {  	v30 =	vand.u32 $0xFFFFFF80, v29;
	[tilespmem:v28+s28+$0x0] =	vst.idx.msk $0xffff, v6  }
0x3b5: {  	v31 =	vadd.s32 v3, v30;
	v32 =	vor.u32 $0x300, v8;
	v7 =	vand.u32 $0x7F, v29;
	v4 =	vld.idx.msk [tilespmem:v4+s17+$0x0], $0xffff  }
0x3b6: {  	v6 =	vor.u32 v7, v31;
	_ =	sdelay $0x2  }
0x3b7: {  	v33 =	vadd.s32 $0x8, v1  }
0x3b8: {  	v34 =	vand.u32 $0xFFFFFF80, v33;
	v2 =	vor.u32 v5, v2;
	[tilespmem:v32+s28+$0x0] =	vst.idx.msk $0xffff, v4  }
0x3b9: {  	v35 =	vadd.s32 v3, v34;
	v37 =	vor.u32 $0x380, v2;
	v7 =	vand.u32 $0x7F, v33;
	v36 =	vld.idx.msk [tilespmem:v6+s17+$0x0], $0xffff  }
0x3ba: {  	v4 =	vor.u32 v7, v35;
	_ =	sdelay $0x2  }
0x3bb: {  	v38 =	vadd.s32 $0x9, v1  }
0x3bc: {  	v39 =	vand.u32 $0xFFFFFF80, v38;
	[tilespmem:v37+s28+$0x0] =	vst.idx.msk $0xffff, v36  }
0x3bd: {  	v40 =	vadd.s32 v3, v39;
	v41 =	vor.u32 $0x800, v8;
	v7 =	vand.u32 $0x7F, v38;
	v4 =	vld.idx.msk [tilespmem:v4+s17+$0x0], $0xffff  }
0x3be: {  	v5 =	vor.u32 v7, v40;
	_ =	sdelay $0x2  }
0x3bf: {  	v42 =	vadd.s32 $0xA, v1  }
0x3c0: {  	v43 =	vand.u32 $0xFFFFFF80, v42;
	[tilespmem:v41+s28+$0x0] =	vst.idx.msk $0xffff, v4  }
0x3c1: {  	v44 =	vadd.s32 v3, v43;
	v45 =	vor.u32 $0x880, v8;
	v7 =	vand.u32 $0x7F, v42;
	v5 =	vld.idx.msk [tilespmem:v5+s17+$0x0], $0xffff  }
0x3c2: {  	v4 =	vor.u32 v7, v44;
	_ =	sdelay $0x2  }
0x3c3: {  	v46 =	vadd.s32 $0xB, v1  }
0x3c4: {  	v47 =	vand.u32 $0xFFFFFF80, v46;
	[tilespmem:v45+s28+$0x0] =	vst.idx.msk $0xffff, v5  }
0x3c5: {  	v48 =	vadd.s32 v3, v47;
	v49 =	vor.u32 $0x900, v8;
	v7 =	vand.u32 $0x7F, v46;
	v4 =	vld.idx.msk [tilespmem:v4+s17+$0x0], $0xffff  }
0x3c6: {  	v5 =	vor.u32 v7, v48;
	_ =	sdelay $0x2  }
0x3c7: {  	v50 =	vadd.s32 $0xC, v1  }
0x3c8: {  	v51 =	vand.u32 $0xFFFFFF80, v50;
	[tilespmem:v49+s28+$0x0] =	vst.idx.msk $0xffff, v4  }
0x3c9: {  	v52 =	vadd.s32 v3, v51;
	v53 =	vor.u32 $0x980, v8;
	v7 =	vand.u32 $0x7F, v50;
	v5 =	vld.idx.msk [tilespmem:v5+s17+$0x0], $0xffff  }
0x3ca: {  	v4 =	vor.u32 v7, v52;
	_ =	sdelay $0x2  }
0x3cb: {  	v54 =	vadd.s32 $0xD, v1  }
0x3cc: {  	v55 =	vand.u32 $0xFFFFFF80, v54;
	[tilespmem:v53+s28+$0x0] =	vst.idx.msk $0xffff, v5  }
0x3cd: {  	v56 =	vadd.s32 v3, v55;
	v57 =	vor.u32 $0xA00, v8;
	v7 =	vand.u32 $0x7F, v54;
	v4 =	vld.idx.msk [tilespmem:v4+s17+$0x0], $0xffff  }
0x3ce: {  	v5 =	vor.u32 v7, v56;
	_ =	sdelay $0x2  }
0x3cf: {  	v58 =	vadd.s32 $0xE, v1  }
0x3d0: {  	v59 =	vand.u32 $0xFFFFFF80, v58;
	[tilespmem:v57+s28+$0x0] =	vst.idx.msk $0xffff, v4  }
0x3d1: {  	v60 =	vadd.s32 v3, v59;
	v61 =	vor.u32 $0xA80, v8;
	v7 =	vand.u32 $0x7F, v58;
	v5 =	vld.idx.msk [tilespmem:v5+s17+$0x0], $0xffff  }
0x3d2: {  	v4 =	vor.u32 v7, v60;
	_ =	sdelay $0x2  }
0x3d3: {  	v1 =	vadd.s32 $0xF, v1  }
0x3d4: {  	v62 =	vand.u32 $0xFFFFFF80, v1;
	[tilespmem:v61+s28+$0x0] =	vst.idx.msk $0xffff, v5  }
0x3d5: {  	v1 =	vand.u32 $0x7F, v1;
	v3 =	vadd.s32 v3, v62;
	v63 =	vor.u32 $0xB00, v8;
	v4 =	vld.idx.msk [tilespmem:v4+s17+$0x0], $0xffff  }
0x3d6: {  	v1 =	vor.u32 v1, v3;
	_ =	sdelay $0x3  }
0x3d7: {  	[tilespmem:v63+s28+$0x0] =	vst.idx.msk $0xffff, v4  }
0x3d8: {  	v2 =	vor.u32 $0xB80, v2;
	v1 =	vld.idx.msk [tilespmem:v1+s17+$0x0], $0xffff;
	_ =	sdelay $0x4  }
0x3d9: {  	s31 =	sadd.s32 $0x1, s31;
	[tilespmem:v2+s28+$0x0] =	vst.idx.msk $0xffff, v1  }
0x3da: {  	[hbm4b:s8+s22] =	stream.strided.scatter [tilespmem:s28], [sflag:$0x2], $0x1000, s23, s22, $0x38;
	[tilespmem:$0x12C00] =	vst v63  }
0x3db: {  	p0 =	sne.s32 s31, s9;
	_ =	swait.ge [sflag:s24], $0x1000  }
.Ltmp4:
0x3dc: {  	[sflag:s24] =	ssyncset.done $0x0;
	(pc) =	sbr.rel @p0 .LBB2_1-.Ltmp4, $4  }
0x3dd: {  	[sflag:s24] =	ssyncadd.s32 $0xFFFFF000  }
0x3de: {  	_ =	swait.ge [sflag:s24], $0x1000  }
0x3df: {  	[sflag:s24] =	ssyncset.done $0x0  }
0x3e0: {  	[sflag:s24] =	ssyncadd.s32 $0xFFFFF000  }
0x3e1: {  	_ =	sfence.sel $0x180000  }
0x3e2: {  	[bflag:$0x0] =	sbarrier.arrive $0xFFFF  }
0x3e3: {  	_ =	strace $0x90000047  }
0x3e4: {  	s0 =	stileid.u32;
	[bflag:$0x2] =	sbarrier.arrive $0xFFFF  }
0x3e5: {  	p0 =	sne.s32 s0, $0x0;
	s0 =	rddreg [dreg:$0x2]  }
0x3e6: {  	s0 =	sadd.s32 @!p0 $0x100000, s0  }
0x3e7: {  	[sflag:s0] =	ssyncadd.tile.s32 @!p0 $0x1;
	_ =	shalt  }
.Lfunc_end2:
_tile_overlayer_lowered:
.L_overlay_start_2:
0x3e8: {  	(tag) =	ssettag $0x2  }
0x3e9: {  	s0 =	rddreg [dreg:$0x0];
	s2 =	stileid.u32  }
0x3ea: {  	s1 =	rddreg [dreg:$0x1];
	p0 =	sne.s32 s2, $0x0  }
0x3eb: {  	s3 =	rddreg [dreg:$0x2];
	[bflag:$0x3] =	sbarrier.arrive $0xFFFF;
	s2 =	simm.s32 @!p0 $0x1C03  }
0x3ec: {  	[timem:s3], [sflag:s2] =	dma.local @!p0 [hbm:s0], s1  }
0x3ed: {  	s0 =	simm.s32 @!p0 $0x3  }
0x3ee: {  	_ =	swait.ge @!p0 [sflag:s0], s1  }
0x3ef: {  	s1 =	ssub.s32 @!p0 $0x0, s1;
	[sflag:s0] =	ssyncset.done @!p0 $0x0  }
0x3f0: {  	[sflag:s0] =	ssyncadd.s32 @!p0 s1  }
0x3f1: {  	[bflag:$0x3] =	sbarrier.arrive $0xFFFF  }
0x3f2: {  	_ =	shalt  }

</sc_bundles>
